<compile_context>
chip_gen: v7x
topology: tpu7x:2x2x1
jax: 0.10.2.dev20260603
libtpu: 0.0.44.dev20260713+nightly
codegen_flags: <defaults>
</compile_context>

<pallas_src>
import functools
import numpy as np
import jax
import jax.numpy as jnp
from jax import lax
from jax.experimental import pallas as pl
from jax.experimental.pallas import tpu as pltpu
from jax.experimental.pallas import tpu_sc as plsc

N = 10000
NP = 10240
W = 32
E = 160000
NW = 32
EPW = 5120
EP = EPW * NW
CH = 128
NCHUNK = EPW // CH
RPT = NP // 16

RB_A = 1024
NB_A = NP // RB_A
RB_B = 512
NB_B = NP // RB_B
NC = NP // 128

_f32 = jnp.float32
_i32 = jnp.int32


def _sc_scatter_add(y_hbm, src_hbm, dst_hbm, zeros_hbm, out0, out1,
                    src_v, dst_v, buf0, buf1, acc, sem0, sem1):
    cid = lax.axis_index("c")
    sid = lax.axis_index("s")
    wid = sid * 2 + cid

    pltpu.sync_copy(zeros_hbm.at[pl.ds(sid * RPT, RPT)],
                    acc.at[pl.ds(sid * RPT, RPT)])
    plsc.subcore_barrier()

    cb = wid * NCHUNK
    pltpu.sync_copy(src_hbm.at[pl.ds(cb, NCHUNK)], src_v)
    pltpu.sync_copy(dst_hbm.at[pl.ds(cb, NCHUNK)], dst_v)

    def gather(j, buf, sem):
        return pltpu.make_async_copy(y_hbm.at[src_v.at[j]], buf, sem)

    gather(0, buf0, sem0).start()

    def step(jj, carry):
        j0 = 2 * jj
        gather(j0 + 1, buf1, sem1).start()
        gather(j0, buf0, sem0).wait()
        pltpu.sync_copy(buf0, acc.at[dst_v.at[j0]], add=True)

        @pl.when(jj < NCHUNK // 2 - 1)
        def _():
            gather(j0 + 2, buf0, sem0).start()

        gather(j0 + 1, buf1, sem1).wait()
        pltpu.sync_copy(buf1, acc.at[dst_v.at[j0 + 1]], add=True)
        return carry

    lax.fori_loop(0, NCHUNK // 2, step, 0, unroll=False)
    plsc.subcore_barrier()

    @pl.when(cid == 0)
    def _():
        pltpu.sync_copy(acc.at[pl.ds(sid * RPT, RPT)],
                        out0.at[pl.ds(sid * RPT, RPT)])

    @pl.when(cid == 1)
    def _():
        pltpu.sync_copy(acc.at[pl.ds(sid * RPT, RPT)],
                        out1.at[pl.ds(sid * RPT, RPT)])


def _sc_degree(ones_hbm, dst_hbm, zeros_hbm, out0, out1, dst_v, ones_v, acc,
               sem0):
    cid = lax.axis_index("c")
    sid = lax.axis_index("s")
    wid = sid * 2 + cid

    pltpu.sync_copy(zeros_hbm.at[pl.ds(sid * RPT, RPT)],
                    acc.at[pl.ds(sid * RPT, RPT)])
    pltpu.sync_copy(ones_hbm.at[pl.ds(0, CH)], ones_v)
    plsc.subcore_barrier()

    cb = wid * NCHUNK
    pltpu.sync_copy(dst_hbm.at[pl.ds(cb, NCHUNK)], dst_v)

    def step(j, carry):
        pltpu.sync_copy(ones_v, acc.at[dst_v.at[j]], add=True)
        return carry

    lax.fori_loop(0, NCHUNK, step, 0, unroll=False)
    plsc.subcore_barrier()

    @pl.when(cid == 0)
    def _():
        pltpu.sync_copy(acc.at[pl.ds(sid * RPT, RPT)],
                        out0.at[pl.ds(sid * RPT, RPT)])

    @pl.when(cid == 1)
    def _():
        pltpu.sync_copy(acc.at[pl.ds(sid * RPT, RPT)],
                        out1.at[pl.ds(sid * RPT, RPT)])
    del sem0


_SC_MESH = dict(core_axis_name="c", subcore_axis_name="s",
                num_cores=2, num_subcores=16)


def _make_sc_call():
    mesh = plsc.VectorSubcoreMesh(**_SC_MESH)
    return pl.kernel(
        _sc_scatter_add,
        out_type=[jax.ShapeDtypeStruct((NP, W), _f32),
                  jax.ShapeDtypeStruct((NP, W), _f32)],
        mesh=mesh,
        compiler_params=pltpu.CompilerParams(use_tc_tiling_on_sc=False),
        scratch_types=[
            pltpu.VMEM((NCHUNK, CH), _i32),
            pltpu.VMEM((NCHUNK, CH), _i32),
            pltpu.VMEM((CH, W), _f32),
            pltpu.VMEM((CH, W), _f32),
            pltpu.VMEM_SHARED((NP, W), _f32),
            pltpu.SemaphoreType.DMA,
            pltpu.SemaphoreType.DMA,
        ],
    )


def _make_sc_degree_call():
    mesh = plsc.VectorSubcoreMesh(**_SC_MESH)
    return pl.kernel(
        _sc_degree,
        out_type=[jax.ShapeDtypeStruct((NP, W), _f32),
                  jax.ShapeDtypeStruct((NP, W), _f32)],
        mesh=mesh,
        compiler_params=pltpu.CompilerParams(use_tc_tiling_on_sc=False),
        scratch_types=[
            pltpu.VMEM((NCHUNK, CH), _i32),
            pltpu.VMEM((CH, W), _f32),
            pltpu.VMEM_SHARED((NP, W), _f32),
            pltpu.SemaphoreType.DMA,
        ],
    )


def _k0_body(x_ref, w_ref, d0_ref, d1_ref, y_ref):
    deg = d0_ref[:, 0:1] + d1_ref[:, 0:1] + 1.0
    dinv = lax.rsqrt(deg)
    hw = jnp.dot(x_ref[...], w_ref[...], preferred_element_type=_f32)
    y_ref[...] = hw * dinv


def _ka_body(p0_ref, p1_ref, y_ref, d0_ref, d1_ref, bconv_ref,
             w1_ref, b1_ref, w2_ref, b2_ref, w3_ref, b3_ref,
             q_ref, k_ref, v_ref):
    i = pl.program_id(0)
    deg = d0_ref[:, 0:1] + d1_ref[:, 0:1] + 1.0
    dinv = lax.rsqrt(deg)
    h = jnp.tanh(dinv * (p0_ref[...] + p1_ref[...] + y_ref[...])
                 + bconv_ref[...])
    row = i * RB_A + lax.broadcasted_iota(_i32, (RB_A, 1), 0)
    rowmask = (row < N).astype(_f32)
    for j, out in ((0, q_ref), (1, k_ref), (2, v_ref)):
        a = jnp.maximum(jnp.dot(h, w1_ref[j], preferred_element_type=_f32)
                        + b1_ref[j], 0.0)
        a = jnp.maximum(jnp.dot(a, w2_ref[j], preferred_element_type=_f32)
                        + b2_ref[j], 0.0)
        a = jnp.maximum(jnp.dot(a, w3_ref[j], preferred_element_type=_f32)
                        + b3_ref[j], 0.0)
        a = a * rowmask
        if out is q_ref:
            out[...] = a
        else:
            for r in range(RB_A // 128):
                out[r] = a[r * 128:(r + 1) * 128]


_SCALE = 1.0 / np.sqrt(32.0)


def _attn_core(i, lo_ref, hi_ref, q_ref, k_ref, v_ref, partr_ref, docc_ref):
    qs = q_ref[...] * _SCALE
    partr = partr_ref[...]
    lo = lo_ref[i]
    hi = hi_ref[i]

    def scores(cb):
        s = lax.dot_general(qs, k_ref[cb], (((1,), (1,)), ((), ())),
                            preferred_element_type=_f32)
        return jnp.where(partr == docc_ref[cb], s, -1e30)

    UNR = 4

    def body(t, carry):
        m, d, acc = carry
        cbs = [jnp.minimum(lo + UNR * t + u, NC - 1) for u in range(UNR)]
        ss = [scores(c) for c in cbs]
        m_new = m
        for s in ss:
            m_new = jnp.maximum(m_new, jnp.max(s, axis=1, keepdims=True))
        ps = [jnp.exp(s - m_new) for s in ss]
        corr = jnp.exp(m - m_new)
        pv = ps[0] @ v_ref[cbs[0]]
        dd = jnp.sum(ps[0], axis=1, keepdims=True)
        for u in range(1, UNR):
            pv = pv + jnp.dot(ps[u], v_ref[cbs[u]],
                              preferred_element_type=_f32)
            dd = dd + jnp.sum(ps[u], axis=1, keepdims=True)
        return (m_new, d * corr + dd, acc * corr + pv)

    init = (jnp.full((RB_B, 1), -1e30, _f32), jnp.zeros((RB_B, 1), _f32),
            jnp.zeros((RB_B, W), _f32))
    m, d, acc = lax.fori_loop(0, (hi - lo + UNR - 1) // UNR, body, init)

    fb = m <= -1e29
    need_fb = jnp.any(fb)

    def mv_true(_):
        def mb(j, s):
            return s + jnp.sum(v_ref[j], axis=0, keepdims=True)
        return lax.fori_loop(0, NC, mb, jnp.zeros((1, W), _f32)) * (1.0 / N)

    mean_v = lax.cond(need_fb, mv_true,
                      lambda _: jnp.zeros((1, W), _f32), None)
    safe_d = jnp.where(fb, 1.0, d)
    return jnp.where(fb, mean_v, acc / safe_d)


def _attn_strips(i, lo_ref, hi_ref, q_ref, k_ref, v_ref, partr_ref,
                 docc_ref):
    out = _attn_core(i, lo_ref, hi_ref, q_ref, k_ref, v_ref, partr_ref,
                     docc_ref)
    return [out[r * 128:(r + 1) * 128] for r in range(RB_B // 128)]


def _kb_mid_body(lo_ref, hi_ref, q_ref, k_ref, v_ref, partr_ref, docc_ref,
                 d0_ref, d1_ref, wn_ref, y_ref):
    i = pl.program_id(0)
    outs = _attn_strips(i, lo_ref, hi_ref, q_ref, k_ref, v_ref, partr_ref,
                        docc_ref)
    for r, out in enumerate(outs):
        sl = slice(r * 128, (r + 1) * 128)
        deg = d0_ref[sl, 0:1] + d1_ref[sl, 0:1] + 1.0
        dinv = lax.rsqrt(deg)
        y_ref[sl] = dinv * jnp.dot(out, wn_ref[...],
                                   preferred_element_type=_f32)


def _kb_fin_body(lo_ref, hi_ref, q_ref, k_ref, v_ref, partr_ref, docc_ref,
                 batchr_ref, f1w_ref, f1b_ref, f2w_ref, f2b_ref,
                 f3w_ref, f3b_ref, out_ref, acc_ref):
    i = pl.program_id(0)
    outs = _attn_strips(i, lo_ref, hi_ref, q_ref, k_ref, v_ref, partr_ref,
                        docc_ref)
    g_iota = lax.broadcasted_iota(_i32, (128, 128), 1).astype(_f32)
    sums = jnp.zeros((1, 128), _f32)
    cnts = jnp.zeros((1, 128), _f32)
    for r, h in enumerate(outs):
        sl = slice(r * 128, (r + 1) * 128)
        t = jnp.tanh(jnp.dot(h, f1w_ref[...], preferred_element_type=_f32)
                     + f1b_ref[...])
        t = jnp.tanh(jnp.dot(t, f2w_ref[...], preferred_element_type=_f32)
                     + f2b_ref[...])
        t = (jnp.dot(t, f3w_ref[...], preferred_element_type=_f32)
             + f3b_ref[...])
        oh = (batchr_ref[sl] == g_iota).astype(_f32)
        sums = sums + lax.dot_general(t, oh, (((0,), (0,)), ((), ())),
                                      preferred_element_type=_f32)
        cnts = cnts + jnp.sum(oh, axis=0, keepdims=True)

    @pl.when(i == 0)
    def _():
        acc_ref[0:1, :] = sums
        acc_ref[1:2, :] = cnts

    @pl.when(i > 0)
    def _():
        acc_ref[0:1, :] = acc_ref[0:1, :] + sums
        acc_ref[1:2, :] = acc_ref[1:2, :] + cnts

    @pl.when(i == NB_B - 1)
    def _():
        s = acc_ref[0:1, :]
        c = acc_ref[1:2, :]
        out_ref[...] = jax.nn.sigmoid(s / jnp.maximum(c, 1.0))


def _rb(rows, cols):
    return pl.BlockSpec((rows, cols), lambda i: (i, 0))


def _whole(shape):
    return pl.BlockSpec(shape, lambda i: tuple(0 for _ in shape))


def _smem():
    return pl.BlockSpec(memory_space=pltpu.SMEM)


_CP = pltpu.CompilerParams(dimension_semantics=("arbitrary",))


def kernel(x, edge_index, batch, document_id, unique, params):
    p = params
    xp = jnp.concatenate([x, jnp.zeros((NP - N, 128), _f32)], axis=0)

    src = edge_index[0]
    dst = edge_index[1]
    padv = jnp.full((EP - E,), N, _i32)
    src2d = jnp.concatenate([src, padv]).reshape(EP // CH, CH)
    dst2d = jnp.concatenate([dst, padv]).reshape(EP // CH, CH)

    zeros_h = jnp.zeros((NP, W), _f32)
    ones_h = jnp.ones((CH, W), _f32)

    docp = jnp.concatenate([document_id,
                            jnp.full((NP - N,), 1 << 20, _i32)])
    docf = docp.astype(_f32)
    partR = jnp.broadcast_to((docp ^ 1).astype(_f32)[:, None], (NP, 128))
    docC = docf.reshape(NC, 1, 128)

    batchp = jnp.concatenate([batch, jnp.full((NP - N,), 100, _i32)])
    batchR = jnp.broadcast_to(batchp.astype(_f32)[:, None], (NP, 128))

    pairp = docp // 2
    pr = pairp[:N]
    fp = pairp.reshape(NB_B, RB_B)[:, 0]
    lp = pairp.reshape(NB_B, RB_B)[:, -1]
    cs = jnp.sum(pr[None, :] < fp[:, None], axis=1).astype(_i32)
    ce = jnp.sum(pr[None, :] <= lp[:, None], axis=1).astype(_i32)
    lo = cs // 128
    hi = (ce + 127) // 128

    def stack(suffix, field):
        return jnp.stack([p["q" + suffix][field], p["k" + suffix][field],
                          p["v" + suffix][field]])

    w1 = stack("1", "w"); b1 = stack("1", "b").reshape(3, 1, 64)
    w2 = stack("2", "w"); b2 = stack("2", "b").reshape(3, 1, 32)
    w3 = stack("3", "w"); b3 = stack("3", "b").reshape(3, 1, 32)

    sc_call = _make_sc_call()

    d0, d1 = _make_sc_degree_call()(ones_h, dst2d, zeros_h)

    y = pl.pallas_call(
        _k0_body,
        grid=(NB_A,),
        in_specs=[_rb(RB_A, 128), _whole((128, 32)),
                  _rb(RB_A, W), _rb(RB_A, W)],
        out_specs=_rb(RB_A, W),
        out_shape=jax.ShapeDtypeStruct((NP, W), _f32),
        compiler_params=_CP,
    )(xp, p["conv_in"]["w"], d0, d1)

    conv_layers = [("conv_in", "conv2"), ("conv2", "conv_out"),
                   ("conv_out", None)]

    for li, (cur, nxt) in enumerate(conv_layers):
        p0, p1 = sc_call(y, src2d, dst2d, zeros_h)

        q2, k3, v3 = pl.pallas_call(
            _ka_body,
            grid=(NB_A,),
            in_specs=[_rb(RB_A, W), _rb(RB_A, W), _rb(RB_A, W),
                      _rb(RB_A, W), _rb(RB_A, W),
                      _whole((1, 32)),
                      _whole((3, 32, 64)), _whole((3, 1, 64)),
                      _whole((3, 64, 32)), _whole((3, 1, 32)),
                      _whole((3, 32, 32)), _whole((3, 1, 32))],
            out_specs=[_rb(RB_A, W),
                       pl.BlockSpec((RB_A // 128, 128, W),
                                    lambda i: (i, 0, 0)),
                       pl.BlockSpec((RB_A // 128, 128, W),
                                    lambda i: (i, 0, 0))],
            out_shape=[jax.ShapeDtypeStruct((NP, W), _f32),
                       jax.ShapeDtypeStruct((NC, 128, W), _f32),
                       jax.ShapeDtypeStruct((NC, 128, W), _f32)],
            compiler_params=_CP,
        )(p0, p1, y, d0, d1, p[cur]["b"].reshape(1, 32),
          w1, b1, w2, b2, w3, b3)

        if nxt is not None:
            y = pl.pallas_call(
                _kb_mid_body,
                grid=(NB_B,),
                in_specs=[_smem(), _smem(),
                          _rb(RB_B, W), _whole((NC, 128, W)),
                          _whole((NC, 128, W)), _rb(RB_B, 128),
                          _whole((NC, 1, 128)),
                          _rb(RB_B, W), _rb(RB_B, W),
                          _whole((32, 32))],
                out_specs=_rb(RB_B, W),
                out_shape=jax.ShapeDtypeStruct((NP, W), _f32),
                compiler_params=_CP,
            )(lo, hi, q2, k3, v3, partR, docC, d0, d1, p[nxt]["w"])
        else:
            out_row = pl.pallas_call(
                _kb_fin_body,
                grid=(NB_B,),
                in_specs=[_smem(), _smem(),
                          _rb(RB_B, W), _whole((NC, 128, W)),
                          _whole((NC, 128, W)), _rb(RB_B, 128),
                          _whole((NC, 1, 128)),
                          _rb(RB_B, 128),
                          _whole((32, 32)), _whole((1, 32)),
                          _whole((32, 32)), _whole((1, 32)),
                          _whole((32, 1)), _whole((1, 1))],
                out_specs=_whole((1, 128)),
                out_shape=jax.ShapeDtypeStruct((1, 128), _f32),
                scratch_shapes=[pltpu.VMEM((2, 128), _f32)],
                compiler_params=_CP,
            )(lo, hi, q2, k3, v3, partR, docC, batchR,
              p["fc1"]["w"], p["fc1"]["b"].reshape(1, 32),
              p["fc2"]["w"], p["fc2"]["b"].reshape(1, 32),
              p["fc3"]["w"], p["fc3"]["b"].reshape(1, 1))

    return out_row[0, :50].reshape(50, 1)

# --- scband reference (transcript-rebuilt; emitter-appended) ---
"""Pipeline reference for scband-ranet-38113539785300 (READ-ONLY COPY).

The authoritative reference and input builder live on the scoring server;
editing this copy changes nothing except your own understanding.
"""

import jax, jax.numpy as jnp
import numpy as np

N = 10000
E = 160000
D_FEAT = 128
UNITS = 32
LAYERS = 3
UNIQUE = 100
NUM_GRAPHS = 50


def _lin(key, fi, fo):
    return {"w": (jax.random.normal(key, (fi, fo), dtype=jnp.float32) / np.sqrt(fi)).astype(jnp.float32),
            "b": jnp.zeros((fo,), dtype=jnp.float32)}


def setup_inputs(seed: int = 0):
    key = jax.random.key(seed)
    ks = jax.random.split(key, 24)
    x = jax.random.normal(ks[0], (N, D_FEAT), dtype=jnp.float32)
    edge_index = jax.random.randint(ks[1], (2, E), 0, N, dtype=jnp.int32)
    batch = jnp.sort(jax.random.randint(ks[2], (N,), 0, NUM_GRAPHS, dtype=jnp.int32))
    document_id = jnp.sort(jax.random.randint(ks[3], (N,), 0, UNIQUE, dtype=jnp.int32))
    params = {
        "conv_in": _lin(ks[4], D_FEAT, UNITS),
        "conv2": _lin(ks[5], UNITS, UNITS),
        "conv_out": _lin(ks[6], UNITS, UNITS),
        "fc1": _lin(ks[7], UNITS, UNITS),
        "fc2": _lin(ks[8], UNITS, 32),
        "fc3": _lin(ks[9], 32, 1),
    }
    i = 10
    for pfx in ["q", "k", "v"]:
        params[pfx + "1"] = _lin(ks[i], 32, 64); i += 1
        params[pfx + "2"] = _lin(ks[i], 64, 32); i += 1
        params[pfx + "3"] = _lin(ks[i], 32, 32); i += 1
    return {"x": x, "edge_index": edge_index, "batch": batch,
            "document_id": document_id, "unique": UNIQUE, "params": params}


def reference(x, edge_index, batch, document_id, unique, params):
    src = edge_index[0]
    dst = edge_index[1]
    loop = jnp.arange(N, dtype=src.dtype)
    src_f = jnp.concatenate([src, loop])
    dst_f = jnp.concatenate([dst, loop])
    deg = jax.ops.segment_sum(jnp.ones_like(dst_f, dtype=jnp.float32), dst_f, num_segments=N)
    dinv = jnp.where(deg > 0, 1.0 / jnp.sqrt(jnp.maximum(deg, 1e-12)), 0.0)
    norm = dinv[src_f] * dinv[dst_f]

    def gcn(h, p):
        hw = h @ p["w"]
        msg = hw[src_f] * norm[:, None]
        return jax.ops.segment_sum(msg, dst_f, num_segments=N) + p["b"]

    # doc mask: different doc AND same pair (docs 2j and 2j+1 attend to each other)
    pair = document_id // 2
    allowed = (pair[:, None] == pair[None, :]) & (document_id[:, None] != document_id[None, :])

    def mlp(h, pfx):
        a = jax.nn.relu(h @ params[pfx + "1"]["w"] + params[pfx + "1"]["b"])
        a = jax.nn.relu(a @ params[pfx + "2"]["w"] + params[pfx + "2"]["b"])
        return jax.nn.relu(a @ params[pfx + "3"]["w"] + params[pfx + "3"]["b"])

    def attn(h):
        q = mlp(h, "q")
        k = mlp(h, "k")
        v = mlp(h, "v")
        s = (q @ k.T) * (1.0 / np.sqrt(32.0))
        s = jnp.where(allowed, s, -1e30)
        a = jax.nn.softmax(s, axis=-1)
        return a @ v

    h = jnp.tanh(gcn(x, params["conv_in"]))
    h = attn(h)
    for _ in range(LAYERS - 2):
        h = jnp.tanh(gcn(h, params["conv2"]))
        h = attn(h)
    h = jnp.tanh(gcn(h, params["conv_out"]))
    h = attn(h)
    h = jnp.tanh(h @ params["fc1"]["w"] + params["fc1"]["b"])
    h = jnp.tanh(h @ params["fc2"]["w"] + params["fc2"]["b"])
    h = h @ params["fc3"]["w"] + params["fc3"]["b"]
    sums = jax.ops.segment_sum(h, batch, num_segments=NUM_GRAPHS)
    cnt = jax.ops.segment_sum(jnp.ones((N,), dtype=jnp.float32), batch, num_segments=NUM_GRAPHS)
    out = jax.nn.sigmoid(sums / jnp.clip(cnt, 1.0)[:, None])
    return out

if __name__ == "__main__":
    import jax
    _d = setup_inputs()
    print(jax.jit(kernel)(*tuple(_d.values())))

</pallas_src>

<mosaic_0001>
#map = affine_map<(d0, d1) -> (0, 0)>
module attributes {stable_mosaic.version = 14 : i64} {
  func.func @_sc_degree(%arg0: i32, %arg1: i32, %arg2: memref<128x32xf32, #tpu.memory_space<hbm>>, %arg3: memref<1280x128xi32, #tpu.memory_space<hbm>>, %arg4: memref<10240x32xf32, #tpu.memory_space<hbm>>, %arg5: memref<10240x32xf32, #tpu.memory_space<hbm>>, %arg6: memref<10240x32xf32, #tpu.memory_space<hbm>>, %arg7: memref<40x128xi32, #tpu.memory_space<vmem>>, %arg8: memref<128x32xf32, #tpu.memory_space<vmem>>, %arg9: memref<10240x32xf32, #tpu.memory_space<vmem_shared>>, %arg10: memref<!tpu.dma_semaphore, #tpu.memory_space<semaphore_mem>>) attributes {dimension_semantics = [#tpu.dimension_semantics<core_parallel>, #tpu.dimension_semantics<subcore_parallel>], iteration_bounds = array<i64: 2, 16>, scalar_prefetch = 0 : i64, scratch_operands = 4 : i64, tpu.core_type = #tpu.core_type<sc_vector_subcore>, window_params = [{transform_indices = #map}, {transform_indices = #map}, {transform_indices = #map}, {transform_indices = #map}, {transform_indices = #map}]} {
    %mul3A = arith.constant 2 : i32
    %mul3A_0 = arith.muli %arg1, %mul3A : i32
    %add3A = arith.addi %mul3A_0, %arg0 : i32
    %mul3A_1 = arith.constant 640 : i32
    %mul3A_2 = arith.muli %arg1, %mul3A_1 : i32
    %mul3A_3 = arith.constant 640 : i32
    %mul3A_4 = arith.muli %arg1, %mul3A_3 : i32
    "tpu.region"() ({
      %run_scoped3A = tpu.sem_alloc : memref<!tpu.dma_semaphore, #tpu.memory_space<semaphore_mem>>
      %dma_start3A = arith.constant 0 : i32
      %dma_start3A_20 = tpu.memref_slice %arg9[%mul3A_4, %dma_start3A] : memref<10240x32xf32, #tpu.memory_space<vmem_shared>> -> memref<640x32xf32, #tpu.memory_space<vmem_shared>>
      %dma_start3A_21 = arith.constant 0 : i32
      %dma_start3A_22 = tpu.memref_slice %arg4[%mul3A_2, %dma_start3A_21] : memref<10240x32xf32, #tpu.memory_space<hbm>> -> memref<640x32xf32, #tpu.memory_space<hbm>>
      tpu.enqueue_dma source(%dma_start3A_22 : memref<640x32xf32, #tpu.memory_space<hbm>>) target(%dma_start3A_20 : memref<640x32xf32, #tpu.memory_space<vmem_shared>>) target_semaphore(%run_scoped3A : memref<!tpu.dma_semaphore, #tpu.memory_space<semaphore_mem>>)
      %dma_wait3A = arith.constant 0 : i32
      %dma_wait3A_23 = tpu.memref_slice %arg9[%mul3A_4, %dma_wait3A] : memref<10240x32xf32, #tpu.memory_space<vmem_shared>> -> memref<640x32xf32, #tpu.memory_space<vmem_shared>>
      %dma_wait3A_24 = arith.constant 0 : i32
      %dma_wait3A_25 = tpu.memref_slice %arg4[%mul3A_2, %dma_wait3A_24] : memref<10240x32xf32, #tpu.memory_space<hbm>> -> memref<640x32xf32, #tpu.memory_space<hbm>>
      tpu.wait_dma2 semaphore(%run_scoped3A : memref<!tpu.dma_semaphore, #tpu.memory_space<semaphore_mem>>) src(%dma_wait3A_25 : memref<640x32xf32, #tpu.memory_space<hbm>>) dst(%dma_wait3A_23 : memref<640x32xf32, #tpu.memory_space<vmem_shared>>)
      tpu.yield
    }) : () -> ()
    "tpu.region"() ({
      %run_scoped3A = tpu.sem_alloc : memref<!tpu.dma_semaphore, #tpu.memory_space<semaphore_mem>>
      %dma_start3A = arith.constant 0 : i32
      %dma_start3A_20 = arith.constant 0 : i32
      %dma_start3A_21 = tpu.memref_slice %arg2[%dma_start3A, %dma_start3A_20] : memref<128x32xf32, #tpu.memory_space<hbm>> -> memref<128x32xf32, #tpu.memory_space<hbm>>
      %dma_start3A_22 = arith.constant 0 : i32
      %dma_start3A_23 = arith.constant 0 : i32
      %dma_start3A_24 = tpu.memref_slice %arg2[%dma_start3A_22, %dma_start3A_23] : memref<128x32xf32, #tpu.memory_space<hbm>> -> memref<128x32xf32, #tpu.memory_space<hbm>>
      tpu.enqueue_dma source(%dma_start3A_24 : memref<128x32xf32, #tpu.memory_space<hbm>>) target(%arg8 : memref<128x32xf32, #tpu.memory_space<vmem>>) target_semaphore(%run_scoped3A : memref<!tpu.dma_semaphore, #tpu.memory_space<semaphore_mem>>)
      %dma_wait3A = arith.constant 0 : i32
      %dma_wait3A_25 = arith.constant 0 : i32
      %dma_wait3A_26 = tpu.memref_slice %arg2[%dma_wait3A, %dma_wait3A_25] : memref<128x32xf32, #tpu.memory_space<hbm>> -> memref<128x32xf32, #tpu.memory_space<hbm>>
      %dma_wait3A_27 = arith.constant 0 : i32
      %dma_wait3A_28 = arith.constant 0 : i32
      %dma_wait3A_29 = tpu.memref_slice %arg2[%dma_wait3A_27, %dma_wait3A_28] : memref<128x32xf32, #tpu.memory_space<hbm>> -> memref<128x32xf32, #tpu.memory_space<hbm>>
      tpu.wait_dma2 semaphore(%run_scoped3A : memref<!tpu.dma_semaphore, #tpu.memory_space<semaphore_mem>>) src(%dma_wait3A_29 : memref<128x32xf32, #tpu.memory_space<hbm>>) dst(%arg8 : memref<128x32xf32, #tpu.memory_space<vmem>>)
      tpu.yield
    }) : () -> ()
    %barrier3A = arith.constant 0 : index
    tpu.barrier barrier_id(%barrier3A)
    %mul3A_5 = arith.constant 40 : i32
    %mul3A_6 = arith.muli %add3A, %mul3A_5 : i32
    "tpu.region"() ({
      %run_scoped3A = tpu.sem_alloc : memref<!tpu.dma_semaphore, #tpu.memory_space<semaphore_mem>>
      %dma_start3A = arith.constant 0 : i32
      %dma_start3A_20 = tpu.memref_slice %arg3[%mul3A_6, %dma_start3A] : memref<1280x128xi32, #tpu.memory_space<hbm>> -> memref<40x128xi32, #tpu.memory_space<hbm>>
      %dma_start3A_21 = arith.constant 0 : i32
      %dma_start3A_22 = tpu.memref_slice %arg3[%mul3A_6, %dma_start3A_21] : memref<1280x128xi32, #tpu.memory_space<hbm>> -> memref<40x128xi32, #tpu.memory_space<hbm>>
      tpu.enqueue_dma source(%dma_start3A_22 : memref<40x128xi32, #tpu.memory_space<hbm>>) target(%arg7 : memref<40x128xi32, #tpu.memory_space<vmem>>) target_semaphore(%run_scoped3A : memref<!tpu.dma_semaphore, #tpu.memory_space<semaphore_mem>>)
      %dma_wait3A = arith.constant 0 : i32
      %dma_wait3A_23 = tpu.memref_slice %arg3[%mul3A_6, %dma_wait3A] : memref<1280x128xi32, #tpu.memory_space<hbm>> -> memref<40x128xi32, #tpu.memory_space<hbm>>
      %dma_wait3A_24 = arith.constant 0 : i32
      %dma_wait3A_25 = tpu.memref_slice %arg3[%mul3A_6, %dma_wait3A_24] : memref<1280x128xi32, #tpu.memory_space<hbm>> -> memref<40x128xi32, #tpu.memory_space<hbm>>
      tpu.wait_dma2 semaphore(%run_scoped3A : memref<!tpu.dma_semaphore, #tpu.memory_space<semaphore_mem>>) src(%dma_wait3A_25 : memref<40x128xi32, #tpu.memory_space<hbm>>) dst(%arg7 : memref<40x128xi32, #tpu.memory_space<vmem>>)
      tpu.yield
    }) : () -> ()
    %scan3A = arith.constant 0 : i32
    %scan3A_7 = arith.constant 0 : i32
    %scan3A_8 = arith.constant 40 : i32
    %scan3A_9 = arith.addi %scan3A_7, %scan3A_8 : i32
    %scan3A_10 = arith.constant 1 : i32
    scf.for %scan3A_20 = %scan3A_7 to %scan3A_9 step %scan3A_10  : i32 {
      "tpu.region"() ({
        %run_scoped3A = tpu.sem_alloc : memref<!tpu.dma_semaphore, #tpu.memory_space<semaphore_mem>>
        %dma_start3A = arith.constant 0 : i32
        %dma_start3A_21 = tpu.memref_slice %arg7[%scan3A_20, %dma_start3A] : memref<40x128xi32, #tpu.memory_space<vmem>> -> memref<1x128xi32, #tpu.memory_space<vmem>>
        %dma_start3A_22 = tpu.memref_squeeze %dma_start3A_21 : memref<1x128xi32, #tpu.memory_space<vmem>> -> memref<128xi32, #tpu.memory_space<vmem>>
        %dma_start3A_23 = arith.constant 0 : i32
        %dma_start3A_24 = arith.constant 0 : i32
        %dma_start3A_25 = tpu.memref_slice %arg9[%dma_start3A_23, %dma_start3A_24] : memref<10240x32xf32, #tpu.memory_space<vmem_shared>> -> memref<10240x32xf32, #tpu.memory_space<vmem_shared>>
        tpu.enqueue_indirect_dma source(%arg8 : memref<128x32xf32, #tpu.memory_space<vmem>>) target(%dma_start3A_25 : memref<10240x32xf32, #tpu.memory_space<vmem_shared>>) offsets(%dma_start3A_22 : memref<128xi32, #tpu.memory_space<vmem>>) semaphore(%run_scoped3A : memref<!tpu.dma_semaphore, #tpu.memory_space<semaphore_mem>>) {add = true}
        %dma_wait3A = arith.constant 0 : i32
        %dma_wait3A_26 = tpu.memref_slice %arg7[%scan3A_20, %dma_wait3A] : memref<40x128xi32, #tpu.memory_space<vmem>> -> memref<1x128xi32, #tpu.memory_space<vmem>>
        %dma_wait3A_27 = tpu.memref_squeeze %dma_wait3A_26 : memref<1x128xi32, #tpu.memory_space<vmem>> -> memref<128xi32, #tpu.memory_space<vmem>>
        %dma_wait3A_28 = arith.constant 0 : i32
        %dma_wait3A_29 = arith.constant 0 : i32
        %dma_wait3A_30 = tpu.memref_slice %arg9[%dma_wait3A_28, %dma_wait3A_29] : memref<10240x32xf32, #tpu.memory_space<vmem_shared>> -> memref<10240x32xf32, #tpu.memory_space<vmem_shared>>
        tpu.wait_indirect_dma semaphore(%run_scoped3A : memref<!tpu.dma_semaphore, #tpu.memory_space<semaphore_mem>>) src(%arg8 : memref<128x32xf32, #tpu.memory_space<vmem>>) dst(%dma_wait3A_30 : memref<10240x32xf32, #tpu.memory_space<vmem_shared>>)
        tpu.yield
      }) : () -> ()
    }
    %scan3A_11 = arith.constant 40 : i32
    %barrier3A_12 = arith.constant 0 : index
    tpu.barrier barrier_id(%barrier3A_12)
    %eq3A = arith.constant 0 : i32
    %eq3A_13 = arith.cmpi eq, %arg0, %eq3A : i32
    %convert_element_type3A = arith.extui %eq3A_13 : i1 to i32
    %cond3A = arith.constant 0 : i32
    %cond3A_14 = arith.cmpi ne, %convert_element_type3A, %cond3A : i32
    scf.if %cond3A_14 {
      %mul3A_20 = arith.constant 640 : i32
      %mul3A_21 = arith.muli %arg1, %mul3A_20 : i32
      %mul3A_22 = arith.constant 640 : i32
      %mul3A_23 = arith.muli %arg1, %mul3A_22 : i32
      "tpu.region"() ({
        %run_scoped3A = tpu.sem_alloc : memref<!tpu.dma_semaphore, #tpu.memory_space<semaphore_mem>>
        %dma_start3A = arith.constant 0 : i32
        %dma_start3A_24 = tpu.memref_slice %arg5[%mul3A_23, %dma_start3A] : memref<10240x32xf32, #tpu.memory_space<hbm>> -> memref<640x32xf32, #tpu.memory_space<hbm>>
        %dma_start3A_25 = arith.constant 0 : i32
        %dma_start3A_26 = tpu.memref_slice %arg9[%mul3A_21, %dma_start3A_25] : memref<10240x32xf32, #tpu.memory_space<vmem_shared>> -> memref<640x32xf32, #tpu.memory_space<vmem_shared>>
        tpu.enqueue_dma source(%dma_start3A_26 : memref<640x32xf32, #tpu.memory_space<vmem_shared>>) target(%dma_start3A_24 : memref<640x32xf32, #tpu.memory_space<hbm>>) target_semaphore(%run_scoped3A : memref<!tpu.dma_semaphore, #tpu.memory_space<semaphore_mem>>)
        %dma_wait3A = arith.constant 0 : i32
        %dma_wait3A_27 = tpu.memref_slice %arg5[%mul3A_23, %dma_wait3A] : memref<10240x32xf32, #tpu.memory_space<hbm>> -> memref<640x32xf32, #tpu.memory_space<hbm>>
        %dma_wait3A_28 = arith.constant 0 : i32
        %dma_wait3A_29 = tpu.memref_slice %arg9[%mul3A_21, %dma_wait3A_28] : memref<10240x32xf32, #tpu.memory_space<vmem_shared>> -> memref<640x32xf32, #tpu.memory_space<vmem_shared>>
        tpu.wait_dma2 semaphore(%run_scoped3A : memref<!tpu.dma_semaphore, #tpu.memory_space<semaphore_mem>>) src(%dma_wait3A_29 : memref<640x32xf32, #tpu.memory_space<vmem_shared>>) dst(%dma_wait3A_27 : memref<640x32xf32, #tpu.memory_space<hbm>>)
        tpu.yield
      }) : () -> ()
    } else {
    }
    %eq3A_15 = arith.constant 1 : i32
    %eq3A_16 = arith.cmpi eq, %arg0, %eq3A_15 : i32
    %convert_element_type3A_17 = arith.extui %eq3A_16 : i1 to i32
    %cond3A_18 = arith.constant 0 : i32
    %cond3A_19 = arith.cmpi ne, %convert_element_type3A_17, %cond3A_18 : i32
    scf.if %cond3A_19 {
      %mul3A_20 = arith.constant 640 : i32
      %mul3A_21 = arith.muli %arg1, %mul3A_20 : i32
      %mul3A_22 = arith.constant 640 : i32
      %mul3A_23 = arith.muli %arg1, %mul3A_22 : i32
      "tpu.region"() ({
        %run_scoped3A = tpu.sem_alloc : memref<!tpu.dma_semaphore, #tpu.memory_space<semaphore_mem>>
        %dma_start3A = arith.constant 0 : i32
        %dma_start3A_24 = tpu.memref_slice %arg6[%mul3A_23, %dma_start3A] : memref<10240x32xf32, #tpu.memory_space<hbm>> -> memref<640x32xf32, #tpu.memory_space<hbm>>
        %dma_start3A_25 = arith.constant 0 : i32
        %dma_start3A_26 = tpu.memref_slice %arg9[%mul3A_21, %dma_start3A_25] : memref<10240x32xf32, #tpu.memory_space<vmem_shared>> -> memref<640x32xf32, #tpu.memory_space<vmem_shared>>
        tpu.enqueue_dma source(%dma_start3A_26 : memref<640x32xf32, #tpu.memory_space<vmem_shared>>) target(%dma_start3A_24 : memref<640x32xf32, #tpu.memory_space<hbm>>) target_semaphore(%run_scoped3A : memref<!tpu.dma_semaphore, #tpu.memory_space<semaphore_mem>>)
        %dma_wait3A = arith.constant 0 : i32
        %dma_wait3A_27 = tpu.memref_slice %arg6[%mul3A_23, %dma_wait3A] : memref<10240x32xf32, #tpu.memory_space<hbm>> -> memref<640x32xf32, #tpu.memory_space<hbm>>
        %dma_wait3A_28 = arith.constant 0 : i32
        %dma_wait3A_29 = tpu.memref_slice %arg9[%mul3A_21, %dma_wait3A_28] : memref<10240x32xf32, #tpu.memory_space<vmem_shared>> -> memref<640x32xf32, #tpu.memory_space<vmem_shared>>
        tpu.wait_dma2 semaphore(%run_scoped3A : memref<!tpu.dma_semaphore, #tpu.memory_space<semaphore_mem>>) src(%dma_wait3A_29 : memref<640x32xf32, #tpu.memory_space<vmem_shared>>) dst(%dma_wait3A_27 : memref<640x32xf32, #tpu.memory_space<hbm>>)
        tpu.yield
      }) : () -> ()
    } else {
    }
    return
  }
}

#map = affine_map<(d0, d1) -> (0, 0)>
module attributes {stable_mosaic.version = 14 : i64} {
  func.func @_sc_scatter_add(%arg0: i32, %arg1: i32, %arg2: memref<10240x32xf32, #tpu.memory_space<hbm>>, %arg3: memref<1280x128xi32, #tpu.memory_space<hbm>>, %arg4: memref<1280x128xi32, #tpu.memory_space<hbm>>, %arg5: memref<10240x32xf32, #tpu.memory_space<hbm>>, %arg6: memref<10240x32xf32, #tpu.memory_space<hbm>>, %arg7: memref<10240x32xf32, #tpu.memory_space<hbm>>, %arg8: memref<40x128xi32, #tpu.memory_space<vmem>>, %arg9: memref<40x128xi32, #tpu.memory_space<vmem>>, %arg10: memref<128x32xf32, #tpu.memory_space<vmem>>, %arg11: memref<128x32xf32, #tpu.memory_space<vmem>>, %arg12: memref<10240x32xf32, #tpu.memory_space<vmem_shared>>, %arg13: memref<!tpu.dma_semaphore, #tpu.memory_space<semaphore_mem>>, %arg14: memref<!tpu.dma_semaphore, #tpu.memory_space<semaphore_mem>>) attributes {dimension_semantics = [#tpu.dimension_semantics<core_parallel>, #tpu.dimension_semantics<subcore_parallel>], iteration_bounds = array<i64: 2, 16>, scalar_prefetch = 0 : i64, scratch_operands = 7 : i64, tpu.core_type = #tpu.core_type<sc_vector_subcore>, window_params = [{transform_indices = #map}, {transform_indices = #map}, {transform_indices = #map}, {transform_indices = #map}, {transform_indices = #map}, {transform_indices = #map}]} {
    %mul3A = arith.constant 2 : i32
    %mul3A_0 = arith.muli %arg1, %mul3A : i32
    %add3A = arith.addi %mul3A_0, %arg0 : i32
    %mul3A_1 = arith.constant 640 : i32
    %mul3A_2 = arith.muli %arg1, %mul3A_1 : i32
    %mul3A_3 = arith.constant 640 : i32
    %mul3A_4 = arith.muli %arg1, %mul3A_3 : i32
    "tpu.region"() ({
      %run_scoped3A = tpu.sem_alloc : memref<!tpu.dma_semaphore, #tpu.memory_space<semaphore_mem>>
      %dma_start3A_26 = arith.constant 0 : i32
      %dma_start3A_27 = tpu.memref_slice %arg12[%mul3A_4, %dma_start3A_26] : memref<10240x32xf32, #tpu.memory_space<vmem_shared>> -> memref<640x32xf32, #tpu.memory_space<vmem_shared>>
      %dma_start3A_28 = arith.constant 0 : i32
      %dma_start3A_29 = tpu.memref_slice %arg5[%mul3A_2, %dma_start3A_28] : memref<10240x32xf32, #tpu.memory_space<hbm>> -> memref<640x32xf32, #tpu.memory_space<hbm>>
      tpu.enqueue_dma source(%dma_start3A_29 : memref<640x32xf32, #tpu.memory_space<hbm>>) target(%dma_start3A_27 : memref<640x32xf32, #tpu.memory_space<vmem_shared>>) target_semaphore(%run_scoped3A : memref<!tpu.dma_semaphore, #tpu.memory_space<semaphore_mem>>)
      %dma_wait3A = arith.constant 0 : i32
      %dma_wait3A_30 = tpu.memref_slice %arg12[%mul3A_4, %dma_wait3A] : memref<10240x32xf32, #tpu.memory_space<vmem_shared>> -> memref<640x32xf32, #tpu.memory_space<vmem_shared>>
      %dma_wait3A_31 = arith.constant 0 : i32
      %dma_wait3A_32 = tpu.memref_slice %arg5[%mul3A_2, %dma_wait3A_31] : memref<10240x32xf32, #tpu.memory_space<hbm>> -> memref<640x32xf32, #tpu.memory_space<hbm>>
      tpu.wait_dma2 semaphore(%run_scoped3A : memref<!tpu.dma_semaphore, #tpu.memory_space<semaphore_mem>>) src(%dma_wait3A_32 : memref<640x32xf32, #tpu.memory_space<hbm>>) dst(%dma_wait3A_30 : memref<640x32xf32, #tpu.memory_space<vmem_shared>>)
      tpu.yield
    }) : () -> ()
    %barrier3A = arith.constant 0 : index
    tpu.barrier barrier_id(%barrier3A)
    %mul3A_5 = arith.constant 40 : i32
    %mul3A_6 = arith.muli %add3A, %mul3A_5 : i32
    "tpu.region"() ({
      %run_scoped3A = tpu.sem_alloc : memref<!tpu.dma_semaphore, #tpu.memory_space<semaphore_mem>>
      %dma_start3A_26 = arith.constant 0 : i32
      %dma_start3A_27 = tpu.memref_slice %arg3[%mul3A_6, %dma_start3A_26] : memref<1280x128xi32, #tpu.memory_space<hbm>> -> memref<40x128xi32, #tpu.memory_space<hbm>>
      %dma_start3A_28 = arith.constant 0 : i32
      %dma_start3A_29 = tpu.memref_slice %arg3[%mul3A_6, %dma_start3A_28] : memref<1280x128xi32, #tpu.memory_space<hbm>> -> memref<40x128xi32, #tpu.memory_space<hbm>>
      tpu.enqueue_dma source(%dma_start3A_29 : memref<40x128xi32, #tpu.memory_space<hbm>>) target(%arg8 : memref<40x128xi32, #tpu.memory_space<vmem>>) target_semaphore(%run_scoped3A : memref<!tpu.dma_semaphore, #tpu.memory_space<semaphore_mem>>)
      %dma_wait3A = arith.constant 0 : i32
      %dma_wait3A_30 = tpu.memref_slice %arg3[%mul3A_6, %dma_wait3A] : memref<1280x128xi32, #tpu.memory_space<hbm>> -> memref<40x128xi32, #tpu.memory_space<hbm>>
      %dma_wait3A_31 = arith.constant 0 : i32
      %dma_wait3A_32 = tpu.memref_slice %arg3[%mul3A_6, %dma_wait3A_31] : memref<1280x128xi32, #tpu.memory_space<hbm>> -> memref<40x128xi32, #tpu.memory_space<hbm>>
      tpu.wait_dma2 semaphore(%run_scoped3A : memref<!tpu.dma_semaphore, #tpu.memory_space<semaphore_mem>>) src(%dma_wait3A_32 : memref<40x128xi32, #tpu.memory_space<hbm>>) dst(%arg8 : memref<40x128xi32, #tpu.memory_space<vmem>>)
      tpu.yield
    }) : () -> ()
    "tpu.region"() ({
      %run_scoped3A = tpu.sem_alloc : memref<!tpu.dma_semaphore, #tpu.memory_space<semaphore_mem>>
      %dma_start3A_26 = arith.constant 0 : i32
      %dma_start3A_27 = tpu.memref_slice %arg4[%mul3A_6, %dma_start3A_26] : memref<1280x128xi32, #tpu.memory_space<hbm>> -> memref<40x128xi32, #tpu.memory_space<hbm>>
      %dma_start3A_28 = arith.constant 0 : i32
      %dma_start3A_29 = tpu.memref_slice %arg4[%mul3A_6, %dma_start3A_28] : memref<1280x128xi32, #tpu.memory_space<hbm>> -> memref<40x128xi32, #tpu.memory_space<hbm>>
      tpu.enqueue_dma source(%dma_start3A_29 : memref<40x128xi32, #tpu.memory_space<hbm>>) target(%arg9 : memref<40x128xi32, #tpu.memory_space<vmem>>) target_semaphore(%run_scoped3A : memref<!tpu.dma_semaphore, #tpu.memory_space<semaphore_mem>>)
      %dma_wait3A = arith.constant 0 : i32
      %dma_wait3A_30 = tpu.memref_slice %arg4[%mul3A_6, %dma_wait3A] : memref<1280x128xi32, #tpu.memory_space<hbm>> -> memref<40x128xi32, #tpu.memory_space<hbm>>
      %dma_wait3A_31 = arith.constant 0 : i32
      %dma_wait3A_32 = tpu.memref_slice %arg4[%mul3A_6, %dma_wait3A_31] : memref<1280x128xi32, #tpu.memory_space<hbm>> -> memref<40x128xi32, #tpu.memory_space<hbm>>
      tpu.wait_dma2 semaphore(%run_scoped3A : memref<!tpu.dma_semaphore, #tpu.memory_space<semaphore_mem>>) src(%dma_wait3A_32 : memref<40x128xi32, #tpu.memory_space<hbm>>) dst(%arg9 : memref<40x128xi32, #tpu.memory_space<vmem>>)
      tpu.yield
    }) : () -> ()
    %dma_start3A = arith.constant 0 : i32
    %dma_start3A_7 = arith.constant 0 : i32
    %dma_start3A_8 = tpu.memref_slice %arg8[%dma_start3A, %dma_start3A_7] : memref<40x128xi32, #tpu.memory_space<vmem>> -> memref<1x128xi32, #tpu.memory_space<vmem>>
    %dma_start3A_9 = tpu.memref_squeeze %dma_start3A_8 : memref<1x128xi32, #tpu.memory_space<vmem>> -> memref<128xi32, #tpu.memory_space<vmem>>
    %dma_start3A_10 = arith.constant 0 : i32
    %dma_start3A_11 = arith.constant 0 : i32
    %dma_start3A_12 = tpu.memref_slice %arg2[%dma_start3A_10, %dma_start3A_11] : memref<10240x32xf32, #tpu.memory_space<hbm>> -> memref<10240x32xf32, #tpu.memory_space<hbm>>
    tpu.enqueue_indirect_dma source(%dma_start3A_12 : memref<10240x32xf32, #tpu.memory_space<hbm>>) target(%arg10 : memref<128x32xf32, #tpu.memory_space<vmem>>) offsets(%dma_start3A_9 : memref<128xi32, #tpu.memory_space<vmem>>) semaphore(%arg13 : memref<!tpu.dma_semaphore, #tpu.memory_space<semaphore_mem>>)
    %scan3A = arith.constant 0 : i32
    %scan3A_13 = arith.constant 0 : i32
    %scan3A_14 = arith.constant 20 : i32
    %scan3A_15 = arith.addi %scan3A_13, %scan3A_14 : i32
    %scan3A_16 = arith.constant 1 : i32
    scf.for %scan3A_26 = %scan3A_13 to %scan3A_15 step %scan3A_16  : i32 {
      %mul3A_27 = arith.constant 2 : i32
      %mul3A_28 = arith.muli %mul3A_27, %scan3A_26 : i32
      %add3A_29 = arith.constant 1 : i32
      %add3A_30 = arith.addi %mul3A_28, %add3A_29 : i32
      %dma_start3A_31 = arith.constant 0 : i32
      %dma_start3A_32 = tpu.memref_slice %arg8[%add3A_30, %dma_start3A_31] : memref<40x128xi32, #tpu.memory_space<vmem>> -> memref<1x128xi32, #tpu.memory_space<vmem>>
      %dma_start3A_33 = tpu.memref_squeeze %dma_start3A_32 : memref<1x128xi32, #tpu.memory_space<vmem>> -> memref<128xi32, #tpu.memory_space<vmem>>
      %dma_start3A_34 = arith.constant 0 : i32
      %dma_start3A_35 = arith.constant 0 : i32
      %dma_start3A_36 = tpu.memref_slice %arg2[%dma_start3A_34, %dma_start3A_35] : memref<10240x32xf32, #tpu.memory_space<hbm>> -> memref<10240x32xf32, #tpu.memory_space<hbm>>
      tpu.enqueue_indirect_dma source(%dma_start3A_36 : memref<10240x32xf32, #tpu.memory_space<hbm>>) target(%arg11 : memref<128x32xf32, #tpu.memory_space<vmem>>) offsets(%dma_start3A_33 : memref<128xi32, #tpu.memory_space<vmem>>) semaphore(%arg14 : memref<!tpu.dma_semaphore, #tpu.memory_space<semaphore_mem>>)
      %dma_wait3A = arith.constant 0 : i32
      %dma_wait3A_37 = tpu.memref_slice %arg8[%mul3A_28, %dma_wait3A] : memref<40x128xi32, #tpu.memory_space<vmem>> -> memref<1x128xi32, #tpu.memory_space<vmem>>
      %dma_wait3A_38 = tpu.memref_squeeze %dma_wait3A_37 : memref<1x128xi32, #tpu.memory_space<vmem>> -> memref<128xi32, #tpu.memory_space<vmem>>
      %dma_wait3A_39 = arith.constant 0 : i32
      %dma_wait3A_40 = arith.constant 0 : i32
      %dma_wait3A_41 = tpu.memref_slice %arg2[%dma_wait3A_39, %dma_wait3A_40] : memref<10240x32xf32, #tpu.memory_space<hbm>> -> memref<10240x32xf32, #tpu.memory_space<hbm>>
      tpu.wait_indirect_dma semaphore(%arg13 : memref<!tpu.dma_semaphore, #tpu.memory_space<semaphore_mem>>) src(%dma_wait3A_41 : memref<10240x32xf32, #tpu.memory_space<hbm>>) dst(%arg10 : memref<128x32xf32, #tpu.memory_space<vmem>>)
      "tpu.region"() ({
        %run_scoped3A = tpu.sem_alloc : memref<!tpu.dma_semaphore, #tpu.memory_space<semaphore_mem>>
        %dma_start3A_56 = arith.constant 0 : i32
        %dma_start3A_57 = tpu.memref_slice %arg9[%mul3A_28, %dma_start3A_56] : memref<40x128xi32, #tpu.memory_space<vmem>> -> memref<1x128xi32, #tpu.memory_space<vmem>>
        %dma_start3A_58 = tpu.memref_squeeze %dma_start3A_57 : memref<1x128xi32, #tpu.memory_space<vmem>> -> memref<128xi32, #tpu.memory_space<vmem>>
        %dma_start3A_59 = arith.constant 0 : i32
        %dma_start3A_60 = arith.constant 0 : i32
        %dma_start3A_61 = tpu.memref_slice %arg12[%dma_start3A_59, %dma_start3A_60] : memref<10240x32xf32, #tpu.memory_space<vmem_shared>> -> memref<10240x32xf32, #tpu.memory_space<vmem_shared>>
        tpu.enqueue_indirect_dma source(%arg10 : memref<128x32xf32, #tpu.memory_space<vmem>>) target(%dma_start3A_61 : memref<10240x32xf32, #tpu.memory_space<vmem_shared>>) offsets(%dma_start3A_58 : memref<128xi32, #tpu.memory_space<vmem>>) semaphore(%run_scoped3A : memref<!tpu.dma_semaphore, #tpu.memory_space<semaphore_mem>>) {add = true}
        %dma_wait3A_62 = arith.constant 0 : i32
        %dma_wait3A_63 = tpu.memref_slice %arg9[%mul3A_28, %dma_wait3A_62] : memref<40x128xi32, #tpu.memory_space<vmem>> -> memref<1x128xi32, #tpu.memory_space<vmem>>
        %dma_wait3A_64 = tpu.memref_squeeze %dma_wait3A_63 : memref<1x128xi32, #tpu.memory_space<vmem>> -> memref<128xi32, #tpu.memory_space<vmem>>
        %dma_wait3A_65 = arith.constant 0 : i32
        %dma_wait3A_66 = arith.constant 0 : i32
        %dma_wait3A_67 = tpu.memref_slice %arg12[%dma_wait3A_65, %dma_wait3A_66] : memref<10240x32xf32, #tpu.memory_space<vmem_shared>> -> memref<10240x32xf32, #tpu.memory_space<vmem_shared>>
        tpu.wait_indirect_dma semaphore(%run_scoped3A : memref<!tpu.dma_semaphore, #tpu.memory_space<semaphore_mem>>) src(%arg10 : memref<128x32xf32, #tpu.memory_space<vmem>>) dst(%dma_wait3A_67 : memref<10240x32xf32, #tpu.memory_space<vmem_shared>>)
        tpu.yield
      }) : () -> ()
      %lt3A = arith.constant 19 : i32
      %lt3A_42 = arith.cmpi slt, %scan3A_26, %lt3A : i32
      %convert_element_type3A_43 = arith.extui %lt3A_42 : i1 to i32
      %cond3A_44 = arith.constant 0 : i32
      %cond3A_45 = arith.cmpi ne, %convert_element_type3A_43, %cond3A_44 : i32
      scf.if %cond3A_45 {
        %add3A_56 = arith.constant 2 : i32
        %add3A_57 = arith.addi %mul3A_28, %add3A_56 : i32
        %dma_start3A_58 = arith.constant 0 : i32
        %dma_start3A_59 = tpu.memref_slice %arg8[%add3A_57, %dma_start3A_58] : memref<40x128xi32, #tpu.memory_space<vmem>> -> memref<1x128xi32, #tpu.memory_space<vmem>>
        %dma_start3A_60 = tpu.memref_squeeze %dma_start3A_59 : memref<1x128xi32, #tpu.memory_space<vmem>> -> memref<128xi32, #tpu.memory_space<vmem>>
        %dma_start3A_61 = arith.constant 0 : i32
        %dma_start3A_62 = arith.constant 0 : i32
        %dma_start3A_63 = tpu.memref_slice %arg2[%dma_start3A_61, %dma_start3A_62] : memref<10240x32xf32, #tpu.memory_space<hbm>> -> memref<10240x32xf32, #tpu.memory_space<hbm>>
        tpu.enqueue_indirect_dma source(%dma_start3A_63 : memref<10240x32xf32, #tpu.memory_space<hbm>>) target(%arg10 : memref<128x32xf32, #tpu.memory_space<vmem>>) offsets(%dma_start3A_60 : memref<128xi32, #tpu.memory_space<vmem>>) semaphore(%arg13 : memref<!tpu.dma_semaphore, #tpu.memory_space<semaphore_mem>>)
      } else {
      }
      %add3A_46 = arith.constant 1 : i32
      %add3A_47 = arith.addi %mul3A_28, %add3A_46 : i32
      %dma_wait3A_48 = arith.constant 0 : i32
      %dma_wait3A_49 = tpu.memref_slice %arg8[%add3A_47, %dma_wait3A_48] : memref<40x128xi32, #tpu.memory_space<vmem>> -> memref<1x128xi32, #tpu.memory_space<vmem>>
      %dma_wait3A_50 = tpu.memref_squeeze %dma_wait3A_49 : memref<1x128xi32, #tpu.memory_space<vmem>> -> memref<128xi32, #tpu.memory_space<vmem>>
      %dma_wait3A_51 = arith.constant 0 : i32
      %dma_wait3A_52 = arith.constant 0 : i32
      %dma_wait3A_53 = tpu.memref_slice %arg2[%dma_wait3A_51, %dma_wait3A_52] : memref<10240x32xf32, #tpu.memory_space<hbm>> -> memref<10240x32xf32, #tpu.memory_space<hbm>>
      tpu.wait_indirect_dma semaphore(%arg14 : memref<!tpu.dma_semaphore, #tpu.memory_space<semaphore_mem>>) src(%dma_wait3A_53 : memref<10240x32xf32, #tpu.memory_space<hbm>>) dst(%arg11 : memref<128x32xf32, #tpu.memory_space<vmem>>)
      %add3A_54 = arith.constant 1 : i32
      %add3A_55 = arith.addi %mul3A_28, %add3A_54 : i32
      "tpu.region"() ({
        %run_scoped3A = tpu.sem_alloc : memref<!tpu.dma_semaphore, #tpu.memory_space<semaphore_mem>>
        %dma_start3A_56 = arith.constant 0 : i32
        %dma_start3A_57 = tpu.memref_slice %arg9[%add3A_55, %dma_start3A_56] : memref<40x128xi32, #tpu.memory_space<vmem>> -> memref<1x128xi32, #tpu.memory_space<vmem>>
        %dma_start3A_58 = tpu.memref_squeeze %dma_start3A_57 : memref<1x128xi32, #tpu.memory_space<vmem>> -> memref<128xi32, #tpu.memory_space<vmem>>
        %dma_start3A_59 = arith.constant 0 : i32
        %dma_start3A_60 = arith.constant 0 : i32
        %dma_start3A_61 = tpu.memref_slice %arg12[%dma_start3A_59, %dma_start3A_60] : memref<10240x32xf32, #tpu.memory_space<vmem_shared>> -> memref<10240x32xf32, #tpu.memory_space<vmem_shared>>
        tpu.enqueue_indirect_dma source(%arg11 : memref<128x32xf32, #tpu.memory_space<vmem>>) target(%dma_start3A_61 : memref<10240x32xf32, #tpu.memory_space<vmem_shared>>) offsets(%dma_start3A_58 : memref<128xi32, #tpu.memory_space<vmem>>) semaphore(%run_scoped3A : memref<!tpu.dma_semaphore, #tpu.memory_space<semaphore_mem>>) {add = true}
        %dma_wait3A_62 = arith.constant 0 : i32
        %dma_wait3A_63 = tpu.memref_slice %arg9[%add3A_55, %dma_wait3A_62] : memref<40x128xi32, #tpu.memory_space<vmem>> -> memref<1x128xi32, #tpu.memory_space<vmem>>
        %dma_wait3A_64 = tpu.memref_squeeze %dma_wait3A_63 : memref<1x128xi32, #tpu.memory_space<vmem>> -> memref<128xi32, #tpu.memory_space<vmem>>
        %dma_wait3A_65 = arith.constant 0 : i32
        %dma_wait3A_66 = arith.constant 0 : i32
        %dma_wait3A_67 = tpu.memref_slice %arg12[%dma_wait3A_65, %dma_wait3A_66] : memref<10240x32xf32, #tpu.memory_space<vmem_shared>> -> memref<10240x32xf32, #tpu.memory_space<vmem_shared>>
        tpu.wait_indirect_dma semaphore(%run_scoped3A : memref<!tpu.dma_semaphore, #tpu.memory_space<semaphore_mem>>) src(%arg11 : memref<128x32xf32, #tpu.memory_space<vmem>>) dst(%dma_wait3A_67 : memref<10240x32xf32, #tpu.memory_space<vmem_shared>>)
        tpu.yield
      }) : () -> ()
    }
    %scan3A_17 = arith.constant 20 : i32
    %barrier3A_18 = arith.constant 0 : index
    tpu.barrier barrier_id(%barrier3A_18)
    %eq3A = arith.constant 0 : i32
    %eq3A_19 = arith.cmpi eq, %arg0, %eq3A : i32
    %convert_element_type3A = arith.extui %eq3A_19 : i1 to i32
    %cond3A = arith.constant 0 : i32
    %cond3A_20 = arith.cmpi ne, %convert_element_type3A, %cond3A : i32
    scf.if %cond3A_20 {
      %mul3A_26 = arith.constant 640 : i32
      %mul3A_27 = arith.muli %arg1, %mul3A_26 : i32
      %mul3A_28 = arith.constant 640 : i32
      %mul3A_29 = arith.muli %arg1, %mul3A_28 : i32
      "tpu.region"() ({
        %run_scoped3A = tpu.sem_alloc : memref<!tpu.dma_semaphore, #tpu.memory_space<semaphore_mem>>
        %dma_start3A_30 = arith.constant 0 : i32
        %dma_start3A_31 = tpu.memref_slice %arg6[%mul3A_29, %dma_start3A_30] : memref<10240x32xf32, #tpu.memory_space<hbm>> -> memref<640x32xf32, #tpu.memory_space<hbm>>
        %dma_start3A_32 = arith.constant 0 : i32
        %dma_start3A_33 = tpu.memref_slice %arg12[%mul3A_27, %dma_start3A_32] : memref<10240x32xf32, #tpu.memory_space<vmem_shared>> -> memref<640x32xf32, #tpu.memory_space<vmem_shared>>
        tpu.enqueue_dma source(%dma_start3A_33 : memref<640x32xf32, #tpu.memory_space<vmem_shared>>) target(%dma_start3A_31 : memref<640x32xf32, #tpu.memory_space<hbm>>) target_semaphore(%run_scoped3A : memref<!tpu.dma_semaphore, #tpu.memory_space<semaphore_mem>>)
        %dma_wait3A = arith.constant 0 : i32
        %dma_wait3A_34 = tpu.memref_slice %arg6[%mul3A_29, %dma_wait3A] : memref<10240x32xf32, #tpu.memory_space<hbm>> -> memref<640x32xf32, #tpu.memory_space<hbm>>
        %dma_wait3A_35 = arith.constant 0 : i32
        %dma_wait3A_36 = tpu.memref_slice %arg12[%mul3A_27, %dma_wait3A_35] : memref<10240x32xf32, #tpu.memory_space<vmem_shared>> -> memref<640x32xf32, #tpu.memory_space<vmem_shared>>
        tpu.wait_dma2 semaphore(%run_scoped3A : memref<!tpu.dma_semaphore, #tpu.memory_space<semaphore_mem>>) src(%dma_wait3A_36 : memref<640x32xf32, #tpu.memory_space<vmem_shared>>) dst(%dma_wait3A_34 : memref<640x32xf32, #tpu.memory_space<hbm>>)
        tpu.yield
      }) : () -> ()
    } else {
    }
    %eq3A_21 = arith.constant 1 : i32
    %eq3A_22 = arith.cmpi eq, %arg0, %eq3A_21 : i32
    %convert_element_type3A_23 = arith.extui %eq3A_22 : i1 to i32
    %cond3A_24 = arith.constant 0 : i32
    %cond3A_25 = arith.cmpi ne, %convert_element_type3A_23, %cond3A_24 : i32
    scf.if %cond3A_25 {
      %mul3A_26 = arith.constant 640 : i32
      %mul3A_27 = arith.muli %arg1, %mul3A_26 : i32
      %mul3A_28 = arith.constant 640 : i32
      %mul3A_29 = arith.muli %arg1, %mul3A_28 : i32
      "tpu.region"() ({
        %run_scoped3A = tpu.sem_alloc : memref<!tpu.dma_semaphore, #tpu.memory_space<semaphore_mem>>
        %dma_start3A_30 = arith.constant 0 : i32
        %dma_start3A_31 = tpu.memref_slice %arg7[%mul3A_29, %dma_start3A_30] : memref<10240x32xf32, #tpu.memory_space<hbm>> -> memref<640x32xf32, #tpu.memory_space<hbm>>
        %dma_start3A_32 = arith.constant 0 : i32
        %dma_start3A_33 = tpu.memref_slice %arg12[%mul3A_27, %dma_start3A_32] : memref<10240x32xf32, #tpu.memory_space<vmem_shared>> -> memref<640x32xf32, #tpu.memory_space<vmem_shared>>
        tpu.enqueue_dma source(%dma_start3A_33 : memref<640x32xf32, #tpu.memory_space<vmem_shared>>) target(%dma_start3A_31 : memref<640x32xf32, #tpu.memory_space<hbm>>) target_semaphore(%run_scoped3A : memref<!tpu.dma_semaphore, #tpu.memory_space<semaphore_mem>>)
        %dma_wait3A = arith.constant 0 : i32
        %dma_wait3A_34 = tpu.memref_slice %arg7[%mul3A_29, %dma_wait3A] : memref<10240x32xf32, #tpu.memory_space<hbm>> -> memref<640x32xf32, #tpu.memory_space<hbm>>
        %dma_wait3A_35 = arith.constant 0 : i32
        %dma_wait3A_36 = tpu.memref_slice %arg12[%mul3A_27, %dma_wait3A_35] : memref<10240x32xf32, #tpu.memory_space<vmem_shared>> -> memref<640x32xf32, #tpu.memory_space<vmem_shared>>
        tpu.wait_dma2 semaphore(%run_scoped3A : memref<!tpu.dma_semaphore, #tpu.memory_space<semaphore_mem>>) src(%dma_wait3A_36 : memref<640x32xf32, #tpu.memory_space<vmem_shared>>) dst(%dma_wait3A_34 : memref<640x32xf32, #tpu.memory_space<hbm>>)
        tpu.yield
      }) : () -> ()
    } else {
    }
    return
  }
}

#map = affine_map<(d0, d1) -> (0, 0)>
module attributes {stable_mosaic.version = 14 : i64} {
  func.func @_sc_scatter_add(%arg0: i32, %arg1: i32, %arg2: memref<10240x32xf32, #tpu.memory_space<hbm>>, %arg3: memref<1280x128xi32, #tpu.memory_space<hbm>>, %arg4: memref<1280x128xi32, #tpu.memory_space<hbm>>, %arg5: memref<10240x32xf32, #tpu.memory_space<hbm>>, %arg6: memref<10240x32xf32, #tpu.memory_space<hbm>>, %arg7: memref<10240x32xf32, #tpu.memory_space<hbm>>, %arg8: memref<40x128xi32, #tpu.memory_space<vmem>>, %arg9: memref<40x128xi32, #tpu.memory_space<vmem>>, %arg10: memref<128x32xf32, #tpu.memory_space<vmem>>, %arg11: memref<128x32xf32, #tpu.memory_space<vmem>>, %arg12: memref<10240x32xf32, #tpu.memory_space<vmem_shared>>, %arg13: memref<!tpu.dma_semaphore, #tpu.memory_space<semaphore_mem>>, %arg14: memref<!tpu.dma_semaphore, #tpu.memory_space<semaphore_mem>>) attributes {dimension_semantics = [#tpu.dimension_semantics<core_parallel>, #tpu.dimension_semantics<subcore_parallel>], iteration_bounds = array<i64: 2, 16>, scalar_prefetch = 0 : i64, scratch_operands = 7 : i64, tpu.core_type = #tpu.core_type<sc_vector_subcore>, window_params = [{transform_indices = #map}, {transform_indices = #map}, {transform_indices = #map}, {transform_indices = #map}, {transform_indices = #map}, {transform_indices = #map}]} {
    %mul3A = arith.constant 2 : i32
    %mul3A_0 = arith.muli %arg1, %mul3A : i32
    %add3A = arith.addi %mul3A_0, %arg0 : i32
    %mul3A_1 = arith.constant 640 : i32
    %mul3A_2 = arith.muli %arg1, %mul3A_1 : i32
    %mul3A_3 = arith.constant 640 : i32
    %mul3A_4 = arith.muli %arg1, %mul3A_3 : i32
    "tpu.region"() ({
      %run_scoped3A = tpu.sem_alloc : memref<!tpu.dma_semaphore, #tpu.memory_space<semaphore_mem>>
      %dma_start3A_26 = arith.constant 0 : i32
      %dma_start3A_27 = tpu.memref_slice %arg12[%mul3A_4, %dma_start3A_26] : memref<10240x32xf32, #tpu.memory_space<vmem_shared>> -> memref<640x32xf32, #tpu.memory_space<vmem_shared>>
      %dma_start3A_28 = arith.constant 0 : i32
      %dma_start3A_29 = tpu.memref_slice %arg5[%mul3A_2, %dma_start3A_28] : memref<10240x32xf32, #tpu.memory_space<hbm>> -> memref<640x32xf32, #tpu.memory_space<hbm>>
      tpu.enqueue_dma source(%dma_start3A_29 : memref<640x32xf32, #tpu.memory_space<hbm>>) target(%dma_start3A_27 : memref<640x32xf32, #tpu.memory_space<vmem_shared>>) target_semaphore(%run_scoped3A : memref<!tpu.dma_semaphore, #tpu.memory_space<semaphore_mem>>)
      %dma_wait3A = arith.constant 0 : i32
      %dma_wait3A_30 = tpu.memref_slice %arg12[%mul3A_4, %dma_wait3A] : memref<10240x32xf32, #tpu.memory_space<vmem_shared>> -> memref<640x32xf32, #tpu.memory_space<vmem_shared>>
      %dma_wait3A_31 = arith.constant 0 : i32
      %dma_wait3A_32 = tpu.memref_slice %arg5[%mul3A_2, %dma_wait3A_31] : memref<10240x32xf32, #tpu.memory_space<hbm>> -> memref<640x32xf32, #tpu.memory_space<hbm>>
      tpu.wait_dma2 semaphore(%run_scoped3A : memref<!tpu.dma_semaphore, #tpu.memory_space<semaphore_mem>>) src(%dma_wait3A_32 : memref<640x32xf32, #tpu.memory_space<hbm>>) dst(%dma_wait3A_30 : memref<640x32xf32, #tpu.memory_space<vmem_shared>>)
      tpu.yield
    }) : () -> ()
    %barrier3A = arith.constant 0 : index
    tpu.barrier barrier_id(%barrier3A)
    %mul3A_5 = arith.constant 40 : i32
    %mul3A_6 = arith.muli %add3A, %mul3A_5 : i32
    "tpu.region"() ({
      %run_scoped3A = tpu.sem_alloc : memref<!tpu.dma_semaphore, #tpu.memory_space<semaphore_mem>>
      %dma_start3A_26 = arith.constant 0 : i32
      %dma_start3A_27 = tpu.memref_slice %arg3[%mul3A_6, %dma_start3A_26] : memref<1280x128xi32, #tpu.memory_space<hbm>> -> memref<40x128xi32, #tpu.memory_space<hbm>>
      %dma_start3A_28 = arith.constant 0 : i32
      %dma_start3A_29 = tpu.memref_slice %arg3[%mul3A_6, %dma_start3A_28] : memref<1280x128xi32, #tpu.memory_space<hbm>> -> memref<40x128xi32, #tpu.memory_space<hbm>>
      tpu.enqueue_dma source(%dma_start3A_29 : memref<40x128xi32, #tpu.memory_space<hbm>>) target(%arg8 : memref<40x128xi32, #tpu.memory_space<vmem>>) target_semaphore(%run_scoped3A : memref<!tpu.dma_semaphore, #tpu.memory_space<semaphore_mem>>)
      %dma_wait3A = arith.constant 0 : i32
      %dma_wait3A_30 = tpu.memref_slice %arg3[%mul3A_6, %dma_wait3A] : memref<1280x128xi32, #tpu.memory_space<hbm>> -> memref<40x128xi32, #tpu.memory_space<hbm>>
      %dma_wait3A_31 = arith.constant 0 : i32
      %dma_wait3A_32 = tpu.memref_slice %arg3[%mul3A_6, %dma_wait3A_31] : memref<1280x128xi32, #tpu.memory_space<hbm>> -> memref<40x128xi32, #tpu.memory_space<hbm>>
      tpu.wait_dma2 semaphore(%run_scoped3A : memref<!tpu.dma_semaphore, #tpu.memory_space<semaphore_mem>>) src(%dma_wait3A_32 : memref<40x128xi32, #tpu.memory_space<hbm>>) dst(%arg8 : memref<40x128xi32, #tpu.memory_space<vmem>>)
      tpu.yield
    }) : () -> ()
    "tpu.region"() ({
      %run_scoped3A = tpu.sem_alloc : memref<!tpu.dma_semaphore, #tpu.memory_space<semaphore_mem>>
      %dma_start3A_26 = arith.constant 0 : i32
      %dma_start3A_27 = tpu.memref_slice %arg4[%mul3A_6, %dma_start3A_26] : memref<1280x128xi32, #tpu.memory_space<hbm>> -> memref<40x128xi32, #tpu.memory_space<hbm>>
      %dma_start3A_28 = arith.constant 0 : i32
      %dma_start3A_29 = tpu.memref_slice %arg4[%mul3A_6, %dma_start3A_28] : memref<1280x128xi32, #tpu.memory_space<hbm>> -> memref<40x128xi32, #tpu.memory_space<hbm>>
      tpu.enqueue_dma source(%dma_start3A_29 : memref<40x128xi32, #tpu.memory_space<hbm>>) target(%arg9 : memref<40x128xi32, #tpu.memory_space<vmem>>) target_semaphore(%run_scoped3A : memref<!tpu.dma_semaphore, #tpu.memory_space<semaphore_mem>>)
      %dma_wait3A = arith.constant 0 : i32
      %dma_wait3A_30 = tpu.memref_slice %arg4[%mul3A_6, %dma_wait3A] : memref<1280x128xi32, #tpu.memory_space<hbm>> -> memref<40x128xi32, #tpu.memory_space<hbm>>
      %dma_wait3A_31 = arith.constant 0 : i32
      %dma_wait3A_32 = tpu.memref_slice %arg4[%mul3A_6, %dma_wait3A_31] : memref<1280x128xi32, #tpu.memory_space<hbm>> -> memref<40x128xi32, #tpu.memory_space<hbm>>
      tpu.wait_dma2 semaphore(%run_scoped3A : memref<!tpu.dma_semaphore, #tpu.memory_space<semaphore_mem>>) src(%dma_wait3A_32 : memref<40x128xi32, #tpu.memory_space<hbm>>) dst(%arg9 : memref<40x128xi32, #tpu.memory_space<vmem>>)
      tpu.yield
    }) : () -> ()
    %dma_start3A = arith.constant 0 : i32
    %dma_start3A_7 = arith.constant 0 : i32
    %dma_start3A_8 = tpu.memref_slice %arg8[%dma_start3A, %dma_start3A_7] : memref<40x128xi32, #tpu.memory_space<vmem>> -> memref<1x128xi32, #tpu.memory_space<vmem>>
    %dma_start3A_9 = tpu.memref_squeeze %dma_start3A_8 : memref<1x128xi32, #tpu.memory_space<vmem>> -> memref<128xi32, #tpu.memory_space<vmem>>
    %dma_start3A_10 = arith.constant 0 : i32
    %dma_start3A_11 = arith.constant 0 : i32
    %dma_start3A_12 = tpu.memref_slice %arg2[%dma_start3A_10, %dma_start3A_11] : memref<10240x32xf32, #tpu.memory_space<hbm>> -> memref<10240x32xf32, #tpu.memory_space<hbm>>
    tpu.enqueue_indirect_dma source(%dma_start3A_12 : memref<10240x32xf32, #tpu.memory_space<hbm>>) target(%arg10 : memref<128x32xf32, #tpu.memory_space<vmem>>) offsets(%dma_start3A_9 : memref<128xi32, #tpu.memory_space<vmem>>) semaphore(%arg13 : memref<!tpu.dma_semaphore, #tpu.memory_space<semaphore_mem>>)
    %scan3A = arith.constant 0 : i32
    %scan3A_13 = arith.constant 0 : i32
    %scan3A_14 = arith.constant 20 : i32
    %scan3A_15 = arith.addi %scan3A_13, %scan3A_14 : i32
    %scan3A_16 = arith.constant 1 : i32
    scf.for %scan3A_26 = %scan3A_13 to %scan3A_15 step %scan3A_16  : i32 {
      %mul3A_27 = arith.constant 2 : i32
      %mul3A_28 = arith.muli %mul3A_27, %scan3A_26 : i32
      %add3A_29 = arith.constant 1 : i32
      %add3A_30 = arith.addi %mul3A_28, %add3A_29 : i32
      %dma_start3A_31 = arith.constant 0 : i32
      %dma_start3A_32 = tpu.memref_slice %arg8[%add3A_30, %dma_start3A_31] : memref<40x128xi32, #tpu.memory_space<vmem>> -> memref<1x128xi32, #tpu.memory_space<vmem>>
      %dma_start3A_33 = tpu.memref_squeeze %dma_start3A_32 : memref<1x128xi32, #tpu.memory_space<vmem>> -> memref<128xi32, #tpu.memory_space<vmem>>
      %dma_start3A_34 = arith.constant 0 : i32
      %dma_start3A_35 = arith.constant 0 : i32
      %dma_start3A_36 = tpu.memref_slice %arg2[%dma_start3A_34, %dma_start3A_35] : memref<10240x32xf32, #tpu.memory_space<hbm>> -> memref<10240x32xf32, #tpu.memory_space<hbm>>
      tpu.enqueue_indirect_dma source(%dma_start3A_36 : memref<10240x32xf32, #tpu.memory_space<hbm>>) target(%arg11 : memref<128x32xf32, #tpu.memory_space<vmem>>) offsets(%dma_start3A_33 : memref<128xi32, #tpu.memory_space<vmem>>) semaphore(%arg14 : memref<!tpu.dma_semaphore, #tpu.memory_space<semaphore_mem>>)
      %dma_wait3A = arith.constant 0 : i32
      %dma_wait3A_37 = tpu.memref_slice %arg8[%mul3A_28, %dma_wait3A] : memref<40x128xi32, #tpu.memory_space<vmem>> -> memref<1x128xi32, #tpu.memory_space<vmem>>
      %dma_wait3A_38 = tpu.memref_squeeze %dma_wait3A_37 : memref<1x128xi32, #tpu.memory_space<vmem>> -> memref<128xi32, #tpu.memory_space<vmem>>
      %dma_wait3A_39 = arith.constant 0 : i32
      %dma_wait3A_40 = arith.constant 0 : i32
      %dma_wait3A_41 = tpu.memref_slice %arg2[%dma_wait3A_39, %dma_wait3A_40] : memref<10240x32xf32, #tpu.memory_space<hbm>> -> memref<10240x32xf32, #tpu.memory_space<hbm>>
      tpu.wait_indirect_dma semaphore(%arg13 : memref<!tpu.dma_semaphore, #tpu.memory_space<semaphore_mem>>) src(%dma_wait3A_41 : memref<10240x32xf32, #tpu.memory_space<hbm>>) dst(%arg10 : memref<128x32xf32, #tpu.memory_space<vmem>>)
      "tpu.region"() ({
        %run_scoped3A = tpu.sem_alloc : memref<!tpu.dma_semaphore, #tpu.memory_space<semaphore_mem>>
        %dma_start3A_56 = arith.constant 0 : i32
        %dma_start3A_57 = tpu.memref_slice %arg9[%mul3A_28, %dma_start3A_56] : memref<40x128xi32, #tpu.memory_space<vmem>> -> memref<1x128xi32, #tpu.memory_space<vmem>>
        %dma_start3A_58 = tpu.memref_squeeze %dma_start3A_57 : memref<1x128xi32, #tpu.memory_space<vmem>> -> memref<128xi32, #tpu.memory_space<vmem>>
        %dma_start3A_59 = arith.constant 0 : i32
        %dma_start3A_60 = arith.constant 0 : i32
        %dma_start3A_61 = tpu.memref_slice %arg12[%dma_start3A_59, %dma_start3A_60] : memref<10240x32xf32, #tpu.memory_space<vmem_shared>> -> memref<10240x32xf32, #tpu.memory_space<vmem_shared>>
        tpu.enqueue_indirect_dma source(%arg10 : memref<128x32xf32, #tpu.memory_space<vmem>>) target(%dma_start3A_61 : memref<10240x32xf32, #tpu.memory_space<vmem_shared>>) offsets(%dma_start3A_58 : memref<128xi32, #tpu.memory_space<vmem>>) semaphore(%run_scoped3A : memref<!tpu.dma_semaphore, #tpu.memory_space<semaphore_mem>>) {add = true}
        %dma_wait3A_62 = arith.constant 0 : i32
        %dma_wait3A_63 = tpu.memref_slice %arg9[%mul3A_28, %dma_wait3A_62] : memref<40x128xi32, #tpu.memory_space<vmem>> -> memref<1x128xi32, #tpu.memory_space<vmem>>
        %dma_wait3A_64 = tpu.memref_squeeze %dma_wait3A_63 : memref<1x128xi32, #tpu.memory_space<vmem>> -> memref<128xi32, #tpu.memory_space<vmem>>
        %dma_wait3A_65 = arith.constant 0 : i32
        %dma_wait3A_66 = arith.constant 0 : i32
        %dma_wait3A_67 = tpu.memref_slice %arg12[%dma_wait3A_65, %dma_wait3A_66] : memref<10240x32xf32, #tpu.memory_space<vmem_shared>> -> memref<10240x32xf32, #tpu.memory_space<vmem_shared>>
        tpu.wait_indirect_dma semaphore(%run_scoped3A : memref<!tpu.dma_semaphore, #tpu.memory_space<semaphore_mem>>) src(%arg10 : memref<128x32xf32, #tpu.memory_space<vmem>>) dst(%dma_wait3A_67 : memref<10240x32xf32, #tpu.memory_space<vmem_shared>>)
        tpu.yield
      }) : () -> ()
      %lt3A = arith.constant 19 : i32
      %lt3A_42 = arith.cmpi slt, %scan3A_26, %lt3A : i32
      %convert_element_type3A_43 = arith.extui %lt3A_42 : i1 to i32
      %cond3A_44 = arith.constant 0 : i32
      %cond3A_45 = arith.cmpi ne, %convert_element_type3A_43, %cond3A_44 : i32
      scf.if %cond3A_45 {
        %add3A_56 = arith.constant 2 : i32
        %add3A_57 = arith.addi %mul3A_28, %add3A_56 : i32
        %dma_start3A_58 = arith.constant 0 : i32
        %dma_start3A_59 = tpu.memref_slice %arg8[%add3A_57, %dma_start3A_58] : memref<40x128xi32, #tpu.memory_space<vmem>> -> memref<1x128xi32, #tpu.memory_space<vmem>>
        %dma_start3A_60 = tpu.memref_squeeze %dma_start3A_59 : memref<1x128xi32, #tpu.memory_space<vmem>> -> memref<128xi32, #tpu.memory_space<vmem>>
        %dma_start3A_61 = arith.constant 0 : i32
        %dma_start3A_62 = arith.constant 0 : i32
        %dma_start3A_63 = tpu.memref_slice %arg2[%dma_start3A_61, %dma_start3A_62] : memref<10240x32xf32, #tpu.memory_space<hbm>> -> memref<10240x32xf32, #tpu.memory_space<hbm>>
        tpu.enqueue_indirect_dma source(%dma_start3A_63 : memref<10240x32xf32, #tpu.memory_space<hbm>>) target(%arg10 : memref<128x32xf32, #tpu.memory_space<vmem>>) offsets(%dma_start3A_60 : memref<128xi32, #tpu.memory_space<vmem>>) semaphore(%arg13 : memref<!tpu.dma_semaphore, #tpu.memory_space<semaphore_mem>>)
      } else {
      }
      %add3A_46 = arith.constant 1 : i32
      %add3A_47 = arith.addi %mul3A_28, %add3A_46 : i32
      %dma_wait3A_48 = arith.constant 0 : i32
      %dma_wait3A_49 = tpu.memref_slice %arg8[%add3A_47, %dma_wait3A_48] : memref<40x128xi32, #tpu.memory_space<vmem>> -> memref<1x128xi32, #tpu.memory_space<vmem>>
      %dma_wait3A_50 = tpu.memref_squeeze %dma_wait3A_49 : memref<1x128xi32, #tpu.memory_space<vmem>> -> memref<128xi32, #tpu.memory_space<vmem>>
      %dma_wait3A_51 = arith.constant 0 : i32
      %dma_wait3A_52 = arith.constant 0 : i32
      %dma_wait3A_53 = tpu.memref_slice %arg2[%dma_wait3A_51, %dma_wait3A_52] : memref<10240x32xf32, #tpu.memory_space<hbm>> -> memref<10240x32xf32, #tpu.memory_space<hbm>>
      tpu.wait_indirect_dma semaphore(%arg14 : memref<!tpu.dma_semaphore, #tpu.memory_space<semaphore_mem>>) src(%dma_wait3A_53 : memref<10240x32xf32, #tpu.memory_space<hbm>>) dst(%arg11 : memref<128x32xf32, #tpu.memory_space<vmem>>)
      %add3A_54 = arith.constant 1 : i32
      %add3A_55 = arith.addi %mul3A_28, %add3A_54 : i32
      "tpu.region"() ({
        %run_scoped3A = tpu.sem_alloc : memref<!tpu.dma_semaphore, #tpu.memory_space<semaphore_mem>>
        %dma_start3A_56 = arith.constant 0 : i32
        %dma_start3A_57 = tpu.memref_slice %arg9[%add3A_55, %dma_start3A_56] : memref<40x128xi32, #tpu.memory_space<vmem>> -> memref<1x128xi32, #tpu.memory_space<vmem>>
        %dma_start3A_58 = tpu.memref_squeeze %dma_start3A_57 : memref<1x128xi32, #tpu.memory_space<vmem>> -> memref<128xi32, #tpu.memory_space<vmem>>
        %dma_start3A_59 = arith.constant 0 : i32
        %dma_start3A_60 = arith.constant 0 : i32
        %dma_start3A_61 = tpu.memref_slice %arg12[%dma_start3A_59, %dma_start3A_60] : memref<10240x32xf32, #tpu.memory_space<vmem_shared>> -> memref<10240x32xf32, #tpu.memory_space<vmem_shared>>
        tpu.enqueue_indirect_dma source(%arg11 : memref<128x32xf32, #tpu.memory_space<vmem>>) target(%dma_start3A_61 : memref<10240x32xf32, #tpu.memory_space<vmem_shared>>) offsets(%dma_start3A_58 : memref<128xi32, #tpu.memory_space<vmem>>) semaphore(%run_scoped3A : memref<!tpu.dma_semaphore, #tpu.memory_space<semaphore_mem>>) {add = true}
        %dma_wait3A_62 = arith.constant 0 : i32
        %dma_wait3A_63 = tpu.memref_slice %arg9[%add3A_55, %dma_wait3A_62] : memref<40x128xi32, #tpu.memory_space<vmem>> -> memref<1x128xi32, #tpu.memory_space<vmem>>
        %dma_wait3A_64 = tpu.memref_squeeze %dma_wait3A_63 : memref<1x128xi32, #tpu.memory_space<vmem>> -> memref<128xi32, #tpu.memory_space<vmem>>
        %dma_wait3A_65 = arith.constant 0 : i32
        %dma_wait3A_66 = arith.constant 0 : i32
        %dma_wait3A_67 = tpu.memref_slice %arg12[%dma_wait3A_65, %dma_wait3A_66] : memref<10240x32xf32, #tpu.memory_space<vmem_shared>> -> memref<10240x32xf32, #tpu.memory_space<vmem_shared>>
        tpu.wait_indirect_dma semaphore(%run_scoped3A : memref<!tpu.dma_semaphore, #tpu.memory_space<semaphore_mem>>) src(%arg11 : memref<128x32xf32, #tpu.memory_space<vmem>>) dst(%dma_wait3A_67 : memref<10240x32xf32, #tpu.memory_space<vmem_shared>>)
        tpu.yield
      }) : () -> ()
    }
    %scan3A_17 = arith.constant 20 : i32
    %barrier3A_18 = arith.constant 0 : index
    tpu.barrier barrier_id(%barrier3A_18)
    %eq3A = arith.constant 0 : i32
    %eq3A_19 = arith.cmpi eq, %arg0, %eq3A : i32
    %convert_element_type3A = arith.extui %eq3A_19 : i1 to i32
    %cond3A = arith.constant 0 : i32
    %cond3A_20 = arith.cmpi ne, %convert_element_type3A, %cond3A : i32
    scf.if %cond3A_20 {
      %mul3A_26 = arith.constant 640 : i32
      %mul3A_27 = arith.muli %arg1, %mul3A_26 : i32
      %mul3A_28 = arith.constant 640 : i32
      %mul3A_29 = arith.muli %arg1, %mul3A_28 : i32
      "tpu.region"() ({
        %run_scoped3A = tpu.sem_alloc : memref<!tpu.dma_semaphore, #tpu.memory_space<semaphore_mem>>
        %dma_start3A_30 = arith.constant 0 : i32
        %dma_start3A_31 = tpu.memref_slice %arg6[%mul3A_29, %dma_start3A_30] : memref<10240x32xf32, #tpu.memory_space<hbm>> -> memref<640x32xf32, #tpu.memory_space<hbm>>
        %dma_start3A_32 = arith.constant 0 : i32
        %dma_start3A_33 = tpu.memref_slice %arg12[%mul3A_27, %dma_start3A_32] : memref<10240x32xf32, #tpu.memory_space<vmem_shared>> -> memref<640x32xf32, #tpu.memory_space<vmem_shared>>
        tpu.enqueue_dma source(%dma_start3A_33 : memref<640x32xf32, #tpu.memory_space<vmem_shared>>) target(%dma_start3A_31 : memref<640x32xf32, #tpu.memory_space<hbm>>) target_semaphore(%run_scoped3A : memref<!tpu.dma_semaphore, #tpu.memory_space<semaphore_mem>>)
        %dma_wait3A = arith.constant 0 : i32
        %dma_wait3A_34 = tpu.memref_slice %arg6[%mul3A_29, %dma_wait3A] : memref<10240x32xf32, #tpu.memory_space<hbm>> -> memref<640x32xf32, #tpu.memory_space<hbm>>
        %dma_wait3A_35 = arith.constant 0 : i32
        %dma_wait3A_36 = tpu.memref_slice %arg12[%mul3A_27, %dma_wait3A_35] : memref<10240x32xf32, #tpu.memory_space<vmem_shared>> -> memref<640x32xf32, #tpu.memory_space<vmem_shared>>
        tpu.wait_dma2 semaphore(%run_scoped3A : memref<!tpu.dma_semaphore, #tpu.memory_space<semaphore_mem>>) src(%dma_wait3A_36 : memref<640x32xf32, #tpu.memory_space<vmem_shared>>) dst(%dma_wait3A_34 : memref<640x32xf32, #tpu.memory_space<hbm>>)
        tpu.yield
      }) : () -> ()
    } else {
    }
    %eq3A_21 = arith.constant 1 : i32
    %eq3A_22 = arith.cmpi eq, %arg0, %eq3A_21 : i32
    %convert_element_type3A_23 = arith.extui %eq3A_22 : i1 to i32
    %cond3A_24 = arith.constant 0 : i32
    %cond3A_25 = arith.cmpi ne, %convert_element_type3A_23, %cond3A_24 : i32
    scf.if %cond3A_25 {
      %mul3A_26 = arith.constant 640 : i32
      %mul3A_27 = arith.muli %arg1, %mul3A_26 : i32
      %mul3A_28 = arith.constant 640 : i32
      %mul3A_29 = arith.muli %arg1, %mul3A_28 : i32
      "tpu.region"() ({
        %run_scoped3A = tpu.sem_alloc : memref<!tpu.dma_semaphore, #tpu.memory_space<semaphore_mem>>
        %dma_start3A_30 = arith.constant 0 : i32
        %dma_start3A_31 = tpu.memref_slice %arg7[%mul3A_29, %dma_start3A_30] : memref<10240x32xf32, #tpu.memory_space<hbm>> -> memref<640x32xf32, #tpu.memory_space<hbm>>
        %dma_start3A_32 = arith.constant 0 : i32
        %dma_start3A_33 = tpu.memref_slice %arg12[%mul3A_27, %dma_start3A_32] : memref<10240x32xf32, #tpu.memory_space<vmem_shared>> -> memref<640x32xf32, #tpu.memory_space<vmem_shared>>
        tpu.enqueue_dma source(%dma_start3A_33 : memref<640x32xf32, #tpu.memory_space<vmem_shared>>) target(%dma_start3A_31 : memref<640x32xf32, #tpu.memory_space<hbm>>) target_semaphore(%run_scoped3A : memref<!tpu.dma_semaphore, #tpu.memory_space<semaphore_mem>>)
        %dma_wait3A = arith.constant 0 : i32
        %dma_wait3A_34 = tpu.memref_slice %arg7[%mul3A_29, %dma_wait3A] : memref<10240x32xf32, #tpu.memory_space<hbm>> -> memref<640x32xf32, #tpu.memory_space<hbm>>
        %dma_wait3A_35 = arith.constant 0 : i32
        %dma_wait3A_36 = tpu.memref_slice %arg12[%mul3A_27, %dma_wait3A_35] : memref<10240x32xf32, #tpu.memory_space<vmem_shared>> -> memref<640x32xf32, #tpu.memory_space<vmem_shared>>
        tpu.wait_dma2 semaphore(%run_scoped3A : memref<!tpu.dma_semaphore, #tpu.memory_space<semaphore_mem>>) src(%dma_wait3A_36 : memref<640x32xf32, #tpu.memory_space<vmem_shared>>) dst(%dma_wait3A_34 : memref<640x32xf32, #tpu.memory_space<hbm>>)
        tpu.yield
      }) : () -> ()
    } else {
    }
    return
  }
}

#map = affine_map<(d0, d1) -> (0, 0)>
module attributes {stable_mosaic.version = 14 : i64} {
  func.func @_sc_scatter_add(%arg0: i32, %arg1: i32, %arg2: memref<10240x32xf32, #tpu.memory_space<hbm>>, %arg3: memref<1280x128xi32, #tpu.memory_space<hbm>>, %arg4: memref<1280x128xi32, #tpu.memory_space<hbm>>, %arg5: memref<10240x32xf32, #tpu.memory_space<hbm>>, %arg6: memref<10240x32xf32, #tpu.memory_space<hbm>>, %arg7: memref<10240x32xf32, #tpu.memory_space<hbm>>, %arg8: memref<40x128xi32, #tpu.memory_space<vmem>>, %arg9: memref<40x128xi32, #tpu.memory_space<vmem>>, %arg10: memref<128x32xf32, #tpu.memory_space<vmem>>, %arg11: memref<128x32xf32, #tpu.memory_space<vmem>>, %arg12: memref<10240x32xf32, #tpu.memory_space<vmem_shared>>, %arg13: memref<!tpu.dma_semaphore, #tpu.memory_space<semaphore_mem>>, %arg14: memref<!tpu.dma_semaphore, #tpu.memory_space<semaphore_mem>>) attributes {dimension_semantics = [#tpu.dimension_semantics<core_parallel>, #tpu.dimension_semantics<subcore_parallel>], iteration_bounds = array<i64: 2, 16>, scalar_prefetch = 0 : i64, scratch_operands = 7 : i64, tpu.core_type = #tpu.core_type<sc_vector_subcore>, window_params = [{transform_indices = #map}, {transform_indices = #map}, {transform_indices = #map}, {transform_indices = #map}, {transform_indices = #map}, {transform_indices = #map}]} {
    %mul3A = arith.constant 2 : i32
    %mul3A_0 = arith.muli %arg1, %mul3A : i32
    %add3A = arith.addi %mul3A_0, %arg0 : i32
    %mul3A_1 = arith.constant 640 : i32
    %mul3A_2 = arith.muli %arg1, %mul3A_1 : i32
    %mul3A_3 = arith.constant 640 : i32
    %mul3A_4 = arith.muli %arg1, %mul3A_3 : i32
    "tpu.region"() ({
      %run_scoped3A = tpu.sem_alloc : memref<!tpu.dma_semaphore, #tpu.memory_space<semaphore_mem>>
      %dma_start3A_26 = arith.constant 0 : i32
      %dma_start3A_27 = tpu.memref_slice %arg12[%mul3A_4, %dma_start3A_26] : memref<10240x32xf32, #tpu.memory_space<vmem_shared>> -> memref<640x32xf32, #tpu.memory_space<vmem_shared>>
      %dma_start3A_28 = arith.constant 0 : i32
      %dma_start3A_29 = tpu.memref_slice %arg5[%mul3A_2, %dma_start3A_28] : memref<10240x32xf32, #tpu.memory_space<hbm>> -> memref<640x32xf32, #tpu.memory_space<hbm>>
      tpu.enqueue_dma source(%dma_start3A_29 : memref<640x32xf32, #tpu.memory_space<hbm>>) target(%dma_start3A_27 : memref<640x32xf32, #tpu.memory_space<vmem_shared>>) target_semaphore(%run_scoped3A : memref<!tpu.dma_semaphore, #tpu.memory_space<semaphore_mem>>)
      %dma_wait3A = arith.constant 0 : i32
      %dma_wait3A_30 = tpu.memref_slice %arg12[%mul3A_4, %dma_wait3A] : memref<10240x32xf32, #tpu.memory_space<vmem_shared>> -> memref<640x32xf32, #tpu.memory_space<vmem_shared>>
      %dma_wait3A_31 = arith.constant 0 : i32
      %dma_wait3A_32 = tpu.memref_slice %arg5[%mul3A_2, %dma_wait3A_31] : memref<10240x32xf32, #tpu.memory_space<hbm>> -> memref<640x32xf32, #tpu.memory_space<hbm>>
      tpu.wait_dma2 semaphore(%run_scoped3A : memref<!tpu.dma_semaphore, #tpu.memory_space<semaphore_mem>>) src(%dma_wait3A_32 : memref<640x32xf32, #tpu.memory_space<hbm>>) dst(%dma_wait3A_30 : memref<640x32xf32, #tpu.memory_space<vmem_shared>>)
      tpu.yield
    }) : () -> ()
    %barrier3A = arith.constant 0 : index
    tpu.barrier barrier_id(%barrier3A)
    %mul3A_5 = arith.constant 40 : i32
    %mul3A_6 = arith.muli %add3A, %mul3A_5 : i32
    "tpu.region"() ({
      %run_scoped3A = tpu.sem_alloc : memref<!tpu.dma_semaphore, #tpu.memory_space<semaphore_mem>>
      %dma_start3A_26 = arith.constant 0 : i32
      %dma_start3A_27 = tpu.memref_slice %arg3[%mul3A_6, %dma_start3A_26] : memref<1280x128xi32, #tpu.memory_space<hbm>> -> memref<40x128xi32, #tpu.memory_space<hbm>>
      %dma_start3A_28 = arith.constant 0 : i32
      %dma_start3A_29 = tpu.memref_slice %arg3[%mul3A_6, %dma_start3A_28] : memref<1280x128xi32, #tpu.memory_space<hbm>> -> memref<40x128xi32, #tpu.memory_space<hbm>>
      tpu.enqueue_dma source(%dma_start3A_29 : memref<40x128xi32, #tpu.memory_space<hbm>>) target(%arg8 : memref<40x128xi32, #tpu.memory_space<vmem>>) target_semaphore(%run_scoped3A : memref<!tpu.dma_semaphore, #tpu.memory_space<semaphore_mem>>)
      %dma_wait3A = arith.constant 0 : i32
      %dma_wait3A_30 = tpu.memref_slice %arg3[%mul3A_6, %dma_wait3A] : memref<1280x128xi32, #tpu.memory_space<hbm>> -> memref<40x128xi32, #tpu.memory_space<hbm>>
      %dma_wait3A_31 = arith.constant 0 : i32
      %dma_wait3A_32 = tpu.memref_slice %arg3[%mul3A_6, %dma_wait3A_31] : memref<1280x128xi32, #tpu.memory_space<hbm>> -> memref<40x128xi32, #tpu.memory_space<hbm>>
      tpu.wait_dma2 semaphore(%run_scoped3A : memref<!tpu.dma_semaphore, #tpu.memory_space<semaphore_mem>>) src(%dma_wait3A_32 : memref<40x128xi32, #tpu.memory_space<hbm>>) dst(%arg8 : memref<40x128xi32, #tpu.memory_space<vmem>>)
      tpu.yield
    }) : () -> ()
    "tpu.region"() ({
      %run_scoped3A = tpu.sem_alloc : memref<!tpu.dma_semaphore, #tpu.memory_space<semaphore_mem>>
      %dma_start3A_26 = arith.constant 0 : i32
      %dma_start3A_27 = tpu.memref_slice %arg4[%mul3A_6, %dma_start3A_26] : memref<1280x128xi32, #tpu.memory_space<hbm>> -> memref<40x128xi32, #tpu.memory_space<hbm>>
      %dma_start3A_28 = arith.constant 0 : i32
      %dma_start3A_29 = tpu.memref_slice %arg4[%mul3A_6, %dma_start3A_28] : memref<1280x128xi32, #tpu.memory_space<hbm>> -> memref<40x128xi32, #tpu.memory_space<hbm>>
      tpu.enqueue_dma source(%dma_start3A_29 : memref<40x128xi32, #tpu.memory_space<hbm>>) target(%arg9 : memref<40x128xi32, #tpu.memory_space<vmem>>) target_semaphore(%run_scoped3A : memref<!tpu.dma_semaphore, #tpu.memory_space<semaphore_mem>>)
      %dma_wait3A = arith.constant 0 : i32
      %dma_wait3A_30 = tpu.memref_slice %arg4[%mul3A_6, %dma_wait3A] : memref<1280x128xi32, #tpu.memory_space<hbm>> -> memref<40x128xi32, #tpu.memory_space<hbm>>
      %dma_wait3A_31 = arith.constant 0 : i32
      %dma_wait3A_32 = tpu.memref_slice %arg4[%mul3A_6, %dma_wait3A_31] : memref<1280x128xi32, #tpu.memory_space<hbm>> -> memref<40x128xi32, #tpu.memory_space<hbm>>
      tpu.wait_dma2 semaphore(%run_scoped3A : memref<!tpu.dma_semaphore, #tpu.memory_space<semaphore_mem>>) src(%dma_wait3A_32 : memref<40x128xi32, #tpu.memory_space<hbm>>) dst(%arg9 : memref<40x128xi32, #tpu.memory_space<vmem>>)
      tpu.yield
    }) : () -> ()
    %dma_start3A = arith.constant 0 : i32
    %dma_start3A_7 = arith.constant 0 : i32
    %dma_start3A_8 = tpu.memref_slice %arg8[%dma_start3A, %dma_start3A_7] : memref<40x128xi32, #tpu.memory_space<vmem>> -> memref<1x128xi32, #tpu.memory_space<vmem>>
    %dma_start3A_9 = tpu.memref_squeeze %dma_start3A_8 : memref<1x128xi32, #tpu.memory_space<vmem>> -> memref<128xi32, #tpu.memory_space<vmem>>
    %dma_start3A_10 = arith.constant 0 : i32
    %dma_start3A_11 = arith.constant 0 : i32
    %dma_start3A_12 = tpu.memref_slice %arg2[%dma_start3A_10, %dma_start3A_11] : memref<10240x32xf32, #tpu.memory_space<hbm>> -> memref<10240x32xf32, #tpu.memory_space<hbm>>
    tpu.enqueue_indirect_dma source(%dma_start3A_12 : memref<10240x32xf32, #tpu.memory_space<hbm>>) target(%arg10 : memref<128x32xf32, #tpu.memory_space<vmem>>) offsets(%dma_start3A_9 : memref<128xi32, #tpu.memory_space<vmem>>) semaphore(%arg13 : memref<!tpu.dma_semaphore, #tpu.memory_space<semaphore_mem>>)
    %scan3A = arith.constant 0 : i32
    %scan3A_13 = arith.constant 0 : i32
    %scan3A_14 = arith.constant 20 : i32
    %scan3A_15 = arith.addi %scan3A_13, %scan3A_14 : i32
    %scan3A_16 = arith.constant 1 : i32
    scf.for %scan3A_26 = %scan3A_13 to %scan3A_15 step %scan3A_16  : i32 {
      %mul3A_27 = arith.constant 2 : i32
      %mul3A_28 = arith.muli %mul3A_27, %scan3A_26 : i32
      %add3A_29 = arith.constant 1 : i32
      %add3A_30 = arith.addi %mul3A_28, %add3A_29 : i32
      %dma_start3A_31 = arith.constant 0 : i32
      %dma_start3A_32 = tpu.memref_slice %arg8[%add3A_30, %dma_start3A_31] : memref<40x128xi32, #tpu.memory_space<vmem>> -> memref<1x128xi32, #tpu.memory_space<vmem>>
      %dma_start3A_33 = tpu.memref_squeeze %dma_start3A_32 : memref<1x128xi32, #tpu.memory_space<vmem>> -> memref<128xi32, #tpu.memory_space<vmem>>
      %dma_start3A_34 = arith.constant 0 : i32
      %dma_start3A_35 = arith.constant 0 : i32
      %dma_start3A_36 = tpu.memref_slice %arg2[%dma_start3A_34, %dma_start3A_35] : memref<10240x32xf32, #tpu.memory_space<hbm>> -> memref<10240x32xf32, #tpu.memory_space<hbm>>
      tpu.enqueue_indirect_dma source(%dma_start3A_36 : memref<10240x32xf32, #tpu.memory_space<hbm>>) target(%arg11 : memref<128x32xf32, #tpu.memory_space<vmem>>) offsets(%dma_start3A_33 : memref<128xi32, #tpu.memory_space<vmem>>) semaphore(%arg14 : memref<!tpu.dma_semaphore, #tpu.memory_space<semaphore_mem>>)
      %dma_wait3A = arith.constant 0 : i32
      %dma_wait3A_37 = tpu.memref_slice %arg8[%mul3A_28, %dma_wait3A] : memref<40x128xi32, #tpu.memory_space<vmem>> -> memref<1x128xi32, #tpu.memory_space<vmem>>
      %dma_wait3A_38 = tpu.memref_squeeze %dma_wait3A_37 : memref<1x128xi32, #tpu.memory_space<vmem>> -> memref<128xi32, #tpu.memory_space<vmem>>
      %dma_wait3A_39 = arith.constant 0 : i32
      %dma_wait3A_40 = arith.constant 0 : i32
      %dma_wait3A_41 = tpu.memref_slice %arg2[%dma_wait3A_39, %dma_wait3A_40] : memref<10240x32xf32, #tpu.memory_space<hbm>> -> memref<10240x32xf32, #tpu.memory_space<hbm>>
      tpu.wait_indirect_dma semaphore(%arg13 : memref<!tpu.dma_semaphore, #tpu.memory_space<semaphore_mem>>) src(%dma_wait3A_41 : memref<10240x32xf32, #tpu.memory_space<hbm>>) dst(%arg10 : memref<128x32xf32, #tpu.memory_space<vmem>>)
      "tpu.region"() ({
        %run_scoped3A = tpu.sem_alloc : memref<!tpu.dma_semaphore, #tpu.memory_space<semaphore_mem>>
        %dma_start3A_56 = arith.constant 0 : i32
        %dma_start3A_57 = tpu.memref_slice %arg9[%mul3A_28, %dma_start3A_56] : memref<40x128xi32, #tpu.memory_space<vmem>> -> memref<1x128xi32, #tpu.memory_space<vmem>>
        %dma_start3A_58 = tpu.memref_squeeze %dma_start3A_57 : memref<1x128xi32, #tpu.memory_space<vmem>> -> memref<128xi32, #tpu.memory_space<vmem>>
        %dma_start3A_59 = arith.constant 0 : i32
        %dma_start3A_60 = arith.constant 0 : i32
        %dma_start3A_61 = tpu.memref_slice %arg12[%dma_start3A_59, %dma_start3A_60] : memref<10240x32xf32, #tpu.memory_space<vmem_shared>> -> memref<10240x32xf32, #tpu.memory_space<vmem_shared>>
        tpu.enqueue_indirect_dma source(%arg10 : memref<128x32xf32, #tpu.memory_space<vmem>>) target(%dma_start3A_61 : memref<10240x32xf32, #tpu.memory_space<vmem_shared>>) offsets(%dma_start3A_58 : memref<128xi32, #tpu.memory_space<vmem>>) semaphore(%run_scoped3A : memref<!tpu.dma_semaphore, #tpu.memory_space<semaphore_mem>>) {add = true}
        %dma_wait3A_62 = arith.constant 0 : i32
        %dma_wait3A_63 = tpu.memref_slice %arg9[%mul3A_28, %dma_wait3A_62] : memref<40x128xi32, #tpu.memory_space<vmem>> -> memref<1x128xi32, #tpu.memory_space<vmem>>
        %dma_wait3A_64 = tpu.memref_squeeze %dma_wait3A_63 : memref<1x128xi32, #tpu.memory_space<vmem>> -> memref<128xi32, #tpu.memory_space<vmem>>
        %dma_wait3A_65 = arith.constant 0 : i32
        %dma_wait3A_66 = arith.constant 0 : i32
        %dma_wait3A_67 = tpu.memref_slice %arg12[%dma_wait3A_65, %dma_wait3A_66] : memref<10240x32xf32, #tpu.memory_space<vmem_shared>> -> memref<10240x32xf32, #tpu.memory_space<vmem_shared>>
        tpu.wait_indirect_dma semaphore(%run_scoped3A : memref<!tpu.dma_semaphore, #tpu.memory_space<semaphore_mem>>) src(%arg10 : memref<128x32xf32, #tpu.memory_space<vmem>>) dst(%dma_wait3A_67 : memref<10240x32xf32, #tpu.memory_space<vmem_shared>>)
        tpu.yield
      }) : () -> ()
      %lt3A = arith.constant 19 : i32
      %lt3A_42 = arith.cmpi slt, %scan3A_26, %lt3A : i32
      %convert_element_type3A_43 = arith.extui %lt3A_42 : i1 to i32
      %cond3A_44 = arith.constant 0 : i32
      %cond3A_45 = arith.cmpi ne, %convert_element_type3A_43, %cond3A_44 : i32
      scf.if %cond3A_45 {
        %add3A_56 = arith.constant 2 : i32
        %add3A_57 = arith.addi %mul3A_28, %add3A_56 : i32
        %dma_start3A_58 = arith.constant 0 : i32
        %dma_start3A_59 = tpu.memref_slice %arg8[%add3A_57, %dma_start3A_58] : memref<40x128xi32, #tpu.memory_space<vmem>> -> memref<1x128xi32, #tpu.memory_space<vmem>>
        %dma_start3A_60 = tpu.memref_squeeze %dma_start3A_59 : memref<1x128xi32, #tpu.memory_space<vmem>> -> memref<128xi32, #tpu.memory_space<vmem>>
        %dma_start3A_61 = arith.constant 0 : i32
        %dma_start3A_62 = arith.constant 0 : i32
        %dma_start3A_63 = tpu.memref_slice %arg2[%dma_start3A_61, %dma_start3A_62] : memref<10240x32xf32, #tpu.memory_space<hbm>> -> memref<10240x32xf32, #tpu.memory_space<hbm>>
        tpu.enqueue_indirect_dma source(%dma_start3A_63 : memref<10240x32xf32, #tpu.memory_space<hbm>>) target(%arg10 : memref<128x32xf32, #tpu.memory_space<vmem>>) offsets(%dma_start3A_60 : memref<128xi32, #tpu.memory_space<vmem>>) semaphore(%arg13 : memref<!tpu.dma_semaphore, #tpu.memory_space<semaphore_mem>>)
      } else {
      }
      %add3A_46 = arith.constant 1 : i32
      %add3A_47 = arith.addi %mul3A_28, %add3A_46 : i32
      %dma_wait3A_48 = arith.constant 0 : i32
      %dma_wait3A_49 = tpu.memref_slice %arg8[%add3A_47, %dma_wait3A_48] : memref<40x128xi32, #tpu.memory_space<vmem>> -> memref<1x128xi32, #tpu.memory_space<vmem>>
      %dma_wait3A_50 = tpu.memref_squeeze %dma_wait3A_49 : memref<1x128xi32, #tpu.memory_space<vmem>> -> memref<128xi32, #tpu.memory_space<vmem>>
      %dma_wait3A_51 = arith.constant 0 : i32
      %dma_wait3A_52 = arith.constant 0 : i32
      %dma_wait3A_53 = tpu.memref_slice %arg2[%dma_wait3A_51, %dma_wait3A_52] : memref<10240x32xf32, #tpu.memory_space<hbm>> -> memref<10240x32xf32, #tpu.memory_space<hbm>>
      tpu.wait_indirect_dma semaphore(%arg14 : memref<!tpu.dma_semaphore, #tpu.memory_space<semaphore_mem>>) src(%dma_wait3A_53 : memref<10240x32xf32, #tpu.memory_space<hbm>>) dst(%arg11 : memref<128x32xf32, #tpu.memory_space<vmem>>)
      %add3A_54 = arith.constant 1 : i32
      %add3A_55 = arith.addi %mul3A_28, %add3A_54 : i32
      "tpu.region"() ({
        %run_scoped3A = tpu.sem_alloc : memref<!tpu.dma_semaphore, #tpu.memory_space<semaphore_mem>>
        %dma_start3A_56 = arith.constant 0 : i32
        %dma_start3A_57 = tpu.memref_slice %arg9[%add3A_55, %dma_start3A_56] : memref<40x128xi32, #tpu.memory_space<vmem>> -> memref<1x128xi32, #tpu.memory_space<vmem>>
        %dma_start3A_58 = tpu.memref_squeeze %dma_start3A_57 : memref<1x128xi32, #tpu.memory_space<vmem>> -> memref<128xi32, #tpu.memory_space<vmem>>
        %dma_start3A_59 = arith.constant 0 : i32
        %dma_start3A_60 = arith.constant 0 : i32
        %dma_start3A_61 = tpu.memref_slice %arg12[%dma_start3A_59, %dma_start3A_60] : memref<10240x32xf32, #tpu.memory_space<vmem_shared>> -> memref<10240x32xf32, #tpu.memory_space<vmem_shared>>
        tpu.enqueue_indirect_dma source(%arg11 : memref<128x32xf32, #tpu.memory_space<vmem>>) target(%dma_start3A_61 : memref<10240x32xf32, #tpu.memory_space<vmem_shared>>) offsets(%dma_start3A_58 : memref<128xi32, #tpu.memory_space<vmem>>) semaphore(%run_scoped3A : memref<!tpu.dma_semaphore, #tpu.memory_space<semaphore_mem>>) {add = true}
        %dma_wait3A_62 = arith.constant 0 : i32
        %dma_wait3A_63 = tpu.memref_slice %arg9[%add3A_55, %dma_wait3A_62] : memref<40x128xi32, #tpu.memory_space<vmem>> -> memref<1x128xi32, #tpu.memory_space<vmem>>
        %dma_wait3A_64 = tpu.memref_squeeze %dma_wait3A_63 : memref<1x128xi32, #tpu.memory_space<vmem>> -> memref<128xi32, #tpu.memory_space<vmem>>
        %dma_wait3A_65 = arith.constant 0 : i32
        %dma_wait3A_66 = arith.constant 0 : i32
        %dma_wait3A_67 = tpu.memref_slice %arg12[%dma_wait3A_65, %dma_wait3A_66] : memref<10240x32xf32, #tpu.memory_space<vmem_shared>> -> memref<10240x32xf32, #tpu.memory_space<vmem_shared>>
        tpu.wait_indirect_dma semaphore(%run_scoped3A : memref<!tpu.dma_semaphore, #tpu.memory_space<semaphore_mem>>) src(%arg11 : memref<128x32xf32, #tpu.memory_space<vmem>>) dst(%dma_wait3A_67 : memref<10240x32xf32, #tpu.memory_space<vmem_shared>>)
        tpu.yield
      }) : () -> ()
    }
    %scan3A_17 = arith.constant 20 : i32
    %barrier3A_18 = arith.constant 0 : index
    tpu.barrier barrier_id(%barrier3A_18)
    %eq3A = arith.constant 0 : i32
    %eq3A_19 = arith.cmpi eq, %arg0, %eq3A : i32
    %convert_element_type3A = arith.extui %eq3A_19 : i1 to i32
    %cond3A = arith.constant 0 : i32
    %cond3A_20 = arith.cmpi ne, %convert_element_type3A, %cond3A : i32
    scf.if %cond3A_20 {
      %mul3A_26 = arith.constant 640 : i32
      %mul3A_27 = arith.muli %arg1, %mul3A_26 : i32
      %mul3A_28 = arith.constant 640 : i32
      %mul3A_29 = arith.muli %arg1, %mul3A_28 : i32
      "tpu.region"() ({
        %run_scoped3A = tpu.sem_alloc : memref<!tpu.dma_semaphore, #tpu.memory_space<semaphore_mem>>
        %dma_start3A_30 = arith.constant 0 : i32
        %dma_start3A_31 = tpu.memref_slice %arg6[%mul3A_29, %dma_start3A_30] : memref<10240x32xf32, #tpu.memory_space<hbm>> -> memref<640x32xf32, #tpu.memory_space<hbm>>
        %dma_start3A_32 = arith.constant 0 : i32
        %dma_start3A_33 = tpu.memref_slice %arg12[%mul3A_27, %dma_start3A_32] : memref<10240x32xf32, #tpu.memory_space<vmem_shared>> -> memref<640x32xf32, #tpu.memory_space<vmem_shared>>
        tpu.enqueue_dma source(%dma_start3A_33 : memref<640x32xf32, #tpu.memory_space<vmem_shared>>) target(%dma_start3A_31 : memref<640x32xf32, #tpu.memory_space<hbm>>) target_semaphore(%run_scoped3A : memref<!tpu.dma_semaphore, #tpu.memory_space<semaphore_mem>>)
        %dma_wait3A = arith.constant 0 : i32
        %dma_wait3A_34 = tpu.memref_slice %arg6[%mul3A_29, %dma_wait3A] : memref<10240x32xf32, #tpu.memory_space<hbm>> -> memref<640x32xf32, #tpu.memory_space<hbm>>
        %dma_wait3A_35 = arith.constant 0 : i32
        %dma_wait3A_36 = tpu.memref_slice %arg12[%mul3A_27, %dma_wait3A_35] : memref<10240x32xf32, #tpu.memory_space<vmem_shared>> -> memref<640x32xf32, #tpu.memory_space<vmem_shared>>
        tpu.wait_dma2 semaphore(%run_scoped3A : memref<!tpu.dma_semaphore, #tpu.memory_space<semaphore_mem>>) src(%dma_wait3A_36 : memref<640x32xf32, #tpu.memory_space<vmem_shared>>) dst(%dma_wait3A_34 : memref<640x32xf32, #tpu.memory_space<hbm>>)
        tpu.yield
      }) : () -> ()
    } else {
    }
    %eq3A_21 = arith.constant 1 : i32
    %eq3A_22 = arith.cmpi eq, %arg0, %eq3A_21 : i32
    %convert_element_type3A_23 = arith.extui %eq3A_22 : i1 to i32
    %cond3A_24 = arith.constant 0 : i32
    %cond3A_25 = arith.cmpi ne, %convert_element_type3A_23, %cond3A_24 : i32
    scf.if %cond3A_25 {
      %mul3A_26 = arith.constant 640 : i32
      %mul3A_27 = arith.muli %arg1, %mul3A_26 : i32
      %mul3A_28 = arith.constant 640 : i32
      %mul3A_29 = arith.muli %arg1, %mul3A_28 : i32
      "tpu.region"() ({
        %run_scoped3A = tpu.sem_alloc : memref<!tpu.dma_semaphore, #tpu.memory_space<semaphore_mem>>
        %dma_start3A_30 = arith.constant 0 : i32
        %dma_start3A_31 = tpu.memref_slice %arg7[%mul3A_29, %dma_start3A_30] : memref<10240x32xf32, #tpu.memory_space<hbm>> -> memref<640x32xf32, #tpu.memory_space<hbm>>
        %dma_start3A_32 = arith.constant 0 : i32
        %dma_start3A_33 = tpu.memref_slice %arg12[%mul3A_27, %dma_start3A_32] : memref<10240x32xf32, #tpu.memory_space<vmem_shared>> -> memref<640x32xf32, #tpu.memory_space<vmem_shared>>
        tpu.enqueue_dma source(%dma_start3A_33 : memref<640x32xf32, #tpu.memory_space<vmem_shared>>) target(%dma_start3A_31 : memref<640x32xf32, #tpu.memory_space<hbm>>) target_semaphore(%run_scoped3A : memref<!tpu.dma_semaphore, #tpu.memory_space<semaphore_mem>>)
        %dma_wait3A = arith.constant 0 : i32
        %dma_wait3A_34 = tpu.memref_slice %arg7[%mul3A_29, %dma_wait3A] : memref<10240x32xf32, #tpu.memory_space<hbm>> -> memref<640x32xf32, #tpu.memory_space<hbm>>
        %dma_wait3A_35 = arith.constant 0 : i32
        %dma_wait3A_36 = tpu.memref_slice %arg12[%mul3A_27, %dma_wait3A_35] : memref<10240x32xf32, #tpu.memory_space<vmem_shared>> -> memref<640x32xf32, #tpu.memory_space<vmem_shared>>
        tpu.wait_dma2 semaphore(%run_scoped3A : memref<!tpu.dma_semaphore, #tpu.memory_space<semaphore_mem>>) src(%dma_wait3A_36 : memref<640x32xf32, #tpu.memory_space<vmem_shared>>) dst(%dma_wait3A_34 : memref<640x32xf32, #tpu.memory_space<hbm>>)
        tpu.yield
      }) : () -> ()
    } else {
    }
    return
  }
}

module attributes {stable_mosaic.version = 14 : i64} {
  func.func @_k0_body(%arg0: i32, %arg1: memref<1024x128xf32, #tpu.memory_space<vmem>>, %arg2: memref<128x32xf32, #tpu.memory_space<vmem>>, %arg3: memref<1024x32xf32, #tpu.memory_space<vmem>>, %arg4: memref<1024x32xf32, #tpu.memory_space<vmem>>, %arg5: memref<1024x32xf32, #tpu.memory_space<vmem>>) attributes {dimension_semantics = [#tpu.dimension_semantics<arbitrary>], iteration_bounds = array<i64: 10>, scalar_prefetch = 0 : i64, scratch_operands = 0 : i64, tpu.core_type = #tpu.core_type<tc>, window_params = [{transform_indices = @transform_0, window_bounds = array<i64: 1024, 128>}, {pipeline_mode = #tpu.pipeline_mode<synchronous>, transform_indices = @transform_1, window_bounds = array<i64: 128, 32>}, {transform_indices = @transform_2, window_bounds = array<i64: 1024, 32>}, {transform_indices = @transform_3, window_bounds = array<i64: 1024, 32>}, {transform_indices = @transform_4, window_bounds = array<i64: 1024, 32>}]} {
    %get3A = arith.constant 0 : index
    %get3A_0 = arith.constant 0 : index
    %get3A_1 = vector.load %arg3[%get3A, %get3A_0] : memref<1024x32xf32, #tpu.memory_space<vmem>>, vector<1024x1xf32>
    %get3A_2 = arith.constant 0 : index
    %get3A_3 = arith.constant 0 : index
    %get3A_4 = vector.load %arg4[%get3A_2, %get3A_3] : memref<1024x32xf32, #tpu.memory_space<vmem>>, vector<1024x1xf32>
    %add3A = arith.addf %get3A_1, %get3A_4 : vector<1024x1xf32>
    %add3A_5 = arith.constant 1.000000e+00 : f32
    %add3A_6 = vector.broadcast %add3A_5 : f32 to vector<1024x1xf32>
    %add3A_7 = arith.addf %add3A, %add3A_6 : vector<1024x1xf32>
    %rsqrt3A = math.rsqrt %add3A_7 : vector<1024x1xf32>
    %get3A_8 = arith.constant 0 : index
    %get3A_9 = arith.constant 0 : index
    %get3A_10 = vector.load %arg1[%get3A_8, %get3A_9] : memref<1024x128xf32, #tpu.memory_space<vmem>>, vector<1024x128xf32>
    %get3A_11 = arith.constant 0 : index
    %get3A_12 = arith.constant 0 : index
    %get3A_13 = vector.load %arg2[%get3A_11, %get3A_12] : memref<128x32xf32, #tpu.memory_space<vmem>>, vector<128x32xf32>
    %dot_general3A = arith.constant dense<0.000000e+00> : vector<1024x32xf32>
    %dot_general3A_14 = tpu.matmul %get3A_10, %get3A_13, %dot_general3A {dimension_numbers = #tpu.dot_dimension_numbers<[1], [0], [0], [1], [0, 0, 1, 1], [], []>, transpose_lhs_hint = false} : vector<1024x128xf32>, vector<128x32xf32>, vector<1024x32xf32> -> vector<1024x32xf32>
    %mul3A = vector.broadcast %rsqrt3A : vector<1024x1xf32> to vector<1024x32xf32>
    %mul3A_15 = arith.mulf %dot_general3A_14, %mul3A : vector<1024x32xf32>
    %swap3A = arith.constant 0 : index
    %swap3A_16 = arith.constant 0 : index
    %swap3A_17 = vector.load %arg5[%swap3A, %swap3A_16] : memref<1024x32xf32, #tpu.memory_space<vmem>>, vector<1024x32xf32>
    tpu.vector_store %arg5[%swap3A, %swap3A_16], %mul3A_15 {strides = array<i32>} : memref<1024x32xf32, #tpu.memory_space<vmem>>, vector<1024x32xf32>,
    return
  }
  func.func @transform_0(%arg0: i32) -> (i32, i32) {
    %c0_i32 = arith.constant 0 : i32
    %c0_i32_0 = arith.constant 0 : i32
    return %arg0, %c0_i32 : i32, i32
  }
  func.func @transform_1(%arg0: i32) -> (i32, i32) {
    %c0_i32 = arith.constant 0 : i32
    %c0_i32_0 = arith.constant 0 : i32
    %c0_i32_1 = arith.constant 0 : i32
    return %c0_i32, %c0_i32_0 : i32, i32
  }
  func.func @transform_2(%arg0: i32) -> (i32, i32) {
    %c0_i32 = arith.constant 0 : i32
    %c0_i32_0 = arith.constant 0 : i32
    return %arg0, %c0_i32 : i32, i32
  }
  func.func @transform_3(%arg0: i32) -> (i32, i32) {
    %c0_i32 = arith.constant 0 : i32
    %c0_i32_0 = arith.constant 0 : i32
    return %arg0, %c0_i32 : i32, i32
  }
  func.func @transform_4(%arg0: i32) -> (i32, i32) {
    %c0_i32 = arith.constant 0 : i32
    %c0_i32_0 = arith.constant 0 : i32
    return %arg0, %c0_i32 : i32, i32
  }
}

module attributes {stable_mosaic.version = 14 : i64} {
  func.func @_ka_body(%arg0: i32, %arg1: memref<1024x32xf32, #tpu.memory_space<vmem>>, %arg2: memref<1024x32xf32, #tpu.memory_space<vmem>>, %arg3: memref<1024x32xf32, #tpu.memory_space<vmem>>, %arg4: memref<1024x32xf32, #tpu.memory_space<vmem>>, %arg5: memref<1024x32xf32, #tpu.memory_space<vmem>>, %arg6: memref<1x32xf32, #tpu.memory_space<vmem>>, %arg7: memref<3x32x64xf32, #tpu.memory_space<vmem>>, %arg8: memref<3x1x64xf32, #tpu.memory_space<vmem>>, %arg9: memref<3x64x32xf32, #tpu.memory_space<vmem>>, %arg10: memref<3x1x32xf32, #tpu.memory_space<vmem>>, %arg11: memref<3x32x32xf32, #tpu.memory_space<vmem>>, %arg12: memref<3x1x32xf32, #tpu.memory_space<vmem>>, %arg13: memref<1024x32xf32, #tpu.memory_space<vmem>>, %arg14: memref<8x128x32xf32, #tpu.memory_space<vmem>>, %arg15: memref<8x128x32xf32, #tpu.memory_space<vmem>>) attributes {dimension_semantics = [#tpu.dimension_semantics<arbitrary>], iteration_bounds = array<i64: 10>, scalar_prefetch = 0 : i64, scratch_operands = 0 : i64, tpu.core_type = #tpu.core_type<tc>, window_params = [{transform_indices = @transform_0, window_bounds = array<i64: 1024, 32>}, {transform_indices = @transform_1, window_bounds = array<i64: 1024, 32>}, {transform_indices = @transform_2, window_bounds = array<i64: 1024, 32>}, {transform_indices = @transform_3, window_bounds = array<i64: 1024, 32>}, {transform_indices = @transform_4, window_bounds = array<i64: 1024, 32>}, {pipeline_mode = #tpu.pipeline_mode<synchronous>, transform_indices = @transform_5, window_bounds = array<i64: 1, 32>}, {pipeline_mode = #tpu.pipeline_mode<synchronous>, transform_indices = @transform_6, window_bounds = array<i64: 3, 32, 64>}, {pipeline_mode = #tpu.pipeline_mode<synchronous>, transform_indices = @transform_7, window_bounds = array<i64: 3, 1, 64>}, {pipeline_mode = #tpu.pipeline_mode<synchronous>, transform_indices = @transform_8, window_bounds = array<i64: 3, 64, 32>}, {pipeline_mode = #tpu.pipeline_mode<synchronous>, transform_indices = @transform_9, window_bounds = array<i64: 3, 1, 32>}, {pipeline_mode = #tpu.pipeline_mode<synchronous>, transform_indices = @transform_10, window_bounds = array<i64: 3, 32, 32>}, {pipeline_mode = #tpu.pipeline_mode<synchronous>, transform_indices = @transform_11, window_bounds = array<i64: 3, 1, 32>}, {transform_indices = @transform_12, window_bounds = array<i64: 1024, 32>}, {transform_indices = @transform_13, window_bounds = array<i64: 8, 128, 32>}, {transform_indices = @transform_14, window_bounds = array<i64: 8, 128, 32>}]} {
    %get3A = arith.constant 0 : index
    %get3A_0 = arith.constant 0 : index
    %get3A_1 = vector.load %arg4[%get3A, %get3A_0] : memref<1024x32xf32, #tpu.memory_space<vmem>>, vector<1024x1xf32>
    %get3A_2 = arith.constant 0 : index
    %get3A_3 = arith.constant 0 : index
    %get3A_4 = vector.load %arg5[%get3A_2, %get3A_3] : memref<1024x32xf32, #tpu.memory_space<vmem>>, vector<1024x1xf32>
    %add3A = arith.addf %get3A_1, %get3A_4 : vector<1024x1xf32>
    %add3A_5 = arith.constant 1.000000e+00 : f32
    %add3A_6 = vector.broadcast %add3A_5 : f32 to vector<1024x1xf32>
    %add3A_7 = arith.addf %add3A, %add3A_6 : vector<1024x1xf32>
    %rsqrt3A = math.rsqrt %add3A_7 : vector<1024x1xf32>
    %get3A_8 = arith.constant 0 : index
    %get3A_9 = arith.constant 0 : index
    %get3A_10 = vector.load %arg1[%get3A_8, %get3A_9] : memref<1024x32xf32, #tpu.memory_space<vmem>>, vector<1024x32xf32>
    %get3A_11 = arith.constant 0 : index
    %get3A_12 = arith.constant 0 : index
    %get3A_13 = vector.load %arg2[%get3A_11, %get3A_12] : memref<1024x32xf32, #tpu.memory_space<vmem>>, vector<1024x32xf32>
    %add3A_14 = arith.addf %get3A_10, %get3A_13 : vector<1024x32xf32>
    %get3A_15 = arith.constant 0 : index
    %get3A_16 = arith.constant 0 : index
    %get3A_17 = vector.load %arg3[%get3A_15, %get3A_16] : memref<1024x32xf32, #tpu.memory_space<vmem>>, vector<1024x32xf32>
    %add3A_18 = arith.addf %add3A_14, %get3A_17 : vector<1024x32xf32>
    %mul3A = vector.broadcast %rsqrt3A : vector<1024x1xf32> to vector<1024x32xf32>
    %mul3A_19 = arith.mulf %mul3A, %add3A_18 : vector<1024x32xf32>
    %get3A_20 = arith.constant 0 : index
    %get3A_21 = arith.constant 0 : index
    %get3A_22 = vector.load %arg6[%get3A_20, %get3A_21] : memref<1x32xf32, #tpu.memory_space<vmem>>, vector<1x32xf32>
    %add3A_23 = vector.broadcast %get3A_22 : vector<1x32xf32> to vector<1024x32xf32>
    %add3A_24 = arith.addf %mul3A_19, %add3A_23 : vector<1024x32xf32>
    %tanh3A = math.tanh %add3A_24 : vector<1024x32xf32>
    %mul3A_25 = arith.constant 1024 : i32
    %mul3A_26 = arith.muli %arg0, %mul3A_25 : i32
    %iota3A = tpu.iota {dimensions = array<i32: 0>} : vector<1024x1xi32>
    %add3A_27 = vector.broadcast %mul3A_26 : i32 to vector<1024x1xi32>
    %add3A_28 = arith.addi %add3A_27, %iota3A : vector<1024x1xi32>
    %lt3A = arith.constant 10000 : i32
    %lt3A_29 = vector.broadcast %lt3A : i32 to vector<1024x1xi32>
    %lt3A_30 = arith.cmpi slt, %add3A_28, %lt3A_29 : vector<1024x1xi32>
    %convert_element_type3A = arith.extui %lt3A_30 : vector<1024x1xi1> to vector<1024x1xi32>
    %convert_element_type3A_31 = arith.sitofp %convert_element_type3A : vector<1024x1xi32> to vector<1024x1xf32>
    %get3A_32 = arith.constant 0 : index
    %get3A_33 = arith.constant 0 : index
    %get3A_34 = arith.constant 0 : index
    %get3A_35 = vector.load %arg7[%get3A_32, %get3A_33, %get3A_34] : memref<3x32x64xf32, #tpu.memory_space<vmem>>, vector<1x32x64xf32>
    %get3A_36 = vector.shape_cast %get3A_35 : vector<1x32x64xf32> to vector<32x64xf32>
    %dot_general3A = arith.constant dense<0.000000e+00> : vector<1024x64xf32>
    %dot_general3A_37 = tpu.matmul %tanh3A, %get3A_36, %dot_general3A {dimension_numbers = #tpu.dot_dimension_numbers<[1], [0], [0], [1], [0, 0, 1, 1], [], []>, transpose_lhs_hint = false} : vector<1024x32xf32>, vector<32x64xf32>, vector<1024x64xf32> -> vector<1024x64xf32>
    %get3A_38 = arith.constant 0 : index
    %get3A_39 = arith.constant 0 : index
    %get3A_40 = arith.constant 0 : index
    %get3A_41 = vector.load %arg8[%get3A_38, %get3A_39, %get3A_40] : memref<3x1x64xf32, #tpu.memory_space<vmem>>, vector<1x1x64xf32>
    %get3A_42 = vector.shape_cast %get3A_41 : vector<1x1x64xf32> to vector<1x64xf32>
    %add3A_43 = vector.broadcast %get3A_42 : vector<1x64xf32> to vector<1024x64xf32>
    %add3A_44 = arith.addf %dot_general3A_37, %add3A_43 : vector<1024x64xf32>
    %max3A = arith.constant 0.000000e+00 : f32
    %max3A_45 = vector.broadcast %max3A : f32 to vector<1024x64xf32>
    %max3A_46 = arith.maximumf %add3A_44, %max3A_45 : vector<1024x64xf32>
    %get3A_47 = arith.constant 0 : index
    %get3A_48 = arith.constant 0 : index
    %get3A_49 = arith.constant 0 : index
    %get3A_50 = vector.load %arg9[%get3A_47, %get3A_48, %get3A_49] : memref<3x64x32xf32, #tpu.memory_space<vmem>>, vector<1x64x32xf32>
    %get3A_51 = vector.shape_cast %get3A_50 : vector<1x64x32xf32> to vector<64x32xf32>
    %dot_general3A_52 = arith.constant dense<0.000000e+00> : vector<1024x32xf32>
    %dot_general3A_53 = tpu.matmul %max3A_46, %get3A_51, %dot_general3A_52 {dimension_numbers = #tpu.dot_dimension_numbers<[1], [0], [0], [1], [0, 0, 1, 1], [], []>, transpose_lhs_hint = false} : vector<1024x64xf32>, vector<64x32xf32>, vector<1024x32xf32> -> vector<1024x32xf32>
    %get3A_54 = arith.constant 0 : index
    %get3A_55 = arith.constant 0 : index
    %get3A_56 = arith.constant 0 : index
    %get3A_57 = vector.load %arg10[%get3A_54, %get3A_55, %get3A_56] : memref<3x1x32xf32, #tpu.memory_space<vmem>>, vector<1x1x32xf32>
    %get3A_58 = vector.shape_cast %get3A_57 : vector<1x1x32xf32> to vector<1x32xf32>
    %add3A_59 = vector.broadcast %get3A_58 : vector<1x32xf32> to vector<1024x32xf32>
    %add3A_60 = arith.addf %dot_general3A_53, %add3A_59 : vector<1024x32xf32>
    %max3A_61 = arith.constant 0.000000e+00 : f32
    %max3A_62 = vector.broadcast %max3A_61 : f32 to vector<1024x32xf32>
    %max3A_63 = arith.maximumf %add3A_60, %max3A_62 : vector<1024x32xf32>
    %get3A_64 = arith.constant 0 : index
    %get3A_65 = arith.constant 0 : index
    %get3A_66 = arith.constant 0 : index
    %get3A_67 = vector.load %arg11[%get3A_64, %get3A_65, %get3A_66] : memref<3x32x32xf32, #tpu.memory_space<vmem>>, vector<1x32x32xf32>
    %get3A_68 = vector.shape_cast %get3A_67 : vector<1x32x32xf32> to vector<32x32xf32>
    %dot_general3A_69 = arith.constant dense<0.000000e+00> : vector<1024x32xf32>
    %dot_general3A_70 = tpu.matmul %max3A_63, %get3A_68, %dot_general3A_69 {dimension_numbers = #tpu.dot_dimension_numbers<[1], [0], [0], [1], [0, 0, 1, 1], [], []>, transpose_lhs_hint = false} : vector<1024x32xf32>, vector<32x32xf32>, vector<1024x32xf32> -> vector<1024x32xf32>
    %get3A_71 = arith.constant 0 : index
    %get3A_72 = arith.constant 0 : index
    %get3A_73 = arith.constant 0 : index
    %get3A_74 = vector.load %arg12[%get3A_71, %get3A_72, %get3A_73] : memref<3x1x32xf32, #tpu.memory_space<vmem>>, vector<1x1x32xf32>
    %get3A_75 = vector.shape_cast %get3A_74 : vector<1x1x32xf32> to vector<1x32xf32>
    %add3A_76 = vector.broadcast %get3A_75 : vector<1x32xf32> to vector<1024x32xf32>
    %add3A_77 = arith.addf %dot_general3A_70, %add3A_76 : vector<1024x32xf32>
    %max3A_78 = arith.constant 0.000000e+00 : f32
    %max3A_79 = vector.broadcast %max3A_78 : f32 to vector<1024x32xf32>
    %max3A_80 = arith.maximumf %add3A_77, %max3A_79 : vector<1024x32xf32>
    %mul3A_81 = vector.broadcast %convert_element_type3A_31 : vector<1024x1xf32> to vector<1024x32xf32>
    %mul3A_82 = arith.mulf %max3A_80, %mul3A_81 : vector<1024x32xf32>
    %swap3A = arith.constant 0 : index
    %swap3A_83 = arith.constant 0 : index
    %swap3A_84 = vector.load %arg13[%swap3A, %swap3A_83] : memref<1024x32xf32, #tpu.memory_space<vmem>>, vector<1024x32xf32>
    tpu.vector_store %arg13[%swap3A, %swap3A_83], %mul3A_82 {strides = array<i32>} : memref<1024x32xf32, #tpu.memory_space<vmem>>, vector<1024x32xf32>,
    %get3A_85 = arith.constant 1 : index
    %get3A_86 = arith.constant 0 : index
    %get3A_87 = arith.constant 0 : index
    %get3A_88 = vector.load %arg7[%get3A_85, %get3A_86, %get3A_87] : memref<3x32x64xf32, #tpu.memory_space<vmem>>, vector<1x32x64xf32>
    %get3A_89 = vector.shape_cast %get3A_88 : vector<1x32x64xf32> to vector<32x64xf32>
    %dot_general3A_90 = arith.constant dense<0.000000e+00> : vector<1024x64xf32>
    %dot_general3A_91 = tpu.matmul %tanh3A, %get3A_89, %dot_general3A_90 {dimension_numbers = #tpu.dot_dimension_numbers<[1], [0], [0], [1], [0, 0, 1, 1], [], []>, transpose_lhs_hint = false} : vector<1024x32xf32>, vector<32x64xf32>, vector<1024x64xf32> -> vector<1024x64xf32>
    %get3A_92 = arith.constant 1 : index
    %get3A_93 = arith.constant 0 : index
    %get3A_94 = arith.constant 0 : index
    %get3A_95 = vector.load %arg8[%get3A_92, %get3A_93, %get3A_94] : memref<3x1x64xf32, #tpu.memory_space<vmem>>, vector<1x1x64xf32>
    %get3A_96 = vector.shape_cast %get3A_95 : vector<1x1x64xf32> to vector<1x64xf32>
    %add3A_97 = vector.broadcast %get3A_96 : vector<1x64xf32> to vector<1024x64xf32>
    %add3A_98 = arith.addf %dot_general3A_91, %add3A_97 : vector<1024x64xf32>
    %max3A_99 = arith.constant 0.000000e+00 : f32
    %max3A_100 = vector.broadcast %max3A_99 : f32 to vector<1024x64xf32>
    %max3A_101 = arith.maximumf %add3A_98, %max3A_100 : vector<1024x64xf32>
    %get3A_102 = arith.constant 1 : index
    %get3A_103 = arith.constant 0 : index
    %get3A_104 = arith.constant 0 : index
    %get3A_105 = vector.load %arg9[%get3A_102, %get3A_103, %get3A_104] : memref<3x64x32xf32, #tpu.memory_space<vmem>>, vector<1x64x32xf32>
    %get3A_106 = vector.shape_cast %get3A_105 : vector<1x64x32xf32> to vector<64x32xf32>
    %dot_general3A_107 = arith.constant dense<0.000000e+00> : vector<1024x32xf32>
    %dot_general3A_108 = tpu.matmul %max3A_101, %get3A_106, %dot_general3A_107 {dimension_numbers = #tpu.dot_dimension_numbers<[1], [0], [0], [1], [0, 0, 1, 1], [], []>, transpose_lhs_hint = false} : vector<1024x64xf32>, vector<64x32xf32>, vector<1024x32xf32> -> vector<1024x32xf32>
    %get3A_109 = arith.constant 1 : index
    %get3A_110 = arith.constant 0 : index
    %get3A_111 = arith.constant 0 : index
    %get3A_112 = vector.load %arg10[%get3A_109, %get3A_110, %get3A_111] : memref<3x1x32xf32, #tpu.memory_space<vmem>>, vector<1x1x32xf32>
    %get3A_113 = vector.shape_cast %get3A_112 : vector<1x1x32xf32> to vector<1x32xf32>
    %add3A_114 = vector.broadcast %get3A_113 : vector<1x32xf32> to vector<1024x32xf32>
    %add3A_115 = arith.addf %dot_general3A_108, %add3A_114 : vector<1024x32xf32>
    %max3A_116 = arith.constant 0.000000e+00 : f32
    %max3A_117 = vector.broadcast %max3A_116 : f32 to vector<1024x32xf32>
    %max3A_118 = arith.maximumf %add3A_115, %max3A_117 : vector<1024x32xf32>
    %get3A_119 = arith.constant 1 : index
    %get3A_120 = arith.constant 0 : index
    %get3A_121 = arith.constant 0 : index
    %get3A_122 = vector.load %arg11[%get3A_119, %get3A_120, %get3A_121] : memref<3x32x32xf32, #tpu.memory_space<vmem>>, vector<1x32x32xf32>
    %get3A_123 = vector.shape_cast %get3A_122 : vector<1x32x32xf32> to vector<32x32xf32>
    %dot_general3A_124 = arith.constant dense<0.000000e+00> : vector<1024x32xf32>
    %dot_general3A_125 = tpu.matmul %max3A_118, %get3A_123, %dot_general3A_124 {dimension_numbers = #tpu.dot_dimension_numbers<[1], [0], [0], [1], [0, 0, 1, 1], [], []>, transpose_lhs_hint = false} : vector<1024x32xf32>, vector<32x32xf32>, vector<1024x32xf32> -> vector<1024x32xf32>
    %get3A_126 = arith.constant 1 : index
    %get3A_127 = arith.constant 0 : index
    %get3A_128 = arith.constant 0 : index
    %get3A_129 = vector.load %arg12[%get3A_126, %get3A_127, %get3A_128] : memref<3x1x32xf32, #tpu.memory_space<vmem>>, vector<1x1x32xf32>
    %get3A_130 = vector.shape_cast %get3A_129 : vector<1x1x32xf32> to vector<1x32xf32>
    %add3A_131 = vector.broadcast %get3A_130 : vector<1x32xf32> to vector<1024x32xf32>
    %add3A_132 = arith.addf %dot_general3A_125, %add3A_131 : vector<1024x32xf32>
    %max3A_133 = arith.constant 0.000000e+00 : f32
    %max3A_134 = vector.broadcast %max3A_133 : f32 to vector<1024x32xf32>
    %max3A_135 = arith.maximumf %add3A_132, %max3A_134 : vector<1024x32xf32>
    %mul3A_136 = vector.broadcast %convert_element_type3A_31 : vector<1024x1xf32> to vector<1024x32xf32>
    %mul3A_137 = arith.mulf %max3A_135, %mul3A_136 : vector<1024x32xf32>
    %slice3A = vector.extract_strided_slice %mul3A_137 {offsets = [0, 0], sizes = [128, 32], strides = [1, 1]} : vector<1024x32xf32> to vector<128x32xf32>
    %swap3A_138 = arith.constant 0 : index
    %swap3A_139 = arith.constant 0 : index
    %swap3A_140 = arith.constant 0 : index
    %swap3A_141 = vector.load %arg14[%swap3A_138, %swap3A_139, %swap3A_140] : memref<8x128x32xf32, #tpu.memory_space<vmem>>, vector<1x128x32xf32>
    %swap3A_142 = vector.shape_cast %swap3A_141 : vector<1x128x32xf32> to vector<128x32xf32>
    %swap3A_143 = vector.shape_cast %slice3A : vector<128x32xf32> to vector<1x128x32xf32>
    tpu.vector_store %arg14[%swap3A_138, %swap3A_139, %swap3A_140], %swap3A_143 {strides = array<i32>} : memref<8x128x32xf32, #tpu.memory_space<vmem>>, vector<1x128x32xf32>,
    %slice3A_144 = vector.extract_strided_slice %mul3A_137 {offsets = [128, 0], sizes = [128, 32], strides = [1, 1]} : vector<1024x32xf32> to vector<128x32xf32>
    %swap3A_145 = arith.constant 1 : index
    %swap3A_146 = arith.constant 0 : index
    %swap3A_147 = arith.constant 0 : index
    %swap3A_148 = vector.load %arg14[%swap3A_145, %swap3A_146, %swap3A_147] : memref<8x128x32xf32, #tpu.memory_space<vmem>>, vector<1x128x32xf32>
    %swap3A_149 = vector.shape_cast %swap3A_148 : vector<1x128x32xf32> to vector<128x32xf32>
    %swap3A_150 = vector.shape_cast %slice3A_144 : vector<128x32xf32> to vector<1x128x32xf32>
    tpu.vector_store %arg14[%swap3A_145, %swap3A_146, %swap3A_147], %swap3A_150 {strides = array<i32>} : memref<8x128x32xf32, #tpu.memory_space<vmem>>, vector<1x128x32xf32>,
    %slice3A_151 = vector.extract_strided_slice %mul3A_137 {offsets = [256, 0], sizes = [128, 32], strides = [1, 1]} : vector<1024x32xf32> to vector<128x32xf32>
    %swap3A_152 = arith.constant 2 : index
    %swap3A_153 = arith.constant 0 : index
    %swap3A_154 = arith.constant 0 : index
    %swap3A_155 = vector.load %arg14[%swap3A_152, %swap3A_153, %swap3A_154] : memref<8x128x32xf32, #tpu.memory_space<vmem>>, vector<1x128x32xf32>
    %swap3A_156 = vector.shape_cast %swap3A_155 : vector<1x128x32xf32> to vector<128x32xf32>
    %swap3A_157 = vector.shape_cast %slice3A_151 : vector<128x32xf32> to vector<1x128x32xf32>
    tpu.vector_store %arg14[%swap3A_152, %swap3A_153, %swap3A_154], %swap3A_157 {strides = array<i32>} : memref<8x128x32xf32, #tpu.memory_space<vmem>>, vector<1x128x32xf32>,
    %slice3A_158 = vector.extract_strided_slice %mul3A_137 {offsets = [384, 0], sizes = [128, 32], strides = [1, 1]} : vector<1024x32xf32> to vector<128x32xf32>
    %swap3A_159 = arith.constant 3 : index
    %swap3A_160 = arith.constant 0 : index
    %swap3A_161 = arith.constant 0 : index
    %swap3A_162 = vector.load %arg14[%swap3A_159, %swap3A_160, %swap3A_161] : memref<8x128x32xf32, #tpu.memory_space<vmem>>, vector<1x128x32xf32>
    %swap3A_163 = vector.shape_cast %swap3A_162 : vector<1x128x32xf32> to vector<128x32xf32>
    %swap3A_164 = vector.shape_cast %slice3A_158 : vector<128x32xf32> to vector<1x128x32xf32>
    tpu.vector_store %arg14[%swap3A_159, %swap3A_160, %swap3A_161], %swap3A_164 {strides = array<i32>} : memref<8x128x32xf32, #tpu.memory_space<vmem>>, vector<1x128x32xf32>,
    %slice3A_165 = vector.extract_strided_slice %mul3A_137 {offsets = [512, 0], sizes = [128, 32], strides = [1, 1]} : vector<1024x32xf32> to vector<128x32xf32>
    %swap3A_166 = arith.constant 4 : index
    %swap3A_167 = arith.constant 0 : index
    %swap3A_168 = arith.constant 0 : index
    %swap3A_169 = vector.load %arg14[%swap3A_166, %swap3A_167, %swap3A_168] : memref<8x128x32xf32, #tpu.memory_space<vmem>>, vector<1x128x32xf32>
    %swap3A_170 = vector.shape_cast %swap3A_169 : vector<1x128x32xf32> to vector<128x32xf32>
    %swap3A_171 = vector.shape_cast %slice3A_165 : vector<128x32xf32> to vector<1x128x32xf32>
    tpu.vector_store %arg14[%swap3A_166, %swap3A_167, %swap3A_168], %swap3A_171 {strides = array<i32>} : memref<8x128x32xf32, #tpu.memory_space<vmem>>, vector<1x128x32xf32>,
    %slice3A_172 = vector.extract_strided_slice %mul3A_137 {offsets = [640, 0], sizes = [128, 32], strides = [1, 1]} : vector<1024x32xf32> to vector<128x32xf32>
    %swap3A_173 = arith.constant 5 : index
    %swap3A_174 = arith.constant 0 : index
    %swap3A_175 = arith.constant 0 : index
    %swap3A_176 = vector.load %arg14[%swap3A_173, %swap3A_174, %swap3A_175] : memref<8x128x32xf32, #tpu.memory_space<vmem>>, vector<1x128x32xf32>
    %swap3A_177 = vector.shape_cast %swap3A_176 : vector<1x128x32xf32> to vector<128x32xf32>
    %swap3A_178 = vector.shape_cast %slice3A_172 : vector<128x32xf32> to vector<1x128x32xf32>
    tpu.vector_store %arg14[%swap3A_173, %swap3A_174, %swap3A_175], %swap3A_178 {strides = array<i32>} : memref<8x128x32xf32, #tpu.memory_space<vmem>>, vector<1x128x32xf32>,
    %slice3A_179 = vector.extract_strided_slice %mul3A_137 {offsets = [768, 0], sizes = [128, 32], strides = [1, 1]} : vector<1024x32xf32> to vector<128x32xf32>
    %swap3A_180 = arith.constant 6 : index
    %swap3A_181 = arith.constant 0 : index
    %swap3A_182 = arith.constant 0 : index
    %swap3A_183 = vector.load %arg14[%swap3A_180, %swap3A_181, %swap3A_182] : memref<8x128x32xf32, #tpu.memory_space<vmem>>, vector<1x128x32xf32>
    %swap3A_184 = vector.shape_cast %swap3A_183 : vector<1x128x32xf32> to vector<128x32xf32>
    %swap3A_185 = vector.shape_cast %slice3A_179 : vector<128x32xf32> to vector<1x128x32xf32>
    tpu.vector_store %arg14[%swap3A_180, %swap3A_181, %swap3A_182], %swap3A_185 {strides = array<i32>} : memref<8x128x32xf32, #tpu.memory_space<vmem>>, vector<1x128x32xf32>,
    %slice3A_186 = vector.extract_strided_slice %mul3A_137 {offsets = [896, 0], sizes = [128, 32], strides = [1, 1]} : vector<1024x32xf32> to vector<128x32xf32>
    %swap3A_187 = arith.constant 7 : index
    %swap3A_188 = arith.constant 0 : index
    %swap3A_189 = arith.constant 0 : index
    %swap3A_190 = vector.load %arg14[%swap3A_187, %swap3A_188, %swap3A_189] : memref<8x128x32xf32, #tpu.memory_space<vmem>>, vector<1x128x32xf32>
    %swap3A_191 = vector.shape_cast %swap3A_190 : vector<1x128x32xf32> to vector<128x32xf32>
    %swap3A_192 = vector.shape_cast %slice3A_186 : vector<128x32xf32> to vector<1x128x32xf32>
    tpu.vector_store %arg14[%swap3A_187, %swap3A_188, %swap3A_189], %swap3A_192 {strides = array<i32>} : memref<8x128x32xf32, #tpu.memory_space<vmem>>, vector<1x128x32xf32>,
    %get3A_193 = arith.constant 2 : index
    %get3A_194 = arith.constant 0 : index
    %get3A_195 = arith.constant 0 : index
    %get3A_196 = vector.load %arg7[%get3A_193, %get3A_194, %get3A_195] : memref<3x32x64xf32, #tpu.memory_space<vmem>>, vector<1x32x64xf32>
    %get3A_197 = vector.shape_cast %get3A_196 : vector<1x32x64xf32> to vector<32x64xf32>
    %dot_general3A_198 = arith.constant dense<0.000000e+00> : vector<1024x64xf32>
    %dot_general3A_199 = tpu.matmul %tanh3A, %get3A_197, %dot_general3A_198 {dimension_numbers = #tpu.dot_dimension_numbers<[1], [0], [0], [1], [0, 0, 1, 1], [], []>, transpose_lhs_hint = false} : vector<1024x32xf32>, vector<32x64xf32>, vector<1024x64xf32> -> vector<1024x64xf32>
    %get3A_200 = arith.constant 2 : index
    %get3A_201 = arith.constant 0 : index
    %get3A_202 = arith.constant 0 : index
    %get3A_203 = vector.load %arg8[%get3A_200, %get3A_201, %get3A_202] : memref<3x1x64xf32, #tpu.memory_space<vmem>>, vector<1x1x64xf32>
    %get3A_204 = vector.shape_cast %get3A_203 : vector<1x1x64xf32> to vector<1x64xf32>
    %add3A_205 = vector.broadcast %get3A_204 : vector<1x64xf32> to vector<1024x64xf32>
    %add3A_206 = arith.addf %dot_general3A_199, %add3A_205 : vector<1024x64xf32>
    %max3A_207 = arith.constant 0.000000e+00 : f32
    %max3A_208 = vector.broadcast %max3A_207 : f32 to vector<1024x64xf32>
    %max3A_209 = arith.maximumf %add3A_206, %max3A_208 : vector<1024x64xf32>
    %get3A_210 = arith.constant 2 : index
    %get3A_211 = arith.constant 0 : index
    %get3A_212 = arith.constant 0 : index
    %get3A_213 = vector.load %arg9[%get3A_210, %get3A_211, %get3A_212] : memref<3x64x32xf32, #tpu.memory_space<vmem>>, vector<1x64x32xf32>
    %get3A_214 = vector.shape_cast %get3A_213 : vector<1x64x32xf32> to vector<64x32xf32>
    %dot_general3A_215 = arith.constant dense<0.000000e+00> : vector<1024x32xf32>
    %dot_general3A_216 = tpu.matmul %max3A_209, %get3A_214, %dot_general3A_215 {dimension_numbers = #tpu.dot_dimension_numbers<[1], [0], [0], [1], [0, 0, 1, 1], [], []>, transpose_lhs_hint = false} : vector<1024x64xf32>, vector<64x32xf32>, vector<1024x32xf32> -> vector<1024x32xf32>
    %get3A_217 = arith.constant 2 : index
    %get3A_218 = arith.constant 0 : index
    %get3A_219 = arith.constant 0 : index
    %get3A_220 = vector.load %arg10[%get3A_217, %get3A_218, %get3A_219] : memref<3x1x32xf32, #tpu.memory_space<vmem>>, vector<1x1x32xf32>
    %get3A_221 = vector.shape_cast %get3A_220 : vector<1x1x32xf32> to vector<1x32xf32>
    %add3A_222 = vector.broadcast %get3A_221 : vector<1x32xf32> to vector<1024x32xf32>
    %add3A_223 = arith.addf %dot_general3A_216, %add3A_222 : vector<1024x32xf32>
    %max3A_224 = arith.constant 0.000000e+00 : f32
    %max3A_225 = vector.broadcast %max3A_224 : f32 to vector<1024x32xf32>
    %max3A_226 = arith.maximumf %add3A_223, %max3A_225 : vector<1024x32xf32>
    %get3A_227 = arith.constant 2 : index
    %get3A_228 = arith.constant 0 : index
    %get3A_229 = arith.constant 0 : index
    %get3A_230 = vector.load %arg11[%get3A_227, %get3A_228, %get3A_229] : memref<3x32x32xf32, #tpu.memory_space<vmem>>, vector<1x32x32xf32>
    %get3A_231 = vector.shape_cast %get3A_230 : vector<1x32x32xf32> to vector<32x32xf32>
    %dot_general3A_232 = arith.constant dense<0.000000e+00> : vector<1024x32xf32>
    %dot_general3A_233 = tpu.matmul %max3A_226, %get3A_231, %dot_general3A_232 {dimension_numbers = #tpu.dot_dimension_numbers<[1], [0], [0], [1], [0, 0, 1, 1], [], []>, transpose_lhs_hint = false} : vector<1024x32xf32>, vector<32x32xf32>, vector<1024x32xf32> -> vector<1024x32xf32>
    %get3A_234 = arith.constant 2 : index
    %get3A_235 = arith.constant 0 : index
    %get3A_236 = arith.constant 0 : index
    %get3A_237 = vector.load %arg12[%get3A_234, %get3A_235, %get3A_236] : memref<3x1x32xf32, #tpu.memory_space<vmem>>, vector<1x1x32xf32>
    %get3A_238 = vector.shape_cast %get3A_237 : vector<1x1x32xf32> to vector<1x32xf32>
    %add3A_239 = vector.broadcast %get3A_238 : vector<1x32xf32> to vector<1024x32xf32>
    %add3A_240 = arith.addf %dot_general3A_233, %add3A_239 : vector<1024x32xf32>
    %max3A_241 = arith.constant 0.000000e+00 : f32
    %max3A_242 = vector.broadcast %max3A_241 : f32 to vector<1024x32xf32>
    %max3A_243 = arith.maximumf %add3A_240, %max3A_242 : vector<1024x32xf32>
    %mul3A_244 = vector.broadcast %convert_element_type3A_31 : vector<1024x1xf32> to vector<1024x32xf32>
    %mul3A_245 = arith.mulf %max3A_243, %mul3A_244 : vector<1024x32xf32>
    %slice3A_246 = vector.extract_strided_slice %mul3A_245 {offsets = [0, 0], sizes = [128, 32], strides = [1, 1]} : vector<1024x32xf32> to vector<128x32xf32>
    %swap3A_247 = arith.constant 0 : index
    %swap3A_248 = arith.constant 0 : index
    %swap3A_249 = arith.constant 0 : index
    %swap3A_250 = vector.load %arg15[%swap3A_247, %swap3A_248, %swap3A_249] : memref<8x128x32xf32, #tpu.memory_space<vmem>>, vector<1x128x32xf32>
    %swap3A_251 = vector.shape_cast %swap3A_250 : vector<1x128x32xf32> to vector<128x32xf32>
    %swap3A_252 = vector.shape_cast %slice3A_246 : vector<128x32xf32> to vector<1x128x32xf32>
    tpu.vector_store %arg15[%swap3A_247, %swap3A_248, %swap3A_249], %swap3A_252 {strides = array<i32>} : memref<8x128x32xf32, #tpu.memory_space<vmem>>, vector<1x128x32xf32>,
    %slice3A_253 = vector.extract_strided_slice %mul3A_245 {offsets = [128, 0], sizes = [128, 32], strides = [1, 1]} : vector<1024x32xf32> to vector<128x32xf32>
    %swap3A_254 = arith.constant 1 : index
    %swap3A_255 = arith.constant 0 : index
    %swap3A_256 = arith.constant 0 : index
    %swap3A_257 = vector.load %arg15[%swap3A_254, %swap3A_255, %swap3A_256] : memref<8x128x32xf32, #tpu.memory_space<vmem>>, vector<1x128x32xf32>
    %swap3A_258 = vector.shape_cast %swap3A_257 : vector<1x128x32xf32> to vector<128x32xf32>
    %swap3A_259 = vector.shape_cast %slice3A_253 : vector<128x32xf32> to vector<1x128x32xf32>
    tpu.vector_store %arg15[%swap3A_254, %swap3A_255, %swap3A_256], %swap3A_259 {strides = array<i32>} : memref<8x128x32xf32, #tpu.memory_space<vmem>>, vector<1x128x32xf32>,
    %slice3A_260 = vector.extract_strided_slice %mul3A_245 {offsets = [256, 0], sizes = [128, 32], strides = [1, 1]} : vector<1024x32xf32> to vector<128x32xf32>
    %swap3A_261 = arith.constant 2 : index
    %swap3A_262 = arith.constant 0 : index
    %swap3A_263 = arith.constant 0 : index
    %swap3A_264 = vector.load %arg15[%swap3A_261, %swap3A_262, %swap3A_263] : memref<8x128x32xf32, #tpu.memory_space<vmem>>, vector<1x128x32xf32>
    %swap3A_265 = vector.shape_cast %swap3A_264 : vector<1x128x32xf32> to vector<128x32xf32>
    %swap3A_266 = vector.shape_cast %slice3A_260 : vector<128x32xf32> to vector<1x128x32xf32>
    tpu.vector_store %arg15[%swap3A_261, %swap3A_262, %swap3A_263], %swap3A_266 {strides = array<i32>} : memref<8x128x32xf32, #tpu.memory_space<vmem>>, vector<1x128x32xf32>,
    %slice3A_267 = vector.extract_strided_slice %mul3A_245 {offsets = [384, 0], sizes = [128, 32], strides = [1, 1]} : vector<1024x32xf32> to vector<128x32xf32>
    %swap3A_268 = arith.constant 3 : index
    %swap3A_269 = arith.constant 0 : index
    %swap3A_270 = arith.constant 0 : index
    %swap3A_271 = vector.load %arg15[%swap3A_268, %swap3A_269, %swap3A_270] : memref<8x128x32xf32, #tpu.memory_space<vmem>>, vector<1x128x32xf32>
    %swap3A_272 = vector.shape_cast %swap3A_271 : vector<1x128x32xf32> to vector<128x32xf32>
    %swap3A_273 = vector.shape_cast %slice3A_267 : vector<128x32xf32> to vector<1x128x32xf32>
    tpu.vector_store %arg15[%swap3A_268, %swap3A_269, %swap3A_270], %swap3A_273 {strides = array<i32>} : memref<8x128x32xf32, #tpu.memory_space<vmem>>, vector<1x128x32xf32>,
    %slice3A_274 = vector.extract_strided_slice %mul3A_245 {offsets = [512, 0], sizes = [128, 32], strides = [1, 1]} : vector<1024x32xf32> to vector<128x32xf32>
    %swap3A_275 = arith.constant 4 : index
    %swap3A_276 = arith.constant 0 : index
    %swap3A_277 = arith.constant 0 : index
    %swap3A_278 = vector.load %arg15[%swap3A_275, %swap3A_276, %swap3A_277] : memref<8x128x32xf32, #tpu.memory_space<vmem>>, vector<1x128x32xf32>
    %swap3A_279 = vector.shape_cast %swap3A_278 : vector<1x128x32xf32> to vector<128x32xf32>
    %swap3A_280 = vector.shape_cast %slice3A_274 : vector<128x32xf32> to vector<1x128x32xf32>
    tpu.vector_store %arg15[%swap3A_275, %swap3A_276, %swap3A_277], %swap3A_280 {strides = array<i32>} : memref<8x128x32xf32, #tpu.memory_space<vmem>>, vector<1x128x32xf32>,
    %slice3A_281 = vector.extract_strided_slice %mul3A_245 {offsets = [640, 0], sizes = [128, 32], strides = [1, 1]} : vector<1024x32xf32> to vector<128x32xf32>
    %swap3A_282 = arith.constant 5 : index
    %swap3A_283 = arith.constant 0 : index
    %swap3A_284 = arith.constant 0 : index
    %swap3A_285 = vector.load %arg15[%swap3A_282, %swap3A_283, %swap3A_284] : memref<8x128x32xf32, #tpu.memory_space<vmem>>, vector<1x128x32xf32>
    %swap3A_286 = vector.shape_cast %swap3A_285 : vector<1x128x32xf32> to vector<128x32xf32>
    %swap3A_287 = vector.shape_cast %slice3A_281 : vector<128x32xf32> to vector<1x128x32xf32>
    tpu.vector_store %arg15[%swap3A_282, %swap3A_283, %swap3A_284], %swap3A_287 {strides = array<i32>} : memref<8x128x32xf32, #tpu.memory_space<vmem>>, vector<1x128x32xf32>,
    %slice3A_288 = vector.extract_strided_slice %mul3A_245 {offsets = [768, 0], sizes = [128, 32], strides = [1, 1]} : vector<1024x32xf32> to vector<128x32xf32>
    %swap3A_289 = arith.constant 6 : index
    %swap3A_290 = arith.constant 0 : index
    %swap3A_291 = arith.constant 0 : index
    %swap3A_292 = vector.load %arg15[%swap3A_289, %swap3A_290, %swap3A_291] : memref<8x128x32xf32, #tpu.memory_space<vmem>>, vector<1x128x32xf32>
    %swap3A_293 = vector.shape_cast %swap3A_292 : vector<1x128x32xf32> to vector<128x32xf32>
    %swap3A_294 = vector.shape_cast %slice3A_288 : vector<128x32xf32> to vector<1x128x32xf32>
    tpu.vector_store %arg15[%swap3A_289, %swap3A_290, %swap3A_291], %swap3A_294 {strides = array<i32>} : memref<8x128x32xf32, #tpu.memory_space<vmem>>, vector<1x128x32xf32>,
    %slice3A_295 = vector.extract_strided_slice %mul3A_245 {offsets = [896, 0], sizes = [128, 32], strides = [1, 1]} : vector<1024x32xf32> to vector<128x32xf32>
    %swap3A_296 = arith.constant 7 : index
    %swap3A_297 = arith.constant 0 : index
    %swap3A_298 = arith.constant 0 : index
    %swap3A_299 = vector.load %arg15[%swap3A_296, %swap3A_297, %swap3A_298] : memref<8x128x32xf32, #tpu.memory_space<vmem>>, vector<1x128x32xf32>
    %swap3A_300 = vector.shape_cast %swap3A_299 : vector<1x128x32xf32> to vector<128x32xf32>
    %swap3A_301 = vector.shape_cast %slice3A_295 : vector<128x32xf32> to vector<1x128x32xf32>
    tpu.vector_store %arg15[%swap3A_296, %swap3A_297, %swap3A_298], %swap3A_301 {strides = array<i32>} : memref<8x128x32xf32, #tpu.memory_space<vmem>>, vector<1x128x32xf32>,
    return
  }
  func.func @transform_0(%arg0: i32) -> (i32, i32) {
    %c0_i32 = arith.constant 0 : i32
    %c0_i32_0 = arith.constant 0 : i32
    return %arg0, %c0_i32 : i32, i32
  }
  func.func @transform_1(%arg0: i32) -> (i32, i32) {
    %c0_i32 = arith.constant 0 : i32
    %c0_i32_0 = arith.constant 0 : i32
    return %arg0, %c0_i32 : i32, i32
  }
  func.func @transform_2(%arg0: i32) -> (i32, i32) {
    %c0_i32 = arith.constant 0 : i32
    %c0_i32_0 = arith.constant 0 : i32
    return %arg0, %c0_i32 : i32, i32
  }
  func.func @transform_3(%arg0: i32) -> (i32, i32) {
    %c0_i32 = arith.constant 0 : i32
    %c0_i32_0 = arith.constant 0 : i32
    return %arg0, %c0_i32 : i32, i32
  }
  func.func @transform_4(%arg0: i32) -> (i32, i32) {
    %c0_i32 = arith.constant 0 : i32
    %c0_i32_0 = arith.constant 0 : i32
    return %arg0, %c0_i32 : i32, i32
  }
  func.func @transform_5(%arg0: i32) -> (i32, i32) {
    %c0_i32 = arith.constant 0 : i32
    %c0_i32_0 = arith.constant 0 : i32
    %c0_i32_1 = arith.constant 0 : i32
    return %c0_i32, %c0_i32_0 : i32, i32
  }
  func.func @transform_6(%arg0: i32) -> (i32, i32, i32) {
    %c0_i32 = arith.constant 0 : i32
    %c0_i32_0 = arith.constant 0 : i32
    %c0_i32_1 = arith.constant 0 : i32
    %c0_i32_2 = arith.constant 0 : i32
    return %c0_i32, %c0_i32_0, %c0_i32_1 : i32, i32, i32
  }
  func.func @transform_7(%arg0: i32) -> (i32, i32, i32) {
    %c0_i32 = arith.constant 0 : i32
    %c0_i32_0 = arith.constant 0 : i32
    %c0_i32_1 = arith.constant 0 : i32
    %c0_i32_2 = arith.constant 0 : i32
    return %c0_i32, %c0_i32_0, %c0_i32_1 : i32, i32, i32
  }
  func.func @transform_8(%arg0: i32) -> (i32, i32, i32) {
    %c0_i32 = arith.constant 0 : i32
    %c0_i32_0 = arith.constant 0 : i32
    %c0_i32_1 = arith.constant 0 : i32
    %c0_i32_2 = arith.constant 0 : i32
    return %c0_i32, %c0_i32_0, %c0_i32_1 : i32, i32, i32
  }
  func.func @transform_9(%arg0: i32) -> (i32, i32, i32) {
    %c0_i32 = arith.constant 0 : i32
    %c0_i32_0 = arith.constant 0 : i32
    %c0_i32_1 = arith.constant 0 : i32
    %c0_i32_2 = arith.constant 0 : i32
    return %c0_i32, %c0_i32_0, %c0_i32_1 : i32, i32, i32
  }
  func.func @transform_10(%arg0: i32) -> (i32, i32, i32) {
    %c0_i32 = arith.constant 0 : i32
    %c0_i32_0 = arith.constant 0 : i32
    %c0_i32_1 = arith.constant 0 : i32
    %c0_i32_2 = arith.constant 0 : i32
    return %c0_i32, %c0_i32_0, %c0_i32_1 : i32, i32, i32
  }
  func.func @transform_11(%arg0: i32) -> (i32, i32, i32) {
    %c0_i32 = arith.constant 0 : i32
    %c0_i32_0 = arith.constant 0 : i32
    %c0_i32_1 = arith.constant 0 : i32
    %c0_i32_2 = arith.constant 0 : i32
    return %c0_i32, %c0_i32_0, %c0_i32_1 : i32, i32, i32
  }
  func.func @transform_12(%arg0: i32) -> (i32, i32) {
    %c0_i32 = arith.constant 0 : i32
    %c0_i32_0 = arith.constant 0 : i32
    return %arg0, %c0_i32 : i32, i32
  }
  func.func @transform_13(%arg0: i32) -> (i32, i32, i32) {
    %c0_i32 = arith.constant 0 : i32
    %c0_i32_0 = arith.constant 0 : i32
    %c0_i32_1 = arith.constant 0 : i32
    return %arg0, %c0_i32, %c0_i32_0 : i32, i32, i32
  }
  func.func @transform_14(%arg0: i32) -> (i32, i32, i32) {
    %c0_i32 = arith.constant 0 : i32
    %c0_i32_0 = arith.constant 0 : i32
    %c0_i32_1 = arith.constant 0 : i32
    return %arg0, %c0_i32, %c0_i32_0 : i32, i32, i32
  }
}

module attributes {stable_mosaic.version = 14 : i64} {
  func.func @_kb_mid_body(%arg0: i32, %arg1: memref<20xi32, #tpu.memory_space<smem>>, %arg2: memref<20xi32, #tpu.memory_space<smem>>, %arg3: memref<512x32xf32, #tpu.memory_space<vmem>>, %arg4: memref<80x128x32xf32, #tpu.memory_space<vmem>>, %arg5: memref<80x128x32xf32, #tpu.memory_space<vmem>>, %arg6: memref<512x128xf32, #tpu.memory_space<vmem>>, %arg7: memref<80x1x128xf32, #tpu.memory_space<vmem>>, %arg8: memref<512x32xf32, #tpu.memory_space<vmem>>, %arg9: memref<512x32xf32, #tpu.memory_space<vmem>>, %arg10: memref<32x32xf32, #tpu.memory_space<vmem>>, %arg11: memref<512x32xf32, #tpu.memory_space<vmem>>) attributes {dimension_semantics = [#tpu.dimension_semantics<arbitrary>], iteration_bounds = array<i64: 20>, scalar_prefetch = 0 : i64, scratch_operands = 0 : i64, tpu.core_type = #tpu.core_type<tc>, window_params = [{transform_indices = @transform_0, window_bounds = array<i64: 20>}, {transform_indices = @transform_1, window_bounds = array<i64: 20>}, {transform_indices = @transform_2, window_bounds = array<i64: 512, 32>}, {pipeline_mode = #tpu.pipeline_mode<synchronous>, transform_indices = @transform_3, window_bounds = array<i64: 80, 128, 32>}, {pipeline_mode = #tpu.pipeline_mode<synchronous>, transform_indices = @transform_4, window_bounds = array<i64: 80, 128, 32>}, {transform_indices = @transform_5, window_bounds = array<i64: 512, 128>}, {pipeline_mode = #tpu.pipeline_mode<synchronous>, transform_indices = @transform_6, window_bounds = array<i64: 80, 1, 128>}, {transform_indices = @transform_7, window_bounds = array<i64: 512, 32>}, {transform_indices = @transform_8, window_bounds = array<i64: 512, 32>}, {pipeline_mode = #tpu.pipeline_mode<synchronous>, transform_indices = @transform_9, window_bounds = array<i64: 32, 32>}, {transform_indices = @transform_10, window_bounds = array<i64: 512, 32>}]} {
    %get3A = arith.constant 0 : index
    %get3A_0 = arith.constant 0 : index
    %get3A_1 = vector.load %arg3[%get3A, %get3A_0] : memref<512x32xf32, #tpu.memory_space<vmem>>, vector<512x32xf32>
    %mul3A = arith.constant 0.176776692 : f32
    %mul3A_2 = vector.broadcast %mul3A : f32 to vector<512x32xf32>
    %mul3A_3 = arith.mulf %get3A_1, %mul3A_2 : vector<512x32xf32>
    %get3A_4 = arith.constant 0 : index
    %get3A_5 = arith.constant 0 : index
    %get3A_6 = vector.load %arg6[%get3A_4, %get3A_5] : memref<512x128xf32, #tpu.memory_space<vmem>>, vector<512x128xf32>
    %get3A_7 = arith.index_cast %arg0 : i32 to index
    %get3A_8 = memref.load %arg1[%get3A_7] : memref<20xi32, #tpu.memory_space<smem>>
    %get3A_9 = arith.index_cast %arg0 : i32 to index
    %get3A_10 = memref.load %arg2[%get3A_9] : memref<20xi32, #tpu.memory_space<smem>>
    %broadcast_in_dim3A = arith.constant -1.000000e+30 : f32
    %broadcast_in_dim3A_11 = vector.broadcast %broadcast_in_dim3A : f32 to vector<512x1xf32>
    %broadcast_in_dim3A_12 = arith.constant 0.000000e+00 : f32
    %broadcast_in_dim3A_13 = vector.broadcast %broadcast_in_dim3A_12 : f32 to vector<512x1xf32>
    %broadcast_in_dim3A_14 = arith.constant 0.000000e+00 : f32
    %broadcast_in_dim3A_15 = vector.broadcast %broadcast_in_dim3A_14 : f32 to vector<512x32xf32>
    %sub3A = arith.subi %get3A_10, %get3A_8 : i32
    %add3A = arith.constant 4 : i32
    %add3A_16 = arith.addi %sub3A, %add3A : i32
    %sub3A_17 = arith.constant 1 : i32
    %sub3A_18 = arith.subi %add3A_16, %sub3A_17 : i32
    %jit3A = arith.constant 4 : i32
    %div3A = arith.divsi %sub3A_18, %jit3A : i32
    %sign3A = arith.constant 0 : i32
    %sign3A_19 = arith.cmpi sgt, %sub3A_18, %sign3A : i32
    %sign3A_20 = arith.extui %sign3A_19 : i1 to i32
    %sign3A_21 = arith.constant 0 : i32
    %sign3A_22 = arith.cmpi slt, %sub3A_18, %sign3A_21 : i32
    %sign3A_23 = arith.extui %sign3A_22 : i1 to i32
    %sign3A_24 = arith.subi %sign3A_20, %sign3A_23 : i32
    %sign3A_25 = arith.constant 0 : i32
    %sign3A_26 = arith.cmpi sgt, %jit3A, %sign3A_25 : i32
    %sign3A_27 = arith.extui %sign3A_26 : i1 to i32
    %sign3A_28 = arith.constant 0 : i32
    %sign3A_29 = arith.cmpi slt, %jit3A, %sign3A_28 : i32
    %sign3A_30 = arith.extui %sign3A_29 : i1 to i32
    %sign3A_31 = arith.subi %sign3A_27, %sign3A_30 : i32
    %ne3A = arith.cmpi ne, %sign3A_24, %sign3A_31 : i32
    %rem3A = arith.remsi %sub3A_18, %jit3A : i32
    %ne3A_32 = arith.constant 0 : i32
    %ne3A_33 = arith.cmpi ne, %rem3A, %ne3A_32 : i32
    %and3A = arith.andi %ne3A, %ne3A_33 : i1
    %sub3A_34 = arith.constant 1 : i32
    %sub3A_35 = arith.subi %div3A, %sub3A_34 : i32
    %select_n3A = arith.select %and3A, %sub3A_35, %div3A : i32
    %while3A = arith.constant 0 : i32
    %while3A_36 = arith.subi %select_n3A, %while3A : i32
    %while3A_37 = arith.addi %while3A, %while3A_36 : i32
    %while3A_38 = arith.constant 1 : i32
    %while3A_39 = arith.divsi %while3A_36, %while3A_38 : i32
    %while3A_40 = arith.muli %while3A_39, %while3A_38 : i32
    %while3A_41 = arith.addi %while3A, %while3A_40 : i32
    %while3A_42 = arith.constant 1 : i32
    %while3A_43:3 = scf.for %while3A_155 = %while3A to %while3A_41 step %while3A_42 iter_args(%while3A_156 = %broadcast_in_dim3A_11, %while3A_157 = %broadcast_in_dim3A_13, %while3A_158 = %broadcast_in_dim3A_15) -> (vector<512x1xf32>, vector<512x1xf32>, vector<512x32xf32>)  : i32 {
      %mul3A_159 = arith.constant 4 : i32
      %mul3A_160 = arith.muli %mul3A_159, %while3A_155 : i32
      %add3A_161 = arith.addi %get3A_8, %mul3A_160 : i32
      %add3A_162 = arith.constant 0 : i32
      %add3A_163 = arith.addi %add3A_161, %add3A_162 : i32
      %min3A = arith.constant 79 : i32
      %min3A_164 = arith.minsi %add3A_163, %min3A : i32
      %mul3A_165 = arith.constant 4 : i32
      %mul3A_166 = arith.muli %mul3A_165, %while3A_155 : i32
      %add3A_167 = arith.addi %get3A_8, %mul3A_166 : i32
      %add3A_168 = arith.constant 1 : i32
      %add3A_169 = arith.addi %add3A_167, %add3A_168 : i32
      %min3A_170 = arith.constant 79 : i32
      %min3A_171 = arith.minsi %add3A_169, %min3A_170 : i32
      %mul3A_172 = arith.constant 4 : i32
      %mul3A_173 = arith.muli %mul3A_172, %while3A_155 : i32
      %add3A_174 = arith.addi %get3A_8, %mul3A_173 : i32
      %add3A_175 = arith.constant 2 : i32
      %add3A_176 = arith.addi %add3A_174, %add3A_175 : i32
      %min3A_177 = arith.constant 79 : i32
      %min3A_178 = arith.minsi %add3A_176, %min3A_177 : i32
      %mul3A_179 = arith.constant 4 : i32
      %mul3A_180 = arith.muli %mul3A_179, %while3A_155 : i32
      %add3A_181 = arith.addi %get3A_8, %mul3A_180 : i32
      %add3A_182 = arith.constant 3 : i32
      %add3A_183 = arith.addi %add3A_181, %add3A_182 : i32
      %min3A_184 = arith.constant 79 : i32
      %min3A_185 = arith.minsi %add3A_183, %min3A_184 : i32
      %get3A_186 = arith.index_cast %min3A_164 : i32 to index
      %get3A_187 = arith.constant 0 : index
      %get3A_188 = arith.constant 0 : index
      %get3A_189 = vector.load %arg4[%get3A_186, %get3A_187, %get3A_188] : memref<80x128x32xf32, #tpu.memory_space<vmem>>, vector<1x128x32xf32>
      %get3A_190 = vector.shape_cast %get3A_189 : vector<1x128x32xf32> to vector<128x32xf32>
      %dot_general3A_191 = arith.constant dense<0.000000e+00> : vector<512x128xf32>
      %dot_general3A_192 = tpu.matmul %mul3A_3, %get3A_190, %dot_general3A_191 {dimension_numbers = #tpu.dot_dimension_numbers<[1], [1], [0], [0], [0, 0, 1, 0], [], []>, transpose_lhs_hint = false} : vector<512x32xf32>, vector<128x32xf32>, vector<512x128xf32> -> vector<512x128xf32>
      %get3A_193 = arith.index_cast %min3A_164 : i32 to index
      %get3A_194 = arith.constant 0 : index
      %get3A_195 = arith.constant 0 : index
      %get3A_196 = vector.load %arg7[%get3A_193, %get3A_194, %get3A_195] : memref<80x1x128xf32, #tpu.memory_space<vmem>>, vector<1x1x128xf32>
      %get3A_197 = vector.shape_cast %get3A_196 : vector<1x1x128xf32> to vector<1x128xf32>
      %eq3A = vector.broadcast %get3A_197 : vector<1x128xf32> to vector<512x128xf32>
      %eq3A_198 = arith.cmpf oeq, %get3A_6, %eq3A : vector<512x128xf32>
      %jit3A_199 = arith.constant -1.000000e+30 : f32
      %broadcast_in_dim3A_200 = vector.broadcast %jit3A_199 : f32 to vector<512x128xf32>
      %select_n3A_201 = arith.select %eq3A_198, %dot_general3A_192, %broadcast_in_dim3A_200 : vector<512x128xi1>, vector<512x128xf32>
      %get3A_202 = arith.index_cast %min3A_171 : i32 to index
      %get3A_203 = arith.constant 0 : index
      %get3A_204 = arith.constant 0 : index
      %get3A_205 = vector.load %arg4[%get3A_202, %get3A_203, %get3A_204] : memref<80x128x32xf32, #tpu.memory_space<vmem>>, vector<1x128x32xf32>
      %get3A_206 = vector.shape_cast %get3A_205 : vector<1x128x32xf32> to vector<128x32xf32>
      %dot_general3A_207 = arith.constant dense<0.000000e+00> : vector<512x128xf32>
      %dot_general3A_208 = tpu.matmul %mul3A_3, %get3A_206, %dot_general3A_207 {dimension_numbers = #tpu.dot_dimension_numbers<[1], [1], [0], [0], [0, 0, 1, 0], [], []>, transpose_lhs_hint = false} : vector<512x32xf32>, vector<128x32xf32>, vector<512x128xf32> -> vector<512x128xf32>
      %get3A_209 = arith.index_cast %min3A_171 : i32 to index
      %get3A_210 = arith.constant 0 : index
      %get3A_211 = arith.constant 0 : index
      %get3A_212 = vector.load %arg7[%get3A_209, %get3A_210, %get3A_211] : memref<80x1x128xf32, #tpu.memory_space<vmem>>, vector<1x1x128xf32>
      %get3A_213 = vector.shape_cast %get3A_212 : vector<1x1x128xf32> to vector<1x128xf32>
      %eq3A_214 = vector.broadcast %get3A_213 : vector<1x128xf32> to vector<512x128xf32>
      %eq3A_215 = arith.cmpf oeq, %get3A_6, %eq3A_214 : vector<512x128xf32>
      %jit3A_216 = arith.constant -1.000000e+30 : f32
      %broadcast_in_dim3A_217 = vector.broadcast %jit3A_216 : f32 to vector<512x128xf32>
      %select_n3A_218 = arith.select %eq3A_215, %dot_general3A_208, %broadcast_in_dim3A_217 : vector<512x128xi1>, vector<512x128xf32>
      %get3A_219 = arith.index_cast %min3A_178 : i32 to index
      %get3A_220 = arith.constant 0 : index
      %get3A_221 = arith.constant 0 : index
      %get3A_222 = vector.load %arg4[%get3A_219, %get3A_220, %get3A_221] : memref<80x128x32xf32, #tpu.memory_space<vmem>>, vector<1x128x32xf32>
      %get3A_223 = vector.shape_cast %get3A_222 : vector<1x128x32xf32> to vector<128x32xf32>
      %dot_general3A_224 = arith.constant dense<0.000000e+00> : vector<512x128xf32>
      %dot_general3A_225 = tpu.matmul %mul3A_3, %get3A_223, %dot_general3A_224 {dimension_numbers = #tpu.dot_dimension_numbers<[1], [1], [0], [0], [0, 0, 1, 0], [], []>, transpose_lhs_hint = false} : vector<512x32xf32>, vector<128x32xf32>, vector<512x128xf32> -> vector<512x128xf32>
      %get3A_226 = arith.index_cast %min3A_178 : i32 to index
      %get3A_227 = arith.constant 0 : index
      %get3A_228 = arith.constant 0 : index
      %get3A_229 = vector.load %arg7[%get3A_226, %get3A_227, %get3A_228] : memref<80x1x128xf32, #tpu.memory_space<vmem>>, vector<1x1x128xf32>
      %get3A_230 = vector.shape_cast %get3A_229 : vector<1x1x128xf32> to vector<1x128xf32>
      %eq3A_231 = vector.broadcast %get3A_230 : vector<1x128xf32> to vector<512x128xf32>
      %eq3A_232 = arith.cmpf oeq, %get3A_6, %eq3A_231 : vector<512x128xf32>
      %jit3A_233 = arith.constant -1.000000e+30 : f32
      %broadcast_in_dim3A_234 = vector.broadcast %jit3A_233 : f32 to vector<512x128xf32>
      %select_n3A_235 = arith.select %eq3A_232, %dot_general3A_225, %broadcast_in_dim3A_234 : vector<512x128xi1>, vector<512x128xf32>
      %get3A_236 = arith.index_cast %min3A_185 : i32 to index
      %get3A_237 = arith.constant 0 : index
      %get3A_238 = arith.constant 0 : index
      %get3A_239 = vector.load %arg4[%get3A_236, %get3A_237, %get3A_238] : memref<80x128x32xf32, #tpu.memory_space<vmem>>, vector<1x128x32xf32>
      %get3A_240 = vector.shape_cast %get3A_239 : vector<1x128x32xf32> to vector<128x32xf32>
      %dot_general3A_241 = arith.constant dense<0.000000e+00> : vector<512x128xf32>
      %dot_general3A_242 = tpu.matmul %mul3A_3, %get3A_240, %dot_general3A_241 {dimension_numbers = #tpu.dot_dimension_numbers<[1], [1], [0], [0], [0, 0, 1, 0], [], []>, transpose_lhs_hint = false} : vector<512x32xf32>, vector<128x32xf32>, vector<512x128xf32> -> vector<512x128xf32>
      %get3A_243 = arith.index_cast %min3A_185 : i32 to index
      %get3A_244 = arith.constant 0 : index
      %get3A_245 = arith.constant 0 : index
      %get3A_246 = vector.load %arg7[%get3A_243, %get3A_244, %get3A_245] : memref<80x1x128xf32, #tpu.memory_space<vmem>>, vector<1x1x128xf32>
      %get3A_247 = vector.shape_cast %get3A_246 : vector<1x1x128xf32> to vector<1x128xf32>
      %eq3A_248 = vector.broadcast %get3A_247 : vector<1x128xf32> to vector<512x128xf32>
      %eq3A_249 = arith.cmpf oeq, %get3A_6, %eq3A_248 : vector<512x128xf32>
      %jit3A_250 = arith.constant -1.000000e+30 : f32
      %broadcast_in_dim3A_251 = vector.broadcast %jit3A_250 : f32 to vector<512x128xf32>
      %select_n3A_252 = arith.select %eq3A_249, %dot_general3A_242, %broadcast_in_dim3A_251 : vector<512x128xi1>, vector<512x128xf32>
      %reduce_max3A = arith.constant dense<0xFF800000> : vector<512xf32>
      %reduce_max3A_253 = vector.multi_reduction <maximumf>, %select_n3A_201, %reduce_max3A [1] : vector<512x128xf32> to vector<512xf32>
      %broadcast_in_dim3A_254 = vector.shape_cast %reduce_max3A_253 : vector<512xf32> to vector<512x1xf32>
      %max3A = arith.maximumf %while3A_156, %broadcast_in_dim3A_254 : vector<512x1xf32>
      %reduce_max3A_255 = arith.constant dense<0xFF800000> : vector<512xf32>
      %reduce_max3A_256 = vector.multi_reduction <maximumf>, %select_n3A_218, %reduce_max3A_255 [1] : vector<512x128xf32> to vector<512xf32>
      %broadcast_in_dim3A_257 = vector.shape_cast %reduce_max3A_256 : vector<512xf32> to vector<512x1xf32>
      %max3A_258 = arith.maximumf %max3A, %broadcast_in_dim3A_257 : vector<512x1xf32>
      %reduce_max3A_259 = arith.constant dense<0xFF800000> : vector<512xf32>
      %reduce_max3A_260 = vector.multi_reduction <maximumf>, %select_n3A_235, %reduce_max3A_259 [1] : vector<512x128xf32> to vector<512xf32>
      %broadcast_in_dim3A_261 = vector.shape_cast %reduce_max3A_260 : vector<512xf32> to vector<512x1xf32>
      %max3A_262 = arith.maximumf %max3A_258, %broadcast_in_dim3A_261 : vector<512x1xf32>
      %reduce_max3A_263 = arith.constant dense<0xFF800000> : vector<512xf32>
      %reduce_max3A_264 = vector.multi_reduction <maximumf>, %select_n3A_252, %reduce_max3A_263 [1] : vector<512x128xf32> to vector<512xf32>
      %broadcast_in_dim3A_265 = vector.shape_cast %reduce_max3A_264 : vector<512xf32> to vector<512x1xf32>
      %max3A_266 = arith.maximumf %max3A_262, %broadcast_in_dim3A_265 : vector<512x1xf32>
      %sub3A_267 = vector.broadcast %max3A_266 : vector<512x1xf32> to vector<512x128xf32>
      %sub3A_268 = arith.subf %select_n3A_201, %sub3A_267 : vector<512x128xf32>
      %exp3A = math.exp %sub3A_268 : vector<512x128xf32>
      %sub3A_269 = vector.broadcast %max3A_266 : vector<512x1xf32> to vector<512x128xf32>
      %sub3A_270 = arith.subf %select_n3A_218, %sub3A_269 : vector<512x128xf32>
      %exp3A_271 = math.exp %sub3A_270 : vector<512x128xf32>
      %sub3A_272 = vector.broadcast %max3A_266 : vector<512x1xf32> to vector<512x128xf32>
      %sub3A_273 = arith.subf %select_n3A_235, %sub3A_272 : vector<512x128xf32>
      %exp3A_274 = math.exp %sub3A_273 : vector<512x128xf32>
      %sub3A_275 = vector.broadcast %max3A_266 : vector<512x1xf32> to vector<512x128xf32>
      %sub3A_276 = arith.subf %select_n3A_252, %sub3A_275 : vector<512x128xf32>
      %exp3A_277 = math.exp %sub3A_276 : vector<512x128xf32>
      %sub3A_278 = arith.subf %while3A_156, %max3A_266 : vector<512x1xf32>
      %exp3A_279 = math.exp %sub3A_278 : vector<512x1xf32>
      %get3A_280 = arith.index_cast %min3A_164 : i32 to index
      %get3A_281 = arith.constant 0 : index
      %get3A_282 = arith.constant 0 : index
      %get3A_283 = vector.load %arg5[%get3A_280, %get3A_281, %get3A_282] : memref<80x128x32xf32, #tpu.memory_space<vmem>>, vector<1x128x32xf32>
      %get3A_284 = vector.shape_cast %get3A_283 : vector<1x128x32xf32> to vector<128x32xf32>
      %dot_general3A_285 = arith.constant dense<0.000000e+00> : vector<512x32xf32>
      %dot_general3A_286 = tpu.matmul %exp3A, %get3A_284, %dot_general3A_285 {dimension_numbers = #tpu.dot_dimension_numbers<[1], [0], [0], [1], [0, 0, 1, 1], [], []>, transpose_lhs_hint = false} : vector<512x128xf32>, vector<128x32xf32>, vector<512x32xf32> -> vector<512x32xf32>
      %reduce_sum3A = arith.constant dense<0.000000e+00> : vector<512xf32>
      %reduce_sum3A_287 = vector.multi_reduction <add>, %exp3A, %reduce_sum3A [1] : vector<512x128xf32> to vector<512xf32>
      %broadcast_in_dim3A_288 = vector.shape_cast %reduce_sum3A_287 : vector<512xf32> to vector<512x1xf32>
      %get3A_289 = arith.index_cast %min3A_171 : i32 to index
      %get3A_290 = arith.constant 0 : index
      %get3A_291 = arith.constant 0 : index
      %get3A_292 = vector.load %arg5[%get3A_289, %get3A_290, %get3A_291] : memref<80x128x32xf32, #tpu.memory_space<vmem>>, vector<1x128x32xf32>
      %get3A_293 = vector.shape_cast %get3A_292 : vector<1x128x32xf32> to vector<128x32xf32>
      %dot_general3A_294 = arith.constant dense<0.000000e+00> : vector<512x32xf32>
      %dot_general3A_295 = tpu.matmul %exp3A_271, %get3A_293, %dot_general3A_294 {dimension_numbers = #tpu.dot_dimension_numbers<[1], [0], [0], [1], [0, 0, 1, 1], [], []>, transpose_lhs_hint = false} : vector<512x128xf32>, vector<128x32xf32>, vector<512x32xf32> -> vector<512x32xf32>
      %add3A_296 = arith.addf %dot_general3A_286, %dot_general3A_295 : vector<512x32xf32>
      %reduce_sum3A_297 = arith.constant dense<0.000000e+00> : vector<512xf32>
      %reduce_sum3A_298 = vector.multi_reduction <add>, %exp3A_271, %reduce_sum3A_297 [1] : vector<512x128xf32> to vector<512xf32>
      %broadcast_in_dim3A_299 = vector.shape_cast %reduce_sum3A_298 : vector<512xf32> to vector<512x1xf32>
      %add3A_300 = arith.addf %broadcast_in_dim3A_288, %broadcast_in_dim3A_299 : vector<512x1xf32>
      %get3A_301 = arith.index_cast %min3A_178 : i32 to index
      %get3A_302 = arith.constant 0 : index
      %get3A_303 = arith.constant 0 : index
      %get3A_304 = vector.load %arg5[%get3A_301, %get3A_302, %get3A_303] : memref<80x128x32xf32, #tpu.memory_space<vmem>>, vector<1x128x32xf32>
      %get3A_305 = vector.shape_cast %get3A_304 : vector<1x128x32xf32> to vector<128x32xf32>
      %dot_general3A_306 = arith.constant dense<0.000000e+00> : vector<512x32xf32>
      %dot_general3A_307 = tpu.matmul %exp3A_274, %get3A_305, %dot_general3A_306 {dimension_numbers = #tpu.dot_dimension_numbers<[1], [0], [0], [1], [0, 0, 1, 1], [], []>, transpose_lhs_hint = false} : vector<512x128xf32>, vector<128x32xf32>, vector<512x32xf32> -> vector<512x32xf32>
      %add3A_308 = arith.addf %add3A_296, %dot_general3A_307 : vector<512x32xf32>
      %reduce_sum3A_309 = arith.constant dense<0.000000e+00> : vector<512xf32>
      %reduce_sum3A_310 = vector.multi_reduction <add>, %exp3A_274, %reduce_sum3A_309 [1] : vector<512x128xf32> to vector<512xf32>
      %broadcast_in_dim3A_311 = vector.shape_cast %reduce_sum3A_310 : vector<512xf32> to vector<512x1xf32>
      %add3A_312 = arith.addf %add3A_300, %broadcast_in_dim3A_311 : vector<512x1xf32>
      %get3A_313 = arith.index_cast %min3A_185 : i32 to index
      %get3A_314 = arith.constant 0 : index
      %get3A_315 = arith.constant 0 : index
      %get3A_316 = vector.load %arg5[%get3A_313, %get3A_314, %get3A_315] : memref<80x128x32xf32, #tpu.memory_space<vmem>>, vector<1x128x32xf32>
      %get3A_317 = vector.shape_cast %get3A_316 : vector<1x128x32xf32> to vector<128x32xf32>
      %dot_general3A_318 = arith.constant dense<0.000000e+00> : vector<512x32xf32>
      %dot_general3A_319 = tpu.matmul %exp3A_277, %get3A_317, %dot_general3A_318 {dimension_numbers = #tpu.dot_dimension_numbers<[1], [0], [0], [1], [0, 0, 1, 1], [], []>, transpose_lhs_hint = false} : vector<512x128xf32>, vector<128x32xf32>, vector<512x32xf32> -> vector<512x32xf32>
      %add3A_320 = arith.addf %add3A_308, %dot_general3A_319 : vector<512x32xf32>
      %reduce_sum3A_321 = arith.constant dense<0.000000e+00> : vector<512xf32>
      %reduce_sum3A_322 = vector.multi_reduction <add>, %exp3A_277, %reduce_sum3A_321 [1] : vector<512x128xf32> to vector<512xf32>
      %broadcast_in_dim3A_323 = vector.shape_cast %reduce_sum3A_322 : vector<512xf32> to vector<512x1xf32>
      %add3A_324 = arith.addf %add3A_312, %broadcast_in_dim3A_323 : vector<512x1xf32>
      %mul3A_325 = arith.mulf %while3A_157, %exp3A_279 : vector<512x1xf32>
      %add3A_326 = arith.addf %mul3A_325, %add3A_324 : vector<512x1xf32>
      %mul3A_327 = vector.broadcast %exp3A_279 : vector<512x1xf32> to vector<512x32xf32>
      %mul3A_328 = arith.mulf %while3A_158, %mul3A_327 : vector<512x32xf32>
      %add3A_329 = arith.addf %mul3A_328, %add3A_320 : vector<512x32xf32>
      scf.yield %max3A_266, %add3A_326, %add3A_329 : vector<512x1xf32>, vector<512x1xf32>, vector<512x32xf32>
    }
    %while3A_44 = arith.constant 1 : i32
    %while3A_45:3 = scf.for %while3A_155 = %while3A_41 to %while3A_37 step %while3A_44 iter_args(%while3A_156 = %while3A_43#0, %while3A_157 = %while3A_43#1, %while3A_158 = %while3A_43#2) -> (vector<512x1xf32>, vector<512x1xf32>, vector<512x32xf32>)  : i32 {
      %mul3A_159 = arith.constant 4 : i32
      %mul3A_160 = arith.muli %mul3A_159, %while3A_155 : i32
      %add3A_161 = arith.addi %get3A_8, %mul3A_160 : i32
      %add3A_162 = arith.constant 0 : i32
      %add3A_163 = arith.addi %add3A_161, %add3A_162 : i32
      %min3A = arith.constant 79 : i32
      %min3A_164 = arith.minsi %add3A_163, %min3A : i32
      %mul3A_165 = arith.constant 4 : i32
      %mul3A_166 = arith.muli %mul3A_165, %while3A_155 : i32
      %add3A_167 = arith.addi %get3A_8, %mul3A_166 : i32
      %add3A_168 = arith.constant 1 : i32
      %add3A_169 = arith.addi %add3A_167, %add3A_168 : i32
      %min3A_170 = arith.constant 79 : i32
      %min3A_171 = arith.minsi %add3A_169, %min3A_170 : i32
      %mul3A_172 = arith.constant 4 : i32
      %mul3A_173 = arith.muli %mul3A_172, %while3A_155 : i32
      %add3A_174 = arith.addi %get3A_8, %mul3A_173 : i32
      %add3A_175 = arith.constant 2 : i32
      %add3A_176 = arith.addi %add3A_174, %add3A_175 : i32
      %min3A_177 = arith.constant 79 : i32
      %min3A_178 = arith.minsi %add3A_176, %min3A_177 : i32
      %mul3A_179 = arith.constant 4 : i32
      %mul3A_180 = arith.muli %mul3A_179, %while3A_155 : i32
      %add3A_181 = arith.addi %get3A_8, %mul3A_180 : i32
      %add3A_182 = arith.constant 3 : i32
      %add3A_183 = arith.addi %add3A_181, %add3A_182 : i32
      %min3A_184 = arith.constant 79 : i32
      %min3A_185 = arith.minsi %add3A_183, %min3A_184 : i32
      %get3A_186 = arith.index_cast %min3A_164 : i32 to index
      %get3A_187 = arith.constant 0 : index
      %get3A_188 = arith.constant 0 : index
      %get3A_189 = vector.load %arg4[%get3A_186, %get3A_187, %get3A_188] : memref<80x128x32xf32, #tpu.memory_space<vmem>>, vector<1x128x32xf32>
      %get3A_190 = vector.shape_cast %get3A_189 : vector<1x128x32xf32> to vector<128x32xf32>
      %dot_general3A_191 = arith.constant dense<0.000000e+00> : vector<512x128xf32>
      %dot_general3A_192 = tpu.matmul %mul3A_3, %get3A_190, %dot_general3A_191 {dimension_numbers = #tpu.dot_dimension_numbers<[1], [1], [0], [0], [0, 0, 1, 0], [], []>, transpose_lhs_hint = false} : vector<512x32xf32>, vector<128x32xf32>, vector<512x128xf32> -> vector<512x128xf32>
      %get3A_193 = arith.index_cast %min3A_164 : i32 to index
      %get3A_194 = arith.constant 0 : index
      %get3A_195 = arith.constant 0 : index
      %get3A_196 = vector.load %arg7[%get3A_193, %get3A_194, %get3A_195] : memref<80x1x128xf32, #tpu.memory_space<vmem>>, vector<1x1x128xf32>
      %get3A_197 = vector.shape_cast %get3A_196 : vector<1x1x128xf32> to vector<1x128xf32>
      %eq3A = vector.broadcast %get3A_197 : vector<1x128xf32> to vector<512x128xf32>
      %eq3A_198 = arith.cmpf oeq, %get3A_6, %eq3A : vector<512x128xf32>
      %jit3A_199 = arith.constant -1.000000e+30 : f32
      %broadcast_in_dim3A_200 = vector.broadcast %jit3A_199 : f32 to vector<512x128xf32>
      %select_n3A_201 = arith.select %eq3A_198, %dot_general3A_192, %broadcast_in_dim3A_200 : vector<512x128xi1>, vector<512x128xf32>
      %get3A_202 = arith.index_cast %min3A_171 : i32 to index
      %get3A_203 = arith.constant 0 : index
      %get3A_204 = arith.constant 0 : index
      %get3A_205 = vector.load %arg4[%get3A_202, %get3A_203, %get3A_204] : memref<80x128x32xf32, #tpu.memory_space<vmem>>, vector<1x128x32xf32>
      %get3A_206 = vector.shape_cast %get3A_205 : vector<1x128x32xf32> to vector<128x32xf32>
      %dot_general3A_207 = arith.constant dense<0.000000e+00> : vector<512x128xf32>
      %dot_general3A_208 = tpu.matmul %mul3A_3, %get3A_206, %dot_general3A_207 {dimension_numbers = #tpu.dot_dimension_numbers<[1], [1], [0], [0], [0, 0, 1, 0], [], []>, transpose_lhs_hint = false} : vector<512x32xf32>, vector<128x32xf32>, vector<512x128xf32> -> vector<512x128xf32>
      %get3A_209 = arith.index_cast %min3A_171 : i32 to index
      %get3A_210 = arith.constant 0 : index
      %get3A_211 = arith.constant 0 : index
      %get3A_212 = vector.load %arg7[%get3A_209, %get3A_210, %get3A_211] : memref<80x1x128xf32, #tpu.memory_space<vmem>>, vector<1x1x128xf32>
      %get3A_213 = vector.shape_cast %get3A_212 : vector<1x1x128xf32> to vector<1x128xf32>
      %eq3A_214 = vector.broadcast %get3A_213 : vector<1x128xf32> to vector<512x128xf32>
      %eq3A_215 = arith.cmpf oeq, %get3A_6, %eq3A_214 : vector<512x128xf32>
      %jit3A_216 = arith.constant -1.000000e+30 : f32
      %broadcast_in_dim3A_217 = vector.broadcast %jit3A_216 : f32 to vector<512x128xf32>
      %select_n3A_218 = arith.select %eq3A_215, %dot_general3A_208, %broadcast_in_dim3A_217 : vector<512x128xi1>, vector<512x128xf32>
      %get3A_219 = arith.index_cast %min3A_178 : i32 to index
      %get3A_220 = arith.constant 0 : index
      %get3A_221 = arith.constant 0 : index
      %get3A_222 = vector.load %arg4[%get3A_219, %get3A_220, %get3A_221] : memref<80x128x32xf32, #tpu.memory_space<vmem>>, vector<1x128x32xf32>
      %get3A_223 = vector.shape_cast %get3A_222 : vector<1x128x32xf32> to vector<128x32xf32>
      %dot_general3A_224 = arith.constant dense<0.000000e+00> : vector<512x128xf32>
      %dot_general3A_225 = tpu.matmul %mul3A_3, %get3A_223, %dot_general3A_224 {dimension_numbers = #tpu.dot_dimension_numbers<[1], [1], [0], [0], [0, 0, 1, 0], [], []>, transpose_lhs_hint = false} : vector<512x32xf32>, vector<128x32xf32>, vector<512x128xf32> -> vector<512x128xf32>
      %get3A_226 = arith.index_cast %min3A_178 : i32 to index
      %get3A_227 = arith.constant 0 : index
      %get3A_228 = arith.constant 0 : index
      %get3A_229 = vector.load %arg7[%get3A_226, %get3A_227, %get3A_228] : memref<80x1x128xf32, #tpu.memory_space<vmem>>, vector<1x1x128xf32>
      %get3A_230 = vector.shape_cast %get3A_229 : vector<1x1x128xf32> to vector<1x128xf32>
      %eq3A_231 = vector.broadcast %get3A_230 : vector<1x128xf32> to vector<512x128xf32>
      %eq3A_232 = arith.cmpf oeq, %get3A_6, %eq3A_231 : vector<512x128xf32>
      %jit3A_233 = arith.constant -1.000000e+30 : f32
      %broadcast_in_dim3A_234 = vector.broadcast %jit3A_233 : f32 to vector<512x128xf32>
      %select_n3A_235 = arith.select %eq3A_232, %dot_general3A_225, %broadcast_in_dim3A_234 : vector<512x128xi1>, vector<512x128xf32>
      %get3A_236 = arith.index_cast %min3A_185 : i32 to index
      %get3A_237 = arith.constant 0 : index
      %get3A_238 = arith.constant 0 : index
      %get3A_239 = vector.load %arg4[%get3A_236, %get3A_237, %get3A_238] : memref<80x128x32xf32, #tpu.memory_space<vmem>>, vector<1x128x32xf32>
      %get3A_240 = vector.shape_cast %get3A_239 : vector<1x128x32xf32> to vector<128x32xf32>
      %dot_general3A_241 = arith.constant dense<0.000000e+00> : vector<512x128xf32>
      %dot_general3A_242 = tpu.matmul %mul3A_3, %get3A_240, %dot_general3A_241 {dimension_numbers = #tpu.dot_dimension_numbers<[1], [1], [0], [0], [0, 0, 1, 0], [], []>, transpose_lhs_hint = false} : vector<512x32xf32>, vector<128x32xf32>, vector<512x128xf32> -> vector<512x128xf32>
      %get3A_243 = arith.index_cast %min3A_185 : i32 to index
      %get3A_244 = arith.constant 0 : index
      %get3A_245 = arith.constant 0 : index
      %get3A_246 = vector.load %arg7[%get3A_243, %get3A_244, %get3A_245] : memref<80x1x128xf32, #tpu.memory_space<vmem>>, vector<1x1x128xf32>
      %get3A_247 = vector.shape_cast %get3A_246 : vector<1x1x128xf32> to vector<1x128xf32>
      %eq3A_248 = vector.broadcast %get3A_247 : vector<1x128xf32> to vector<512x128xf32>
      %eq3A_249 = arith.cmpf oeq, %get3A_6, %eq3A_248 : vector<512x128xf32>
      %jit3A_250 = arith.constant -1.000000e+30 : f32
      %broadcast_in_dim3A_251 = vector.broadcast %jit3A_250 : f32 to vector<512x128xf32>
      %select_n3A_252 = arith.select %eq3A_249, %dot_general3A_242, %broadcast_in_dim3A_251 : vector<512x128xi1>, vector<512x128xf32>
      %reduce_max3A = arith.constant dense<0xFF800000> : vector<512xf32>
      %reduce_max3A_253 = vector.multi_reduction <maximumf>, %select_n3A_201, %reduce_max3A [1] : vector<512x128xf32> to vector<512xf32>
      %broadcast_in_dim3A_254 = vector.shape_cast %reduce_max3A_253 : vector<512xf32> to vector<512x1xf32>
      %max3A = arith.maximumf %while3A_156, %broadcast_in_dim3A_254 : vector<512x1xf32>
      %reduce_max3A_255 = arith.constant dense<0xFF800000> : vector<512xf32>
      %reduce_max3A_256 = vector.multi_reduction <maximumf>, %select_n3A_218, %reduce_max3A_255 [1] : vector<512x128xf32> to vector<512xf32>
      %broadcast_in_dim3A_257 = vector.shape_cast %reduce_max3A_256 : vector<512xf32> to vector<512x1xf32>
      %max3A_258 = arith.maximumf %max3A, %broadcast_in_dim3A_257 : vector<512x1xf32>
      %reduce_max3A_259 = arith.constant dense<0xFF800000> : vector<512xf32>
      %reduce_max3A_260 = vector.multi_reduction <maximumf>, %select_n3A_235, %reduce_max3A_259 [1] : vector<512x128xf32> to vector<512xf32>
      %broadcast_in_dim3A_261 = vector.shape_cast %reduce_max3A_260 : vector<512xf32> to vector<512x1xf32>
      %max3A_262 = arith.maximumf %max3A_258, %broadcast_in_dim3A_261 : vector<512x1xf32>
      %reduce_max3A_263 = arith.constant dense<0xFF800000> : vector<512xf32>
      %reduce_max3A_264 = vector.multi_reduction <maximumf>, %select_n3A_252, %reduce_max3A_263 [1] : vector<512x128xf32> to vector<512xf32>
      %broadcast_in_dim3A_265 = vector.shape_cast %reduce_max3A_264 : vector<512xf32> to vector<512x1xf32>
      %max3A_266 = arith.maximumf %max3A_262, %broadcast_in_dim3A_265 : vector<512x1xf32>
      %sub3A_267 = vector.broadcast %max3A_266 : vector<512x1xf32> to vector<512x128xf32>
      %sub3A_268 = arith.subf %select_n3A_201, %sub3A_267 : vector<512x128xf32>
      %exp3A = math.exp %sub3A_268 : vector<512x128xf32>
      %sub3A_269 = vector.broadcast %max3A_266 : vector<512x1xf32> to vector<512x128xf32>
      %sub3A_270 = arith.subf %select_n3A_218, %sub3A_269 : vector<512x128xf32>
      %exp3A_271 = math.exp %sub3A_270 : vector<512x128xf32>
      %sub3A_272 = vector.broadcast %max3A_266 : vector<512x1xf32> to vector<512x128xf32>
      %sub3A_273 = arith.subf %select_n3A_235, %sub3A_272 : vector<512x128xf32>
      %exp3A_274 = math.exp %sub3A_273 : vector<512x128xf32>
      %sub3A_275 = vector.broadcast %max3A_266 : vector<512x1xf32> to vector<512x128xf32>
      %sub3A_276 = arith.subf %select_n3A_252, %sub3A_275 : vector<512x128xf32>
      %exp3A_277 = math.exp %sub3A_276 : vector<512x128xf32>
      %sub3A_278 = arith.subf %while3A_156, %max3A_266 : vector<512x1xf32>
      %exp3A_279 = math.exp %sub3A_278 : vector<512x1xf32>
      %get3A_280 = arith.index_cast %min3A_164 : i32 to index
      %get3A_281 = arith.constant 0 : index
      %get3A_282 = arith.constant 0 : index
      %get3A_283 = vector.load %arg5[%get3A_280, %get3A_281, %get3A_282] : memref<80x128x32xf32, #tpu.memory_space<vmem>>, vector<1x128x32xf32>
      %get3A_284 = vector.shape_cast %get3A_283 : vector<1x128x32xf32> to vector<128x32xf32>
      %dot_general3A_285 = arith.constant dense<0.000000e+00> : vector<512x32xf32>
      %dot_general3A_286 = tpu.matmul %exp3A, %get3A_284, %dot_general3A_285 {dimension_numbers = #tpu.dot_dimension_numbers<[1], [0], [0], [1], [0, 0, 1, 1], [], []>, transpose_lhs_hint = false} : vector<512x128xf32>, vector<128x32xf32>, vector<512x32xf32> -> vector<512x32xf32>
      %reduce_sum3A = arith.constant dense<0.000000e+00> : vector<512xf32>
      %reduce_sum3A_287 = vector.multi_reduction <add>, %exp3A, %reduce_sum3A [1] : vector<512x128xf32> to vector<512xf32>
      %broadcast_in_dim3A_288 = vector.shape_cast %reduce_sum3A_287 : vector<512xf32> to vector<512x1xf32>
      %get3A_289 = arith.index_cast %min3A_171 : i32 to index
      %get3A_290 = arith.constant 0 : index
      %get3A_291 = arith.constant 0 : index
      %get3A_292 = vector.load %arg5[%get3A_289, %get3A_290, %get3A_291] : memref<80x128x32xf32, #tpu.memory_space<vmem>>, vector<1x128x32xf32>
      %get3A_293 = vector.shape_cast %get3A_292 : vector<1x128x32xf32> to vector<128x32xf32>
      %dot_general3A_294 = arith.constant dense<0.000000e+00> : vector<512x32xf32>
      %dot_general3A_295 = tpu.matmul %exp3A_271, %get3A_293, %dot_general3A_294 {dimension_numbers = #tpu.dot_dimension_numbers<[1], [0], [0], [1], [0, 0, 1, 1], [], []>, transpose_lhs_hint = false} : vector<512x128xf32>, vector<128x32xf32>, vector<512x32xf32> -> vector<512x32xf32>
      %add3A_296 = arith.addf %dot_general3A_286, %dot_general3A_295 : vector<512x32xf32>
      %reduce_sum3A_297 = arith.constant dense<0.000000e+00> : vector<512xf32>
      %reduce_sum3A_298 = vector.multi_reduction <add>, %exp3A_271, %reduce_sum3A_297 [1] : vector<512x128xf32> to vector<512xf32>
      %broadcast_in_dim3A_299 = vector.shape_cast %reduce_sum3A_298 : vector<512xf32> to vector<512x1xf32>
      %add3A_300 = arith.addf %broadcast_in_dim3A_288, %broadcast_in_dim3A_299 : vector<512x1xf32>
      %get3A_301 = arith.index_cast %min3A_178 : i32 to index
      %get3A_302 = arith.constant 0 : index
      %get3A_303 = arith.constant 0 : index
      %get3A_304 = vector.load %arg5[%get3A_301, %get3A_302, %get3A_303] : memref<80x128x32xf32, #tpu.memory_space<vmem>>, vector<1x128x32xf32>
      %get3A_305 = vector.shape_cast %get3A_304 : vector<1x128x32xf32> to vector<128x32xf32>
      %dot_general3A_306 = arith.constant dense<0.000000e+00> : vector<512x32xf32>
      %dot_general3A_307 = tpu.matmul %exp3A_274, %get3A_305, %dot_general3A_306 {dimension_numbers = #tpu.dot_dimension_numbers<[1], [0], [0], [1], [0, 0, 1, 1], [], []>, transpose_lhs_hint = false} : vector<512x128xf32>, vector<128x32xf32>, vector<512x32xf32> -> vector<512x32xf32>
      %add3A_308 = arith.addf %add3A_296, %dot_general3A_307 : vector<512x32xf32>
      %reduce_sum3A_309 = arith.constant dense<0.000000e+00> : vector<512xf32>
      %reduce_sum3A_310 = vector.multi_reduction <add>, %exp3A_274, %reduce_sum3A_309 [1] : vector<512x128xf32> to vector<512xf32>
      %broadcast_in_dim3A_311 = vector.shape_cast %reduce_sum3A_310 : vector<512xf32> to vector<512x1xf32>
      %add3A_312 = arith.addf %add3A_300, %broadcast_in_dim3A_311 : vector<512x1xf32>
      %get3A_313 = arith.index_cast %min3A_185 : i32 to index
      %get3A_314 = arith.constant 0 : index
      %get3A_315 = arith.constant 0 : index
      %get3A_316 = vector.load %arg5[%get3A_313, %get3A_314, %get3A_315] : memref<80x128x32xf32, #tpu.memory_space<vmem>>, vector<1x128x32xf32>
      %get3A_317 = vector.shape_cast %get3A_316 : vector<1x128x32xf32> to vector<128x32xf32>
      %dot_general3A_318 = arith.constant dense<0.000000e+00> : vector<512x32xf32>
      %dot_general3A_319 = tpu.matmul %exp3A_277, %get3A_317, %dot_general3A_318 {dimension_numbers = #tpu.dot_dimension_numbers<[1], [0], [0], [1], [0, 0, 1, 1], [], []>, transpose_lhs_hint = false} : vector<512x128xf32>, vector<128x32xf32>, vector<512x32xf32> -> vector<512x32xf32>
      %add3A_320 = arith.addf %add3A_308, %dot_general3A_319 : vector<512x32xf32>
      %reduce_sum3A_321 = arith.constant dense<0.000000e+00> : vector<512xf32>
      %reduce_sum3A_322 = vector.multi_reduction <add>, %exp3A_277, %reduce_sum3A_321 [1] : vector<512x128xf32> to vector<512xf32>
      %broadcast_in_dim3A_323 = vector.shape_cast %reduce_sum3A_322 : vector<512xf32> to vector<512x1xf32>
      %add3A_324 = arith.addf %add3A_312, %broadcast_in_dim3A_323 : vector<512x1xf32>
      %mul3A_325 = arith.mulf %while3A_157, %exp3A_279 : vector<512x1xf32>
      %add3A_326 = arith.addf %mul3A_325, %add3A_324 : vector<512x1xf32>
      %mul3A_327 = vector.broadcast %exp3A_279 : vector<512x1xf32> to vector<512x32xf32>
      %mul3A_328 = arith.mulf %while3A_158, %mul3A_327 : vector<512x32xf32>
      %add3A_329 = arith.addf %mul3A_328, %add3A_320 : vector<512x32xf32>
      scf.yield %max3A_266, %add3A_326, %add3A_329 : vector<512x1xf32>, vector<512x1xf32>, vector<512x32xf32>
    }
    %le3A = arith.constant -1.000000e+29 : f32
    %le3A_46 = vector.broadcast %le3A : f32 to vector<512x1xf32>
    %le3A_47 = arith.cmpf ole, %while3A_45#0, %le3A_46 : vector<512x1xf32>
    %reduce_or3A = arith.constant 1.000000e+00 : f32
    %reduce_or3A_48 = arith.constant 0.000000e+00 : f32
    %reduce_or3A_49 = vector.broadcast %reduce_or3A : f32 to vector<512x1xf32>
    %reduce_or3A_50 = vector.broadcast %reduce_or3A_48 : f32 to vector<512x1xf32>
    %reduce_or3A_51 = arith.select %le3A_47, %reduce_or3A_49, %reduce_or3A_50 : vector<512x1xi1>, vector<512x1xf32>
    %reduce_or3A_52 = vector.shape_cast %reduce_or3A_51 : vector<512x1xf32> to vector<1x512x1xf32>
    %reduce_or3A_53 = arith.constant dense<0xFF800000> : vector<1xf32>
    %reduce_or3A_54 = vector.multi_reduction <maximumf>, %reduce_or3A_52, %reduce_or3A_53 [1, 2] : vector<1x512x1xf32> to vector<1xf32>
    %reduce_or3A_55 = vector.shape_cast %reduce_or3A_54 : vector<1xf32> to vector<1x1x1xf32>
    %reduce_or3A_56 = vector.extract %reduce_or3A_55[0, 0, 0] : f32 from vector<1x1x1xf32>
    %reduce_or3A_57 = arith.constant 0.000000e+00 : f32
    %reduce_or3A_58 = arith.cmpf ogt, %reduce_or3A_56, %reduce_or3A_57 : f32
    %convert_element_type3A = arith.extui %reduce_or3A_58 : i1 to i32
    %cond3A = arith.constant 0 : i32
    %cond3A_59 = arith.cmpi ne, %convert_element_type3A, %cond3A : i32
    %cond3A_60 = scf.if %cond3A_59 -> (vector<1x32xf32>) {
      %broadcast_in_dim3A_155 = arith.constant 0.000000e+00 : f32
      %broadcast_in_dim3A_156 = vector.broadcast %broadcast_in_dim3A_155 : f32 to vector<1x32xf32>
      %scan3A = arith.constant 0 : i32
      %scan3A_157 = arith.constant 80 : i32
      %scan3A_158 = arith.addi %scan3A, %scan3A_157 : i32
      %scan3A_159 = arith.constant 1 : i32
      %scan3A_160 = scf.for %scan3A_165 = %scan3A to %scan3A_158 step %scan3A_159 iter_args(%scan3A_166 = %broadcast_in_dim3A_156) -> (vector<1x32xf32>)  : i32 {
        %get3A_167 = arith.index_cast %scan3A_165 : i32 to index
        %get3A_168 = arith.constant 0 : index
        %get3A_169 = arith.constant 0 : index
        %get3A_170 = vector.load %arg5[%get3A_167, %get3A_168, %get3A_169] : memref<80x128x32xf32, #tpu.memory_space<vmem>>, vector<1x128x32xf32>
        %get3A_171 = vector.shape_cast %get3A_170 : vector<1x128x32xf32> to vector<128x32xf32>
        %reduce_sum3A = arith.constant dense<0.000000e+00> : vector<32xf32>
        %reduce_sum3A_172 = vector.multi_reduction <add>, %get3A_171, %reduce_sum3A [0] : vector<128x32xf32> to vector<32xf32>
        %broadcast_in_dim3A_173 = vector.shape_cast %reduce_sum3A_172 : vector<32xf32> to vector<1x32xf32>
        %add3A_174 = arith.addf %scan3A_166, %broadcast_in_dim3A_173 : vector<1x32xf32>
        scf.yield %add3A_174 : vector<1x32xf32>
      }
      %scan3A_161 = arith.constant 80 : i32
      %mul3A_162 = arith.constant 9.99999974E-5 : f32
      %mul3A_163 = vector.broadcast %mul3A_162 : f32 to vector<1x32xf32>
      %mul3A_164 = arith.mulf %scan3A_160, %mul3A_163 : vector<1x32xf32>
      scf.yield %mul3A_164 : vector<1x32xf32>
    } else {
      %broadcast_in_dim3A_155 = arith.constant 0.000000e+00 : f32
      %broadcast_in_dim3A_156 = vector.broadcast %broadcast_in_dim3A_155 : f32 to vector<1x32xf32>
      scf.yield %broadcast_in_dim3A_156 : vector<1x32xf32>
    }
    %jit3A_61 = arith.constant 1.000000e+00 : f32
    %broadcast_in_dim3A_62 = vector.broadcast %jit3A_61 : f32 to vector<512x1xf32>
    %select_n3A_63 = arith.select %le3A_47, %broadcast_in_dim3A_62, %while3A_45#1 : vector<512x1xi1>, vector<512x1xf32>
    %div3A_64 = vector.broadcast %select_n3A_63 : vector<512x1xf32> to vector<512x32xf32>
    %div3A_65 = arith.divf %while3A_45#2, %div3A_64 : vector<512x32xf32>
    %broadcast_in_dim3A_66 = vector.shape_cast %le3A_47 : vector<512x1xi1> to vector<512x1xi1>
    %broadcast_in_dim3A_67 = vector.broadcast %broadcast_in_dim3A_66 : vector<512x1xi1> to vector<512x32xi1>
    %broadcast_in_dim3A_68 = vector.shape_cast %cond3A_60 : vector<1x32xf32> to vector<1x32xf32>
    %broadcast_in_dim3A_69 = vector.broadcast %broadcast_in_dim3A_68 : vector<1x32xf32> to vector<512x32xf32>
    %select_n3A_70 = arith.select %broadcast_in_dim3A_67, %broadcast_in_dim3A_69, %div3A_65 : vector<512x32xi1>, vector<512x32xf32>
    %slice3A = vector.extract_strided_slice %select_n3A_70 {offsets = [0, 0], sizes = [128, 32], strides = [1, 1]} : vector<512x32xf32> to vector<128x32xf32>
    %slice3A_71 = vector.extract_strided_slice %select_n3A_70 {offsets = [128, 0], sizes = [128, 32], strides = [1, 1]} : vector<512x32xf32> to vector<128x32xf32>
    %slice3A_72 = vector.extract_strided_slice %select_n3A_70 {offsets = [256, 0], sizes = [128, 32], strides = [1, 1]} : vector<512x32xf32> to vector<128x32xf32>
    %slice3A_73 = vector.extract_strided_slice %select_n3A_70 {offsets = [384, 0], sizes = [128, 32], strides = [1, 1]} : vector<512x32xf32> to vector<128x32xf32>
    %get3A_74 = arith.constant 0 : index
    %get3A_75 = arith.constant 0 : index
    %get3A_76 = vector.load %arg8[%get3A_74, %get3A_75] : memref<512x32xf32, #tpu.memory_space<vmem>>, vector<128x1xf32>
    %get3A_77 = arith.constant 0 : index
    %get3A_78 = arith.constant 0 : index
    %get3A_79 = vector.load %arg9[%get3A_77, %get3A_78] : memref<512x32xf32, #tpu.memory_space<vmem>>, vector<128x1xf32>
    %add3A_80 = arith.addf %get3A_76, %get3A_79 : vector<128x1xf32>
    %add3A_81 = arith.constant 1.000000e+00 : f32
    %add3A_82 = vector.broadcast %add3A_81 : f32 to vector<128x1xf32>
    %add3A_83 = arith.addf %add3A_80, %add3A_82 : vector<128x1xf32>
    %rsqrt3A = math.rsqrt %add3A_83 : vector<128x1xf32>
    %get3A_84 = arith.constant 0 : index
    %get3A_85 = arith.constant 0 : index
    %get3A_86 = vector.load %arg10[%get3A_84, %get3A_85] : memref<32x32xf32, #tpu.memory_space<vmem>>, vector<32x32xf32>
    %dot_general3A = arith.constant dense<0.000000e+00> : vector<128x32xf32>
    %dot_general3A_87 = tpu.matmul %slice3A, %get3A_86, %dot_general3A {dimension_numbers = #tpu.dot_dimension_numbers<[1], [0], [0], [1], [0, 0, 1, 1], [], []>, transpose_lhs_hint = false} : vector<128x32xf32>, vector<32x32xf32>, vector<128x32xf32> -> vector<128x32xf32>
    %mul3A_88 = vector.broadcast %rsqrt3A : vector<128x1xf32> to vector<128x32xf32>
    %mul3A_89 = arith.mulf %mul3A_88, %dot_general3A_87 : vector<128x32xf32>
    %swap3A = arith.constant 0 : index
    %swap3A_90 = arith.constant 0 : index
    %swap3A_91 = vector.load %arg11[%swap3A, %swap3A_90] : memref<512x32xf32, #tpu.memory_space<vmem>>, vector<128x32xf32>
    tpu.vector_store %arg11[%swap3A, %swap3A_90], %mul3A_89 {strides = array<i32>} : memref<512x32xf32, #tpu.memory_space<vmem>>, vector<128x32xf32>,
    %get3A_92 = arith.constant 128 : index
    %get3A_93 = arith.constant 0 : index
    %get3A_94 = vector.load %arg8[%get3A_92, %get3A_93] : memref<512x32xf32, #tpu.memory_space<vmem>>, vector<128x1xf32>
    %get3A_95 = arith.constant 128 : index
    %get3A_96 = arith.constant 0 : index
    %get3A_97 = vector.load %arg9[%get3A_95, %get3A_96] : memref<512x32xf32, #tpu.memory_space<vmem>>, vector<128x1xf32>
    %add3A_98 = arith.addf %get3A_94, %get3A_97 : vector<128x1xf32>
    %add3A_99 = arith.constant 1.000000e+00 : f32
    %add3A_100 = vector.broadcast %add3A_99 : f32 to vector<128x1xf32>
    %add3A_101 = arith.addf %add3A_98, %add3A_100 : vector<128x1xf32>
    %rsqrt3A_102 = math.rsqrt %add3A_101 : vector<128x1xf32>
    %get3A_103 = arith.constant 0 : index
    %get3A_104 = arith.constant 0 : index
    %get3A_105 = vector.load %arg10[%get3A_103, %get3A_104] : memref<32x32xf32, #tpu.memory_space<vmem>>, vector<32x32xf32>
    %dot_general3A_106 = arith.constant dense<0.000000e+00> : vector<128x32xf32>
    %dot_general3A_107 = tpu.matmul %slice3A_71, %get3A_105, %dot_general3A_106 {dimension_numbers = #tpu.dot_dimension_numbers<[1], [0], [0], [1], [0, 0, 1, 1], [], []>, transpose_lhs_hint = false} : vector<128x32xf32>, vector<32x32xf32>, vector<128x32xf32> -> vector<128x32xf32>
    %mul3A_108 = vector.broadcast %rsqrt3A_102 : vector<128x1xf32> to vector<128x32xf32>
    %mul3A_109 = arith.mulf %mul3A_108, %dot_general3A_107 : vector<128x32xf32>
    %swap3A_110 = arith.constant 128 : index
    %swap3A_111 = arith.constant 0 : index
    %swap3A_112 = vector.load %arg11[%swap3A_110, %swap3A_111] : memref<512x32xf32, #tpu.memory_space<vmem>>, vector<128x32xf32>
    tpu.vector_store %arg11[%swap3A_110, %swap3A_111], %mul3A_109 {strides = array<i32>} : memref<512x32xf32, #tpu.memory_space<vmem>>, vector<128x32xf32>,
    %get3A_113 = arith.constant 256 : index
    %get3A_114 = arith.constant 0 : index
    %get3A_115 = vector.load %arg8[%get3A_113, %get3A_114] : memref<512x32xf32, #tpu.memory_space<vmem>>, vector<128x1xf32>
    %get3A_116 = arith.constant 256 : index
    %get3A_117 = arith.constant 0 : index
    %get3A_118 = vector.load %arg9[%get3A_116, %get3A_117] : memref<512x32xf32, #tpu.memory_space<vmem>>, vector<128x1xf32>
    %add3A_119 = arith.addf %get3A_115, %get3A_118 : vector<128x1xf32>
    %add3A_120 = arith.constant 1.000000e+00 : f32
    %add3A_121 = vector.broadcast %add3A_120 : f32 to vector<128x1xf32>
    %add3A_122 = arith.addf %add3A_119, %add3A_121 : vector<128x1xf32>
    %rsqrt3A_123 = math.rsqrt %add3A_122 : vector<128x1xf32>
    %get3A_124 = arith.constant 0 : index
    %get3A_125 = arith.constant 0 : index
    %get3A_126 = vector.load %arg10[%get3A_124, %get3A_125] : memref<32x32xf32, #tpu.memory_space<vmem>>, vector<32x32xf32>
    %dot_general3A_127 = arith.constant dense<0.000000e+00> : vector<128x32xf32>
    %dot_general3A_128 = tpu.matmul %slice3A_72, %get3A_126, %dot_general3A_127 {dimension_numbers = #tpu.dot_dimension_numbers<[1], [0], [0], [1], [0, 0, 1, 1], [], []>, transpose_lhs_hint = false} : vector<128x32xf32>, vector<32x32xf32>, vector<128x32xf32> -> vector<128x32xf32>
    %mul3A_129 = vector.broadcast %rsqrt3A_123 : vector<128x1xf32> to vector<128x32xf32>
    %mul3A_130 = arith.mulf %mul3A_129, %dot_general3A_128 : vector<128x32xf32>
    %swap3A_131 = arith.constant 256 : index
    %swap3A_132 = arith.constant 0 : index
    %swap3A_133 = vector.load %arg11[%swap3A_131, %swap3A_132] : memref<512x32xf32, #tpu.memory_space<vmem>>, vector<128x32xf32>
    tpu.vector_store %arg11[%swap3A_131, %swap3A_132], %mul3A_130 {strides = array<i32>} : memref<512x32xf32, #tpu.memory_space<vmem>>, vector<128x32xf32>,
    %get3A_134 = arith.constant 384 : index
    %get3A_135 = arith.constant 0 : index
    %get3A_136 = vector.load %arg8[%get3A_134, %get3A_135] : memref<512x32xf32, #tpu.memory_space<vmem>>, vector<128x1xf32>
    %get3A_137 = arith.constant 384 : index
    %get3A_138 = arith.constant 0 : index
    %get3A_139 = vector.load %arg9[%get3A_137, %get3A_138] : memref<512x32xf32, #tpu.memory_space<vmem>>, vector<128x1xf32>
    %add3A_140 = arith.addf %get3A_136, %get3A_139 : vector<128x1xf32>
    %add3A_141 = arith.constant 1.000000e+00 : f32
    %add3A_142 = vector.broadcast %add3A_141 : f32 to vector<128x1xf32>
    %add3A_143 = arith.addf %add3A_140, %add3A_142 : vector<128x1xf32>
    %rsqrt3A_144 = math.rsqrt %add3A_143 : vector<128x1xf32>
    %get3A_145 = arith.constant 0 : index
    %get3A_146 = arith.constant 0 : index
    %get3A_147 = vector.load %arg10[%get3A_145, %get3A_146] : memref<32x32xf32, #tpu.memory_space<vmem>>, vector<32x32xf32>
    %dot_general3A_148 = arith.constant dense<0.000000e+00> : vector<128x32xf32>
    %dot_general3A_149 = tpu.matmul %slice3A_73, %get3A_147, %dot_general3A_148 {dimension_numbers = #tpu.dot_dimension_numbers<[1], [0], [0], [1], [0, 0, 1, 1], [], []>, transpose_lhs_hint = false} : vector<128x32xf32>, vector<32x32xf32>, vector<128x32xf32> -> vector<128x32xf32>
    %mul3A_150 = vector.broadcast %rsqrt3A_144 : vector<128x1xf32> to vector<128x32xf32>
    %mul3A_151 = arith.mulf %mul3A_150, %dot_general3A_149 : vector<128x32xf32>
    %swap3A_152 = arith.constant 384 : index
    %swap3A_153 = arith.constant 0 : index
    %swap3A_154 = vector.load %arg11[%swap3A_152, %swap3A_153] : memref<512x32xf32, #tpu.memory_space<vmem>>, vector<128x32xf32>
    tpu.vector_store %arg11[%swap3A_152, %swap3A_153], %mul3A_151 {strides = array<i32>} : memref<512x32xf32, #tpu.memory_space<vmem>>, vector<128x32xf32>,
    return
  }
  func.func @transform_0(%arg0: i32) -> i32 {
    %c0_i32 = arith.constant 0 : i32
    %c0_i32_0 = arith.constant 0 : i32
    return %c0_i32 : i32
  }
  func.func @transform_1(%arg0: i32) -> i32 {
    %c0_i32 = arith.constant 0 : i32
    %c0_i32_0 = arith.constant 0 : i32
    return %c0_i32 : i32
  }
  func.func @transform_2(%arg0: i32) -> (i32, i32) {
    %c0_i32 = arith.constant 0 : i32
    %c0_i32_0 = arith.constant 0 : i32
    return %arg0, %c0_i32 : i32, i32
  }
  func.func @transform_3(%arg0: i32) -> (i32, i32, i32) {
    %c0_i32 = arith.constant 0 : i32
    %c0_i32_0 = arith.constant 0 : i32
    %c0_i32_1 = arith.constant 0 : i32
    %c0_i32_2 = arith.constant 0 : i32
    return %c0_i32, %c0_i32_0, %c0_i32_1 : i32, i32, i32
  }
  func.func @transform_4(%arg0: i32) -> (i32, i32, i32) {
    %c0_i32 = arith.constant 0 : i32
    %c0_i32_0 = arith.constant 0 : i32
    %c0_i32_1 = arith.constant 0 : i32
    %c0_i32_2 = arith.constant 0 : i32
    return %c0_i32, %c0_i32_0, %c0_i32_1 : i32, i32, i32
  }
  func.func @transform_5(%arg0: i32) -> (i32, i32) {
    %c0_i32 = arith.constant 0 : i32
    %c0_i32_0 = arith.constant 0 : i32
    return %arg0, %c0_i32 : i32, i32
  }
  func.func @transform_6(%arg0: i32) -> (i32, i32, i32) {
    %c0_i32 = arith.constant 0 : i32
    %c0_i32_0 = arith.constant 0 : i32
    %c0_i32_1 = arith.constant 0 : i32
    %c0_i32_2 = arith.constant 0 : i32
    return %c0_i32, %c0_i32_0, %c0_i32_1 : i32, i32, i32
  }
  func.func @transform_7(%arg0: i32) -> (i32, i32) {
    %c0_i32 = arith.constant 0 : i32
    %c0_i32_0 = arith.constant 0 : i32
    return %arg0, %c0_i32 : i32, i32
  }
  func.func @transform_8(%arg0: i32) -> (i32, i32) {
    %c0_i32 = arith.constant 0 : i32
    %c0_i32_0 = arith.constant 0 : i32
    return %arg0, %c0_i32 : i32, i32
  }
  func.func @transform_9(%arg0: i32) -> (i32, i32) {
    %c0_i32 = arith.constant 0 : i32
    %c0_i32_0 = arith.constant 0 : i32
    %c0_i32_1 = arith.constant 0 : i32
    return %c0_i32, %c0_i32_0 : i32, i32
  }
  func.func @transform_10(%arg0: i32) -> (i32, i32) {
    %c0_i32 = arith.constant 0 : i32
    %c0_i32_0 = arith.constant 0 : i32
    return %arg0, %c0_i32 : i32, i32
  }
}

module attributes {stable_mosaic.version = 14 : i64} {
  func.func @_kb_fin_body(%arg0: i32, %arg1: memref<20xi32, #tpu.memory_space<smem>>, %arg2: memref<20xi32, #tpu.memory_space<smem>>, %arg3: memref<512x32xf32, #tpu.memory_space<vmem>>, %arg4: memref<80x128x32xf32, #tpu.memory_space<vmem>>, %arg5: memref<80x128x32xf32, #tpu.memory_space<vmem>>, %arg6: memref<512x128xf32, #tpu.memory_space<vmem>>, %arg7: memref<80x1x128xf32, #tpu.memory_space<vmem>>, %arg8: memref<512x128xf32, #tpu.memory_space<vmem>>, %arg9: memref<32x32xf32, #tpu.memory_space<vmem>>, %arg10: memref<1x32xf32, #tpu.memory_space<vmem>>, %arg11: memref<32x32xf32, #tpu.memory_space<vmem>>, %arg12: memref<1x32xf32, #tpu.memory_space<vmem>>, %arg13: memref<32x1xf32, #tpu.memory_space<vmem>>, %arg14: memref<1x1xf32, #tpu.memory_space<vmem>>, %arg15: memref<1x128xf32, #tpu.memory_space<vmem>>, %arg16: memref<2x128xf32, #tpu.memory_space<vmem>>) attributes {dimension_semantics = [#tpu.dimension_semantics<arbitrary>], iteration_bounds = array<i64: 20>, scalar_prefetch = 0 : i64, scratch_operands = 1 : i64, tpu.core_type = #tpu.core_type<tc>, window_params = [{transform_indices = @transform_0, window_bounds = array<i64: 20>}, {transform_indices = @transform_1, window_bounds = array<i64: 20>}, {transform_indices = @transform_2, window_bounds = array<i64: 512, 32>}, {pipeline_mode = #tpu.pipeline_mode<synchronous>, transform_indices = @transform_3, window_bounds = array<i64: 80, 128, 32>}, {pipeline_mode = #tpu.pipeline_mode<synchronous>, transform_indices = @transform_4, window_bounds = array<i64: 80, 128, 32>}, {transform_indices = @transform_5, window_bounds = array<i64: 512, 128>}, {pipeline_mode = #tpu.pipeline_mode<synchronous>, transform_indices = @transform_6, window_bounds = array<i64: 80, 1, 128>}, {transform_indices = @transform_7, window_bounds = array<i64: 512, 128>}, {pipeline_mode = #tpu.pipeline_mode<synchronous>, transform_indices = @transform_8, window_bounds = array<i64: 32, 32>}, {pipeline_mode = #tpu.pipeline_mode<synchronous>, transform_indices = @transform_9, window_bounds = array<i64: 1, 32>}, {pipeline_mode = #tpu.pipeline_mode<synchronous>, transform_indices = @transform_10, window_bounds = array<i64: 32, 32>}, {pipeline_mode = #tpu.pipeline_mode<synchronous>, transform_indices = @transform_11, window_bounds = array<i64: 1, 32>}, {pipeline_mode = #tpu.pipeline_mode<synchronous>, transform_indices = @transform_12, window_bounds = array<i64: 32, 1>}, {pipeline_mode = #tpu.pipeline_mode<synchronous>, transform_indices = @transform_13, window_bounds = array<i64: 1, 1>}, {pipeline_mode = #tpu.pipeline_mode<synchronous>, transform_indices = @transform_14, window_bounds = array<i64: 1, 128>}]} {
    %get3A = arith.constant 0 : index
    %get3A_0 = arith.constant 0 : index
    %get3A_1 = vector.load %arg3[%get3A, %get3A_0] : memref<512x32xf32, #tpu.memory_space<vmem>>, vector<512x32xf32>
    %mul3A = arith.constant 0.176776692 : f32
    %mul3A_2 = vector.broadcast %mul3A : f32 to vector<512x32xf32>
    %mul3A_3 = arith.mulf %get3A_1, %mul3A_2 : vector<512x32xf32>
    %get3A_4 = arith.constant 0 : index
    %get3A_5 = arith.constant 0 : index
    %get3A_6 = vector.load %arg6[%get3A_4, %get3A_5] : memref<512x128xf32, #tpu.memory_space<vmem>>, vector<512x128xf32>
    %get3A_7 = arith.index_cast %arg0 : i32 to index
    %get3A_8 = memref.load %arg1[%get3A_7] : memref<20xi32, #tpu.memory_space<smem>>
    %get3A_9 = arith.index_cast %arg0 : i32 to index
    %get3A_10 = memref.load %arg2[%get3A_9] : memref<20xi32, #tpu.memory_space<smem>>
    %broadcast_in_dim3A = arith.constant -1.000000e+30 : f32
    %broadcast_in_dim3A_11 = vector.broadcast %broadcast_in_dim3A : f32 to vector<512x1xf32>
    %broadcast_in_dim3A_12 = arith.constant 0.000000e+00 : f32
    %broadcast_in_dim3A_13 = vector.broadcast %broadcast_in_dim3A_12 : f32 to vector<512x1xf32>
    %broadcast_in_dim3A_14 = arith.constant 0.000000e+00 : f32
    %broadcast_in_dim3A_15 = vector.broadcast %broadcast_in_dim3A_14 : f32 to vector<512x32xf32>
    %sub3A = arith.subi %get3A_10, %get3A_8 : i32
    %add3A = arith.constant 4 : i32
    %add3A_16 = arith.addi %sub3A, %add3A : i32
    %sub3A_17 = arith.constant 1 : i32
    %sub3A_18 = arith.subi %add3A_16, %sub3A_17 : i32
    %jit3A = arith.constant 4 : i32
    %div3A = arith.divsi %sub3A_18, %jit3A : i32
    %sign3A = arith.constant 0 : i32
    %sign3A_19 = arith.cmpi sgt, %sub3A_18, %sign3A : i32
    %sign3A_20 = arith.extui %sign3A_19 : i1 to i32
    %sign3A_21 = arith.constant 0 : i32
    %sign3A_22 = arith.cmpi slt, %sub3A_18, %sign3A_21 : i32
    %sign3A_23 = arith.extui %sign3A_22 : i1 to i32
    %sign3A_24 = arith.subi %sign3A_20, %sign3A_23 : i32
    %sign3A_25 = arith.constant 0 : i32
    %sign3A_26 = arith.cmpi sgt, %jit3A, %sign3A_25 : i32
    %sign3A_27 = arith.extui %sign3A_26 : i1 to i32
    %sign3A_28 = arith.constant 0 : i32
    %sign3A_29 = arith.cmpi slt, %jit3A, %sign3A_28 : i32
    %sign3A_30 = arith.extui %sign3A_29 : i1 to i32
    %sign3A_31 = arith.subi %sign3A_27, %sign3A_30 : i32
    %ne3A = arith.cmpi ne, %sign3A_24, %sign3A_31 : i32
    %rem3A = arith.remsi %sub3A_18, %jit3A : i32
    %ne3A_32 = arith.constant 0 : i32
    %ne3A_33 = arith.cmpi ne, %rem3A, %ne3A_32 : i32
    %and3A = arith.andi %ne3A, %ne3A_33 : i1
    %sub3A_34 = arith.constant 1 : i32
    %sub3A_35 = arith.subi %div3A, %sub3A_34 : i32
    %select_n3A = arith.select %and3A, %sub3A_35, %div3A : i32
    %while3A = arith.constant 0 : i32
    %while3A_36 = arith.subi %select_n3A, %while3A : i32
    %while3A_37 = arith.addi %while3A, %while3A_36 : i32
    %while3A_38 = arith.constant 1 : i32
    %while3A_39 = arith.divsi %while3A_36, %while3A_38 : i32
    %while3A_40 = arith.muli %while3A_39, %while3A_38 : i32
    %while3A_41 = arith.addi %while3A, %while3A_40 : i32
    %while3A_42 = arith.constant 1 : i32
    %while3A_43:3 = scf.for %while3A_269 = %while3A to %while3A_41 step %while3A_42 iter_args(%while3A_270 = %broadcast_in_dim3A_11, %while3A_271 = %broadcast_in_dim3A_13, %while3A_272 = %broadcast_in_dim3A_15) -> (vector<512x1xf32>, vector<512x1xf32>, vector<512x32xf32>)  : i32 {
      %mul3A_273 = arith.constant 4 : i32
      %mul3A_274 = arith.muli %mul3A_273, %while3A_269 : i32
      %add3A_275 = arith.addi %get3A_8, %mul3A_274 : i32
      %add3A_276 = arith.constant 0 : i32
      %add3A_277 = arith.addi %add3A_275, %add3A_276 : i32
      %min3A = arith.constant 79 : i32
      %min3A_278 = arith.minsi %add3A_277, %min3A : i32
      %mul3A_279 = arith.constant 4 : i32
      %mul3A_280 = arith.muli %mul3A_279, %while3A_269 : i32
      %add3A_281 = arith.addi %get3A_8, %mul3A_280 : i32
      %add3A_282 = arith.constant 1 : i32
      %add3A_283 = arith.addi %add3A_281, %add3A_282 : i32
      %min3A_284 = arith.constant 79 : i32
      %min3A_285 = arith.minsi %add3A_283, %min3A_284 : i32
      %mul3A_286 = arith.constant 4 : i32
      %mul3A_287 = arith.muli %mul3A_286, %while3A_269 : i32
      %add3A_288 = arith.addi %get3A_8, %mul3A_287 : i32
      %add3A_289 = arith.constant 2 : i32
      %add3A_290 = arith.addi %add3A_288, %add3A_289 : i32
      %min3A_291 = arith.constant 79 : i32
      %min3A_292 = arith.minsi %add3A_290, %min3A_291 : i32
      %mul3A_293 = arith.constant 4 : i32
      %mul3A_294 = arith.muli %mul3A_293, %while3A_269 : i32
      %add3A_295 = arith.addi %get3A_8, %mul3A_294 : i32
      %add3A_296 = arith.constant 3 : i32
      %add3A_297 = arith.addi %add3A_295, %add3A_296 : i32
      %min3A_298 = arith.constant 79 : i32
      %min3A_299 = arith.minsi %add3A_297, %min3A_298 : i32
      %get3A_300 = arith.index_cast %min3A_278 : i32 to index
      %get3A_301 = arith.constant 0 : index
      %get3A_302 = arith.constant 0 : index
      %get3A_303 = vector.load %arg4[%get3A_300, %get3A_301, %get3A_302] : memref<80x128x32xf32, #tpu.memory_space<vmem>>, vector<1x128x32xf32>
      %get3A_304 = vector.shape_cast %get3A_303 : vector<1x128x32xf32> to vector<128x32xf32>
      %dot_general3A_305 = arith.constant dense<0.000000e+00> : vector<512x128xf32>
      %dot_general3A_306 = tpu.matmul %mul3A_3, %get3A_304, %dot_general3A_305 {dimension_numbers = #tpu.dot_dimension_numbers<[1], [1], [0], [0], [0, 0, 1, 0], [], []>, transpose_lhs_hint = false} : vector<512x32xf32>, vector<128x32xf32>, vector<512x128xf32> -> vector<512x128xf32>
      %get3A_307 = arith.index_cast %min3A_278 : i32 to index
      %get3A_308 = arith.constant 0 : index
      %get3A_309 = arith.constant 0 : index
      %get3A_310 = vector.load %arg7[%get3A_307, %get3A_308, %get3A_309] : memref<80x1x128xf32, #tpu.memory_space<vmem>>, vector<1x1x128xf32>
      %get3A_311 = vector.shape_cast %get3A_310 : vector<1x1x128xf32> to vector<1x128xf32>
      %eq3A_312 = vector.broadcast %get3A_311 : vector<1x128xf32> to vector<512x128xf32>
      %eq3A_313 = arith.cmpf oeq, %get3A_6, %eq3A_312 : vector<512x128xf32>
      %jit3A_314 = arith.constant -1.000000e+30 : f32
      %broadcast_in_dim3A_315 = vector.broadcast %jit3A_314 : f32 to vector<512x128xf32>
      %select_n3A_316 = arith.select %eq3A_313, %dot_general3A_306, %broadcast_in_dim3A_315 : vector<512x128xi1>, vector<512x128xf32>
      %get3A_317 = arith.index_cast %min3A_285 : i32 to index
      %get3A_318 = arith.constant 0 : index
      %get3A_319 = arith.constant 0 : index
      %get3A_320 = vector.load %arg4[%get3A_317, %get3A_318, %get3A_319] : memref<80x128x32xf32, #tpu.memory_space<vmem>>, vector<1x128x32xf32>
      %get3A_321 = vector.shape_cast %get3A_320 : vector<1x128x32xf32> to vector<128x32xf32>
      %dot_general3A_322 = arith.constant dense<0.000000e+00> : vector<512x128xf32>
      %dot_general3A_323 = tpu.matmul %mul3A_3, %get3A_321, %dot_general3A_322 {dimension_numbers = #tpu.dot_dimension_numbers<[1], [1], [0], [0], [0, 0, 1, 0], [], []>, transpose_lhs_hint = false} : vector<512x32xf32>, vector<128x32xf32>, vector<512x128xf32> -> vector<512x128xf32>
      %get3A_324 = arith.index_cast %min3A_285 : i32 to index
      %get3A_325 = arith.constant 0 : index
      %get3A_326 = arith.constant 0 : index
      %get3A_327 = vector.load %arg7[%get3A_324, %get3A_325, %get3A_326] : memref<80x1x128xf32, #tpu.memory_space<vmem>>, vector<1x1x128xf32>
      %get3A_328 = vector.shape_cast %get3A_327 : vector<1x1x128xf32> to vector<1x128xf32>
      %eq3A_329 = vector.broadcast %get3A_328 : vector<1x128xf32> to vector<512x128xf32>
      %eq3A_330 = arith.cmpf oeq, %get3A_6, %eq3A_329 : vector<512x128xf32>
      %jit3A_331 = arith.constant -1.000000e+30 : f32
      %broadcast_in_dim3A_332 = vector.broadcast %jit3A_331 : f32 to vector<512x128xf32>
      %select_n3A_333 = arith.select %eq3A_330, %dot_general3A_323, %broadcast_in_dim3A_332 : vector<512x128xi1>, vector<512x128xf32>
      %get3A_334 = arith.index_cast %min3A_292 : i32 to index
      %get3A_335 = arith.constant 0 : index
      %get3A_336 = arith.constant 0 : index
      %get3A_337 = vector.load %arg4[%get3A_334, %get3A_335, %get3A_336] : memref<80x128x32xf32, #tpu.memory_space<vmem>>, vector<1x128x32xf32>
      %get3A_338 = vector.shape_cast %get3A_337 : vector<1x128x32xf32> to vector<128x32xf32>
      %dot_general3A_339 = arith.constant dense<0.000000e+00> : vector<512x128xf32>
      %dot_general3A_340 = tpu.matmul %mul3A_3, %get3A_338, %dot_general3A_339 {dimension_numbers = #tpu.dot_dimension_numbers<[1], [1], [0], [0], [0, 0, 1, 0], [], []>, transpose_lhs_hint = false} : vector<512x32xf32>, vector<128x32xf32>, vector<512x128xf32> -> vector<512x128xf32>
      %get3A_341 = arith.index_cast %min3A_292 : i32 to index
      %get3A_342 = arith.constant 0 : index
      %get3A_343 = arith.constant 0 : index
      %get3A_344 = vector.load %arg7[%get3A_341, %get3A_342, %get3A_343] : memref<80x1x128xf32, #tpu.memory_space<vmem>>, vector<1x1x128xf32>
      %get3A_345 = vector.shape_cast %get3A_344 : vector<1x1x128xf32> to vector<1x128xf32>
      %eq3A_346 = vector.broadcast %get3A_345 : vector<1x128xf32> to vector<512x128xf32>
      %eq3A_347 = arith.cmpf oeq, %get3A_6, %eq3A_346 : vector<512x128xf32>
      %jit3A_348 = arith.constant -1.000000e+30 : f32
      %broadcast_in_dim3A_349 = vector.broadcast %jit3A_348 : f32 to vector<512x128xf32>
      %select_n3A_350 = arith.select %eq3A_347, %dot_general3A_340, %broadcast_in_dim3A_349 : vector<512x128xi1>, vector<512x128xf32>
      %get3A_351 = arith.index_cast %min3A_299 : i32 to index
      %get3A_352 = arith.constant 0 : index
      %get3A_353 = arith.constant 0 : index
      %get3A_354 = vector.load %arg4[%get3A_351, %get3A_352, %get3A_353] : memref<80x128x32xf32, #tpu.memory_space<vmem>>, vector<1x128x32xf32>
      %get3A_355 = vector.shape_cast %get3A_354 : vector<1x128x32xf32> to vector<128x32xf32>
      %dot_general3A_356 = arith.constant dense<0.000000e+00> : vector<512x128xf32>
      %dot_general3A_357 = tpu.matmul %mul3A_3, %get3A_355, %dot_general3A_356 {dimension_numbers = #tpu.dot_dimension_numbers<[1], [1], [0], [0], [0, 0, 1, 0], [], []>, transpose_lhs_hint = false} : vector<512x32xf32>, vector<128x32xf32>, vector<512x128xf32> -> vector<512x128xf32>
      %get3A_358 = arith.index_cast %min3A_299 : i32 to index
      %get3A_359 = arith.constant 0 : index
      %get3A_360 = arith.constant 0 : index
      %get3A_361 = vector.load %arg7[%get3A_358, %get3A_359, %get3A_360] : memref<80x1x128xf32, #tpu.memory_space<vmem>>, vector<1x1x128xf32>
      %get3A_362 = vector.shape_cast %get3A_361 : vector<1x1x128xf32> to vector<1x128xf32>
      %eq3A_363 = vector.broadcast %get3A_362 : vector<1x128xf32> to vector<512x128xf32>
      %eq3A_364 = arith.cmpf oeq, %get3A_6, %eq3A_363 : vector<512x128xf32>
      %jit3A_365 = arith.constant -1.000000e+30 : f32
      %broadcast_in_dim3A_366 = vector.broadcast %jit3A_365 : f32 to vector<512x128xf32>
      %select_n3A_367 = arith.select %eq3A_364, %dot_general3A_357, %broadcast_in_dim3A_366 : vector<512x128xi1>, vector<512x128xf32>
      %reduce_max3A = arith.constant dense<0xFF800000> : vector<512xf32>
      %reduce_max3A_368 = vector.multi_reduction <maximumf>, %select_n3A_316, %reduce_max3A [1] : vector<512x128xf32> to vector<512xf32>
      %broadcast_in_dim3A_369 = vector.shape_cast %reduce_max3A_368 : vector<512xf32> to vector<512x1xf32>
      %max3A = arith.maximumf %while3A_270, %broadcast_in_dim3A_369 : vector<512x1xf32>
      %reduce_max3A_370 = arith.constant dense<0xFF800000> : vector<512xf32>
      %reduce_max3A_371 = vector.multi_reduction <maximumf>, %select_n3A_333, %reduce_max3A_370 [1] : vector<512x128xf32> to vector<512xf32>
      %broadcast_in_dim3A_372 = vector.shape_cast %reduce_max3A_371 : vector<512xf32> to vector<512x1xf32>
      %max3A_373 = arith.maximumf %max3A, %broadcast_in_dim3A_372 : vector<512x1xf32>
      %reduce_max3A_374 = arith.constant dense<0xFF800000> : vector<512xf32>
      %reduce_max3A_375 = vector.multi_reduction <maximumf>, %select_n3A_350, %reduce_max3A_374 [1] : vector<512x128xf32> to vector<512xf32>
      %broadcast_in_dim3A_376 = vector.shape_cast %reduce_max3A_375 : vector<512xf32> to vector<512x1xf32>
      %max3A_377 = arith.maximumf %max3A_373, %broadcast_in_dim3A_376 : vector<512x1xf32>
      %reduce_max3A_378 = arith.constant dense<0xFF800000> : vector<512xf32>
      %reduce_max3A_379 = vector.multi_reduction <maximumf>, %select_n3A_367, %reduce_max3A_378 [1] : vector<512x128xf32> to vector<512xf32>
      %broadcast_in_dim3A_380 = vector.shape_cast %reduce_max3A_379 : vector<512xf32> to vector<512x1xf32>
      %max3A_381 = arith.maximumf %max3A_377, %broadcast_in_dim3A_380 : vector<512x1xf32>
      %sub3A_382 = vector.broadcast %max3A_381 : vector<512x1xf32> to vector<512x128xf32>
      %sub3A_383 = arith.subf %select_n3A_316, %sub3A_382 : vector<512x128xf32>
      %exp3A = math.exp %sub3A_383 : vector<512x128xf32>
      %sub3A_384 = vector.broadcast %max3A_381 : vector<512x1xf32> to vector<512x128xf32>
      %sub3A_385 = arith.subf %select_n3A_333, %sub3A_384 : vector<512x128xf32>
      %exp3A_386 = math.exp %sub3A_385 : vector<512x128xf32>
      %sub3A_387 = vector.broadcast %max3A_381 : vector<512x1xf32> to vector<512x128xf32>
      %sub3A_388 = arith.subf %select_n3A_350, %sub3A_387 : vector<512x128xf32>
      %exp3A_389 = math.exp %sub3A_388 : vector<512x128xf32>
      %sub3A_390 = vector.broadcast %max3A_381 : vector<512x1xf32> to vector<512x128xf32>
      %sub3A_391 = arith.subf %select_n3A_367, %sub3A_390 : vector<512x128xf32>
      %exp3A_392 = math.exp %sub3A_391 : vector<512x128xf32>
      %sub3A_393 = arith.subf %while3A_270, %max3A_381 : vector<512x1xf32>
      %exp3A_394 = math.exp %sub3A_393 : vector<512x1xf32>
      %get3A_395 = arith.index_cast %min3A_278 : i32 to index
      %get3A_396 = arith.constant 0 : index
      %get3A_397 = arith.constant 0 : index
      %get3A_398 = vector.load %arg5[%get3A_395, %get3A_396, %get3A_397] : memref<80x128x32xf32, #tpu.memory_space<vmem>>, vector<1x128x32xf32>
      %get3A_399 = vector.shape_cast %get3A_398 : vector<1x128x32xf32> to vector<128x32xf32>
      %dot_general3A_400 = arith.constant dense<0.000000e+00> : vector<512x32xf32>
      %dot_general3A_401 = tpu.matmul %exp3A, %get3A_399, %dot_general3A_400 {dimension_numbers = #tpu.dot_dimension_numbers<[1], [0], [0], [1], [0, 0, 1, 1], [], []>, transpose_lhs_hint = false} : vector<512x128xf32>, vector<128x32xf32>, vector<512x32xf32> -> vector<512x32xf32>
      %reduce_sum3A_402 = arith.constant dense<0.000000e+00> : vector<512xf32>
      %reduce_sum3A_403 = vector.multi_reduction <add>, %exp3A, %reduce_sum3A_402 [1] : vector<512x128xf32> to vector<512xf32>
      %broadcast_in_dim3A_404 = vector.shape_cast %reduce_sum3A_403 : vector<512xf32> to vector<512x1xf32>
      %get3A_405 = arith.index_cast %min3A_285 : i32 to index
      %get3A_406 = arith.constant 0 : index
      %get3A_407 = arith.constant 0 : index
      %get3A_408 = vector.load %arg5[%get3A_405, %get3A_406, %get3A_407] : memref<80x128x32xf32, #tpu.memory_space<vmem>>, vector<1x128x32xf32>
      %get3A_409 = vector.shape_cast %get3A_408 : vector<1x128x32xf32> to vector<128x32xf32>
      %dot_general3A_410 = arith.constant dense<0.000000e+00> : vector<512x32xf32>
      %dot_general3A_411 = tpu.matmul %exp3A_386, %get3A_409, %dot_general3A_410 {dimension_numbers = #tpu.dot_dimension_numbers<[1], [0], [0], [1], [0, 0, 1, 1], [], []>, transpose_lhs_hint = false} : vector<512x128xf32>, vector<128x32xf32>, vector<512x32xf32> -> vector<512x32xf32>
      %add3A_412 = arith.addf %dot_general3A_401, %dot_general3A_411 : vector<512x32xf32>
      %reduce_sum3A_413 = arith.constant dense<0.000000e+00> : vector<512xf32>
      %reduce_sum3A_414 = vector.multi_reduction <add>, %exp3A_386, %reduce_sum3A_413 [1] : vector<512x128xf32> to vector<512xf32>
      %broadcast_in_dim3A_415 = vector.shape_cast %reduce_sum3A_414 : vector<512xf32> to vector<512x1xf32>
      %add3A_416 = arith.addf %broadcast_in_dim3A_404, %broadcast_in_dim3A_415 : vector<512x1xf32>
      %get3A_417 = arith.index_cast %min3A_292 : i32 to index
      %get3A_418 = arith.constant 0 : index
      %get3A_419 = arith.constant 0 : index
      %get3A_420 = vector.load %arg5[%get3A_417, %get3A_418, %get3A_419] : memref<80x128x32xf32, #tpu.memory_space<vmem>>, vector<1x128x32xf32>
      %get3A_421 = vector.shape_cast %get3A_420 : vector<1x128x32xf32> to vector<128x32xf32>
      %dot_general3A_422 = arith.constant dense<0.000000e+00> : vector<512x32xf32>
      %dot_general3A_423 = tpu.matmul %exp3A_389, %get3A_421, %dot_general3A_422 {dimension_numbers = #tpu.dot_dimension_numbers<[1], [0], [0], [1], [0, 0, 1, 1], [], []>, transpose_lhs_hint = false} : vector<512x128xf32>, vector<128x32xf32>, vector<512x32xf32> -> vector<512x32xf32>
      %add3A_424 = arith.addf %add3A_412, %dot_general3A_423 : vector<512x32xf32>
      %reduce_sum3A_425 = arith.constant dense<0.000000e+00> : vector<512xf32>
      %reduce_sum3A_426 = vector.multi_reduction <add>, %exp3A_389, %reduce_sum3A_425 [1] : vector<512x128xf32> to vector<512xf32>
      %broadcast_in_dim3A_427 = vector.shape_cast %reduce_sum3A_426 : vector<512xf32> to vector<512x1xf32>
      %add3A_428 = arith.addf %add3A_416, %broadcast_in_dim3A_427 : vector<512x1xf32>
      %get3A_429 = arith.index_cast %min3A_299 : i32 to index
      %get3A_430 = arith.constant 0 : index
      %get3A_431 = arith.constant 0 : index
      %get3A_432 = vector.load %arg5[%get3A_429, %get3A_430, %get3A_431] : memref<80x128x32xf32, #tpu.memory_space<vmem>>, vector<1x128x32xf32>
      %get3A_433 = vector.shape_cast %get3A_432 : vector<1x128x32xf32> to vector<128x32xf32>
      %dot_general3A_434 = arith.constant dense<0.000000e+00> : vector<512x32xf32>
      %dot_general3A_435 = tpu.matmul %exp3A_392, %get3A_433, %dot_general3A_434 {dimension_numbers = #tpu.dot_dimension_numbers<[1], [0], [0], [1], [0, 0, 1, 1], [], []>, transpose_lhs_hint = false} : vector<512x128xf32>, vector<128x32xf32>, vector<512x32xf32> -> vector<512x32xf32>
      %add3A_436 = arith.addf %add3A_424, %dot_general3A_435 : vector<512x32xf32>
      %reduce_sum3A_437 = arith.constant dense<0.000000e+00> : vector<512xf32>
      %reduce_sum3A_438 = vector.multi_reduction <add>, %exp3A_392, %reduce_sum3A_437 [1] : vector<512x128xf32> to vector<512xf32>
      %broadcast_in_dim3A_439 = vector.shape_cast %reduce_sum3A_438 : vector<512xf32> to vector<512x1xf32>
      %add3A_440 = arith.addf %add3A_428, %broadcast_in_dim3A_439 : vector<512x1xf32>
      %mul3A_441 = arith.mulf %while3A_271, %exp3A_394 : vector<512x1xf32>
      %add3A_442 = arith.addf %mul3A_441, %add3A_440 : vector<512x1xf32>
      %mul3A_443 = vector.broadcast %exp3A_394 : vector<512x1xf32> to vector<512x32xf32>
      %mul3A_444 = arith.mulf %while3A_272, %mul3A_443 : vector<512x32xf32>
      %add3A_445 = arith.addf %mul3A_444, %add3A_436 : vector<512x32xf32>
      scf.yield %max3A_381, %add3A_442, %add3A_445 : vector<512x1xf32>, vector<512x1xf32>, vector<512x32xf32>
    }
    %while3A_44 = arith.constant 1 : i32
    %while3A_45:3 = scf.for %while3A_269 = %while3A_41 to %while3A_37 step %while3A_44 iter_args(%while3A_270 = %while3A_43#0, %while3A_271 = %while3A_43#1, %while3A_272 = %while3A_43#2) -> (vector<512x1xf32>, vector<512x1xf32>, vector<512x32xf32>)  : i32 {
      %mul3A_273 = arith.constant 4 : i32
      %mul3A_274 = arith.muli %mul3A_273, %while3A_269 : i32
      %add3A_275 = arith.addi %get3A_8, %mul3A_274 : i32
      %add3A_276 = arith.constant 0 : i32
      %add3A_277 = arith.addi %add3A_275, %add3A_276 : i32
      %min3A = arith.constant 79 : i32
      %min3A_278 = arith.minsi %add3A_277, %min3A : i32
      %mul3A_279 = arith.constant 4 : i32
      %mul3A_280 = arith.muli %mul3A_279, %while3A_269 : i32
      %add3A_281 = arith.addi %get3A_8, %mul3A_280 : i32
      %add3A_282 = arith.constant 1 : i32
      %add3A_283 = arith.addi %add3A_281, %add3A_282 : i32
      %min3A_284 = arith.constant 79 : i32
      %min3A_285 = arith.minsi %add3A_283, %min3A_284 : i32
      %mul3A_286 = arith.constant 4 : i32
      %mul3A_287 = arith.muli %mul3A_286, %while3A_269 : i32
      %add3A_288 = arith.addi %get3A_8, %mul3A_287 : i32
      %add3A_289 = arith.constant 2 : i32
      %add3A_290 = arith.addi %add3A_288, %add3A_289 : i32
      %min3A_291 = arith.constant 79 : i32
      %min3A_292 = arith.minsi %add3A_290, %min3A_291 : i32
      %mul3A_293 = arith.constant 4 : i32
      %mul3A_294 = arith.muli %mul3A_293, %while3A_269 : i32
      %add3A_295 = arith.addi %get3A_8, %mul3A_294 : i32
      %add3A_296 = arith.constant 3 : i32
      %add3A_297 = arith.addi %add3A_295, %add3A_296 : i32
      %min3A_298 = arith.constant 79 : i32
      %min3A_299 = arith.minsi %add3A_297, %min3A_298 : i32
      %get3A_300 = arith.index_cast %min3A_278 : i32 to index
      %get3A_301 = arith.constant 0 : index
      %get3A_302 = arith.constant 0 : index
      %get3A_303 = vector.load %arg4[%get3A_300, %get3A_301, %get3A_302] : memref<80x128x32xf32, #tpu.memory_space<vmem>>, vector<1x128x32xf32>
      %get3A_304 = vector.shape_cast %get3A_303 : vector<1x128x32xf32> to vector<128x32xf32>
      %dot_general3A_305 = arith.constant dense<0.000000e+00> : vector<512x128xf32>
      %dot_general3A_306 = tpu.matmul %mul3A_3, %get3A_304, %dot_general3A_305 {dimension_numbers = #tpu.dot_dimension_numbers<[1], [1], [0], [0], [0, 0, 1, 0], [], []>, transpose_lhs_hint = false} : vector<512x32xf32>, vector<128x32xf32>, vector<512x128xf32> -> vector<512x128xf32>
      %get3A_307 = arith.index_cast %min3A_278 : i32 to index
      %get3A_308 = arith.constant 0 : index
      %get3A_309 = arith.constant 0 : index
      %get3A_310 = vector.load %arg7[%get3A_307, %get3A_308, %get3A_309] : memref<80x1x128xf32, #tpu.memory_space<vmem>>, vector<1x1x128xf32>
      %get3A_311 = vector.shape_cast %get3A_310 : vector<1x1x128xf32> to vector<1x128xf32>
      %eq3A_312 = vector.broadcast %get3A_311 : vector<1x128xf32> to vector<512x128xf32>
      %eq3A_313 = arith.cmpf oeq, %get3A_6, %eq3A_312 : vector<512x128xf32>
      %jit3A_314 = arith.constant -1.000000e+30 : f32
      %broadcast_in_dim3A_315 = vector.broadcast %jit3A_314 : f32 to vector<512x128xf32>
      %select_n3A_316 = arith.select %eq3A_313, %dot_general3A_306, %broadcast_in_dim3A_315 : vector<512x128xi1>, vector<512x128xf32>
      %get3A_317 = arith.index_cast %min3A_285 : i32 to index
      %get3A_318 = arith.constant 0 : index
      %get3A_319 = arith.constant 0 : index
      %get3A_320 = vector.load %arg4[%get3A_317, %get3A_318, %get3A_319] : memref<80x128x32xf32, #tpu.memory_space<vmem>>, vector<1x128x32xf32>
      %get3A_321 = vector.shape_cast %get3A_320 : vector<1x128x32xf32> to vector<128x32xf32>
      %dot_general3A_322 = arith.constant dense<0.000000e+00> : vector<512x128xf32>
      %dot_general3A_323 = tpu.matmul %mul3A_3, %get3A_321, %dot_general3A_322 {dimension_numbers = #tpu.dot_dimension_numbers<[1], [1], [0], [0], [0, 0, 1, 0], [], []>, transpose_lhs_hint = false} : vector<512x32xf32>, vector<128x32xf32>, vector<512x128xf32> -> vector<512x128xf32>
      %get3A_324 = arith.index_cast %min3A_285 : i32 to index
      %get3A_325 = arith.constant 0 : index
      %get3A_326 = arith.constant 0 : index
      %get3A_327 = vector.load %arg7[%get3A_324, %get3A_325, %get3A_326] : memref<80x1x128xf32, #tpu.memory_space<vmem>>, vector<1x1x128xf32>
      %get3A_328 = vector.shape_cast %get3A_327 : vector<1x1x128xf32> to vector<1x128xf32>
      %eq3A_329 = vector.broadcast %get3A_328 : vector<1x128xf32> to vector<512x128xf32>
      %eq3A_330 = arith.cmpf oeq, %get3A_6, %eq3A_329 : vector<512x128xf32>
      %jit3A_331 = arith.constant -1.000000e+30 : f32
      %broadcast_in_dim3A_332 = vector.broadcast %jit3A_331 : f32 to vector<512x128xf32>
      %select_n3A_333 = arith.select %eq3A_330, %dot_general3A_323, %broadcast_in_dim3A_332 : vector<512x128xi1>, vector<512x128xf32>
      %get3A_334 = arith.index_cast %min3A_292 : i32 to index
      %get3A_335 = arith.constant 0 : index
      %get3A_336 = arith.constant 0 : index
      %get3A_337 = vector.load %arg4[%get3A_334, %get3A_335, %get3A_336] : memref<80x128x32xf32, #tpu.memory_space<vmem>>, vector<1x128x32xf32>
      %get3A_338 = vector.shape_cast %get3A_337 : vector<1x128x32xf32> to vector<128x32xf32>
      %dot_general3A_339 = arith.constant dense<0.000000e+00> : vector<512x128xf32>
      %dot_general3A_340 = tpu.matmul %mul3A_3, %get3A_338, %dot_general3A_339 {dimension_numbers = #tpu.dot_dimension_numbers<[1], [1], [0], [0], [0, 0, 1, 0], [], []>, transpose_lhs_hint = false} : vector<512x32xf32>, vector<128x32xf32>, vector<512x128xf32> -> vector<512x128xf32>
      %get3A_341 = arith.index_cast %min3A_292 : i32 to index
      %get3A_342 = arith.constant 0 : index
      %get3A_343 = arith.constant 0 : index
      %get3A_344 = vector.load %arg7[%get3A_341, %get3A_342, %get3A_343] : memref<80x1x128xf32, #tpu.memory_space<vmem>>, vector<1x1x128xf32>
      %get3A_345 = vector.shape_cast %get3A_344 : vector<1x1x128xf32> to vector<1x128xf32>
      %eq3A_346 = vector.broadcast %get3A_345 : vector<1x128xf32> to vector<512x128xf32>
      %eq3A_347 = arith.cmpf oeq, %get3A_6, %eq3A_346 : vector<512x128xf32>
      %jit3A_348 = arith.constant -1.000000e+30 : f32
      %broadcast_in_dim3A_349 = vector.broadcast %jit3A_348 : f32 to vector<512x128xf32>
      %select_n3A_350 = arith.select %eq3A_347, %dot_general3A_340, %broadcast_in_dim3A_349 : vector<512x128xi1>, vector<512x128xf32>
      %get3A_351 = arith.index_cast %min3A_299 : i32 to index
      %get3A_352 = arith.constant 0 : index
      %get3A_353 = arith.constant 0 : index
      %get3A_354 = vector.load %arg4[%get3A_351, %get3A_352, %get3A_353] : memref<80x128x32xf32, #tpu.memory_space<vmem>>, vector<1x128x32xf32>
      %get3A_355 = vector.shape_cast %get3A_354 : vector<1x128x32xf32> to vector<128x32xf32>
      %dot_general3A_356 = arith.constant dense<0.000000e+00> : vector<512x128xf32>
      %dot_general3A_357 = tpu.matmul %mul3A_3, %get3A_355, %dot_general3A_356 {dimension_numbers = #tpu.dot_dimension_numbers<[1], [1], [0], [0], [0, 0, 1, 0], [], []>, transpose_lhs_hint = false} : vector<512x32xf32>, vector<128x32xf32>, vector<512x128xf32> -> vector<512x128xf32>
      %get3A_358 = arith.index_cast %min3A_299 : i32 to index
      %get3A_359 = arith.constant 0 : index
      %get3A_360 = arith.constant 0 : index
      %get3A_361 = vector.load %arg7[%get3A_358, %get3A_359, %get3A_360] : memref<80x1x128xf32, #tpu.memory_space<vmem>>, vector<1x1x128xf32>
      %get3A_362 = vector.shape_cast %get3A_361 : vector<1x1x128xf32> to vector<1x128xf32>
      %eq3A_363 = vector.broadcast %get3A_362 : vector<1x128xf32> to vector<512x128xf32>
      %eq3A_364 = arith.cmpf oeq, %get3A_6, %eq3A_363 : vector<512x128xf32>
      %jit3A_365 = arith.constant -1.000000e+30 : f32
      %broadcast_in_dim3A_366 = vector.broadcast %jit3A_365 : f32 to vector<512x128xf32>
      %select_n3A_367 = arith.select %eq3A_364, %dot_general3A_357, %broadcast_in_dim3A_366 : vector<512x128xi1>, vector<512x128xf32>
      %reduce_max3A = arith.constant dense<0xFF800000> : vector<512xf32>
      %reduce_max3A_368 = vector.multi_reduction <maximumf>, %select_n3A_316, %reduce_max3A [1] : vector<512x128xf32> to vector<512xf32>
      %broadcast_in_dim3A_369 = vector.shape_cast %reduce_max3A_368 : vector<512xf32> to vector<512x1xf32>
      %max3A = arith.maximumf %while3A_270, %broadcast_in_dim3A_369 : vector<512x1xf32>
      %reduce_max3A_370 = arith.constant dense<0xFF800000> : vector<512xf32>
      %reduce_max3A_371 = vector.multi_reduction <maximumf>, %select_n3A_333, %reduce_max3A_370 [1] : vector<512x128xf32> to vector<512xf32>
      %broadcast_in_dim3A_372 = vector.shape_cast %reduce_max3A_371 : vector<512xf32> to vector<512x1xf32>
      %max3A_373 = arith.maximumf %max3A, %broadcast_in_dim3A_372 : vector<512x1xf32>
      %reduce_max3A_374 = arith.constant dense<0xFF800000> : vector<512xf32>
      %reduce_max3A_375 = vector.multi_reduction <maximumf>, %select_n3A_350, %reduce_max3A_374 [1] : vector<512x128xf32> to vector<512xf32>
      %broadcast_in_dim3A_376 = vector.shape_cast %reduce_max3A_375 : vector<512xf32> to vector<512x1xf32>
      %max3A_377 = arith.maximumf %max3A_373, %broadcast_in_dim3A_376 : vector<512x1xf32>
      %reduce_max3A_378 = arith.constant dense<0xFF800000> : vector<512xf32>
      %reduce_max3A_379 = vector.multi_reduction <maximumf>, %select_n3A_367, %reduce_max3A_378 [1] : vector<512x128xf32> to vector<512xf32>
      %broadcast_in_dim3A_380 = vector.shape_cast %reduce_max3A_379 : vector<512xf32> to vector<512x1xf32>
      %max3A_381 = arith.maximumf %max3A_377, %broadcast_in_dim3A_380 : vector<512x1xf32>
      %sub3A_382 = vector.broadcast %max3A_381 : vector<512x1xf32> to vector<512x128xf32>
      %sub3A_383 = arith.subf %select_n3A_316, %sub3A_382 : vector<512x128xf32>
      %exp3A = math.exp %sub3A_383 : vector<512x128xf32>
      %sub3A_384 = vector.broadcast %max3A_381 : vector<512x1xf32> to vector<512x128xf32>
      %sub3A_385 = arith.subf %select_n3A_333, %sub3A_384 : vector<512x128xf32>
      %exp3A_386 = math.exp %sub3A_385 : vector<512x128xf32>
      %sub3A_387 = vector.broadcast %max3A_381 : vector<512x1xf32> to vector<512x128xf32>
      %sub3A_388 = arith.subf %select_n3A_350, %sub3A_387 : vector<512x128xf32>
      %exp3A_389 = math.exp %sub3A_388 : vector<512x128xf32>
      %sub3A_390 = vector.broadcast %max3A_381 : vector<512x1xf32> to vector<512x128xf32>
      %sub3A_391 = arith.subf %select_n3A_367, %sub3A_390 : vector<512x128xf32>
      %exp3A_392 = math.exp %sub3A_391 : vector<512x128xf32>
      %sub3A_393 = arith.subf %while3A_270, %max3A_381 : vector<512x1xf32>
      %exp3A_394 = math.exp %sub3A_393 : vector<512x1xf32>
      %get3A_395 = arith.index_cast %min3A_278 : i32 to index
      %get3A_396 = arith.constant 0 : index
      %get3A_397 = arith.constant 0 : index
      %get3A_398 = vector.load %arg5[%get3A_395, %get3A_396, %get3A_397] : memref<80x128x32xf32, #tpu.memory_space<vmem>>, vector<1x128x32xf32>
      %get3A_399 = vector.shape_cast %get3A_398 : vector<1x128x32xf32> to vector<128x32xf32>
      %dot_general3A_400 = arith.constant dense<0.000000e+00> : vector<512x32xf32>
      %dot_general3A_401 = tpu.matmul %exp3A, %get3A_399, %dot_general3A_400 {dimension_numbers = #tpu.dot_dimension_numbers<[1], [0], [0], [1], [0, 0, 1, 1], [], []>, transpose_lhs_hint = false} : vector<512x128xf32>, vector<128x32xf32>, vector<512x32xf32> -> vector<512x32xf32>
      %reduce_sum3A_402 = arith.constant dense<0.000000e+00> : vector<512xf32>
      %reduce_sum3A_403 = vector.multi_reduction <add>, %exp3A, %reduce_sum3A_402 [1] : vector<512x128xf32> to vector<512xf32>
      %broadcast_in_dim3A_404 = vector.shape_cast %reduce_sum3A_403 : vector<512xf32> to vector<512x1xf32>
      %get3A_405 = arith.index_cast %min3A_285 : i32 to index
      %get3A_406 = arith.constant 0 : index
      %get3A_407 = arith.constant 0 : index
      %get3A_408 = vector.load %arg5[%get3A_405, %get3A_406, %get3A_407] : memref<80x128x32xf32, #tpu.memory_space<vmem>>, vector<1x128x32xf32>
      %get3A_409 = vector.shape_cast %get3A_408 : vector<1x128x32xf32> to vector<128x32xf32>
      %dot_general3A_410 = arith.constant dense<0.000000e+00> : vector<512x32xf32>
      %dot_general3A_411 = tpu.matmul %exp3A_386, %get3A_409, %dot_general3A_410 {dimension_numbers = #tpu.dot_dimension_numbers<[1], [0], [0], [1], [0, 0, 1, 1], [], []>, transpose_lhs_hint = false} : vector<512x128xf32>, vector<128x32xf32>, vector<512x32xf32> -> vector<512x32xf32>
      %add3A_412 = arith.addf %dot_general3A_401, %dot_general3A_411 : vector<512x32xf32>
      %reduce_sum3A_413 = arith.constant dense<0.000000e+00> : vector<512xf32>
      %reduce_sum3A_414 = vector.multi_reduction <add>, %exp3A_386, %reduce_sum3A_413 [1] : vector<512x128xf32> to vector<512xf32>
      %broadcast_in_dim3A_415 = vector.shape_cast %reduce_sum3A_414 : vector<512xf32> to vector<512x1xf32>
      %add3A_416 = arith.addf %broadcast_in_dim3A_404, %broadcast_in_dim3A_415 : vector<512x1xf32>
      %get3A_417 = arith.index_cast %min3A_292 : i32 to index
      %get3A_418 = arith.constant 0 : index
      %get3A_419 = arith.constant 0 : index
      %get3A_420 = vector.load %arg5[%get3A_417, %get3A_418, %get3A_419] : memref<80x128x32xf32, #tpu.memory_space<vmem>>, vector<1x128x32xf32>
      %get3A_421 = vector.shape_cast %get3A_420 : vector<1x128x32xf32> to vector<128x32xf32>
      %dot_general3A_422 = arith.constant dense<0.000000e+00> : vector<512x32xf32>
      %dot_general3A_423 = tpu.matmul %exp3A_389, %get3A_421, %dot_general3A_422 {dimension_numbers = #tpu.dot_dimension_numbers<[1], [0], [0], [1], [0, 0, 1, 1], [], []>, transpose_lhs_hint = false} : vector<512x128xf32>, vector<128x32xf32>, vector<512x32xf32> -> vector<512x32xf32>
      %add3A_424 = arith.addf %add3A_412, %dot_general3A_423 : vector<512x32xf32>
      %reduce_sum3A_425 = arith.constant dense<0.000000e+00> : vector<512xf32>
      %reduce_sum3A_426 = vector.multi_reduction <add>, %exp3A_389, %reduce_sum3A_425 [1] : vector<512x128xf32> to vector<512xf32>
      %broadcast_in_dim3A_427 = vector.shape_cast %reduce_sum3A_426 : vector<512xf32> to vector<512x1xf32>
      %add3A_428 = arith.addf %add3A_416, %broadcast_in_dim3A_427 : vector<512x1xf32>
      %get3A_429 = arith.index_cast %min3A_299 : i32 to index
      %get3A_430 = arith.constant 0 : index
      %get3A_431 = arith.constant 0 : index
      %get3A_432 = vector.load %arg5[%get3A_429, %get3A_430, %get3A_431] : memref<80x128x32xf32, #tpu.memory_space<vmem>>, vector<1x128x32xf32>
      %get3A_433 = vector.shape_cast %get3A_432 : vector<1x128x32xf32> to vector<128x32xf32>
      %dot_general3A_434 = arith.constant dense<0.000000e+00> : vector<512x32xf32>
      %dot_general3A_435 = tpu.matmul %exp3A_392, %get3A_433, %dot_general3A_434 {dimension_numbers = #tpu.dot_dimension_numbers<[1], [0], [0], [1], [0, 0, 1, 1], [], []>, transpose_lhs_hint = false} : vector<512x128xf32>, vector<128x32xf32>, vector<512x32xf32> -> vector<512x32xf32>
      %add3A_436 = arith.addf %add3A_424, %dot_general3A_435 : vector<512x32xf32>
      %reduce_sum3A_437 = arith.constant dense<0.000000e+00> : vector<512xf32>
      %reduce_sum3A_438 = vector.multi_reduction <add>, %exp3A_392, %reduce_sum3A_437 [1] : vector<512x128xf32> to vector<512xf32>
      %broadcast_in_dim3A_439 = vector.shape_cast %reduce_sum3A_438 : vector<512xf32> to vector<512x1xf32>
      %add3A_440 = arith.addf %add3A_428, %broadcast_in_dim3A_439 : vector<512x1xf32>
      %mul3A_441 = arith.mulf %while3A_271, %exp3A_394 : vector<512x1xf32>
      %add3A_442 = arith.addf %mul3A_441, %add3A_440 : vector<512x1xf32>
      %mul3A_443 = vector.broadcast %exp3A_394 : vector<512x1xf32> to vector<512x32xf32>
      %mul3A_444 = arith.mulf %while3A_272, %mul3A_443 : vector<512x32xf32>
      %add3A_445 = arith.addf %mul3A_444, %add3A_436 : vector<512x32xf32>
      scf.yield %max3A_381, %add3A_442, %add3A_445 : vector<512x1xf32>, vector<512x1xf32>, vector<512x32xf32>
    }
    %le3A = arith.constant -1.000000e+29 : f32
    %le3A_46 = vector.broadcast %le3A : f32 to vector<512x1xf32>
    %le3A_47 = arith.cmpf ole, %while3A_45#0, %le3A_46 : vector<512x1xf32>
    %reduce_or3A = arith.constant 1.000000e+00 : f32
    %reduce_or3A_48 = arith.constant 0.000000e+00 : f32
    %reduce_or3A_49 = vector.broadcast %reduce_or3A : f32 to vector<512x1xf32>
    %reduce_or3A_50 = vector.broadcast %reduce_or3A_48 : f32 to vector<512x1xf32>
    %reduce_or3A_51 = arith.select %le3A_47, %reduce_or3A_49, %reduce_or3A_50 : vector<512x1xi1>, vector<512x1xf32>
    %reduce_or3A_52 = vector.shape_cast %reduce_or3A_51 : vector<512x1xf32> to vector<1x512x1xf32>
    %reduce_or3A_53 = arith.constant dense<0xFF800000> : vector<1xf32>
    %reduce_or3A_54 = vector.multi_reduction <maximumf>, %reduce_or3A_52, %reduce_or3A_53 [1, 2] : vector<1x512x1xf32> to vector<1xf32>
    %reduce_or3A_55 = vector.shape_cast %reduce_or3A_54 : vector<1xf32> to vector<1x1x1xf32>
    %reduce_or3A_56 = vector.extract %reduce_or3A_55[0, 0, 0] : f32 from vector<1x1x1xf32>
    %reduce_or3A_57 = arith.constant 0.000000e+00 : f32
    %reduce_or3A_58 = arith.cmpf ogt, %reduce_or3A_56, %reduce_or3A_57 : f32
    %convert_element_type3A = arith.extui %reduce_or3A_58 : i1 to i32
    %cond3A = arith.constant 0 : i32
    %cond3A_59 = arith.cmpi ne, %convert_element_type3A, %cond3A : i32
    %cond3A_60 = scf.if %cond3A_59 -> (vector<1x32xf32>) {
      %broadcast_in_dim3A_269 = arith.constant 0.000000e+00 : f32
      %broadcast_in_dim3A_270 = vector.broadcast %broadcast_in_dim3A_269 : f32 to vector<1x32xf32>
      %scan3A = arith.constant 0 : i32
      %scan3A_271 = arith.constant 80 : i32
      %scan3A_272 = arith.addi %scan3A, %scan3A_271 : i32
      %scan3A_273 = arith.constant 1 : i32
      %scan3A_274 = scf.for %scan3A_279 = %scan3A to %scan3A_272 step %scan3A_273 iter_args(%scan3A_280 = %broadcast_in_dim3A_270) -> (vector<1x32xf32>)  : i32 {
        %get3A_281 = arith.index_cast %scan3A_279 : i32 to index
        %get3A_282 = arith.constant 0 : index
        %get3A_283 = arith.constant 0 : index
        %get3A_284 = vector.load %arg5[%get3A_281, %get3A_282, %get3A_283] : memref<80x128x32xf32, #tpu.memory_space<vmem>>, vector<1x128x32xf32>
        %get3A_285 = vector.shape_cast %get3A_284 : vector<1x128x32xf32> to vector<128x32xf32>
        %reduce_sum3A_286 = arith.constant dense<0.000000e+00> : vector<32xf32>
        %reduce_sum3A_287 = vector.multi_reduction <add>, %get3A_285, %reduce_sum3A_286 [0] : vector<128x32xf32> to vector<32xf32>
        %broadcast_in_dim3A_288 = vector.shape_cast %reduce_sum3A_287 : vector<32xf32> to vector<1x32xf32>
        %add3A_289 = arith.addf %scan3A_280, %broadcast_in_dim3A_288 : vector<1x32xf32>
        scf.yield %add3A_289 : vector<1x32xf32>
      }
      %scan3A_275 = arith.constant 80 : i32
      %mul3A_276 = arith.constant 9.99999974E-5 : f32
      %mul3A_277 = vector.broadcast %mul3A_276 : f32 to vector<1x32xf32>
      %mul3A_278 = arith.mulf %scan3A_274, %mul3A_277 : vector<1x32xf32>
      scf.yield %mul3A_278 : vector<1x32xf32>
    } else {
      %broadcast_in_dim3A_269 = arith.constant 0.000000e+00 : f32
      %broadcast_in_dim3A_270 = vector.broadcast %broadcast_in_dim3A_269 : f32 to vector<1x32xf32>
      scf.yield %broadcast_in_dim3A_270 : vector<1x32xf32>
    }
    %jit3A_61 = arith.constant 1.000000e+00 : f32
    %broadcast_in_dim3A_62 = vector.broadcast %jit3A_61 : f32 to vector<512x1xf32>
    %select_n3A_63 = arith.select %le3A_47, %broadcast_in_dim3A_62, %while3A_45#1 : vector<512x1xi1>, vector<512x1xf32>
    %div3A_64 = vector.broadcast %select_n3A_63 : vector<512x1xf32> to vector<512x32xf32>
    %div3A_65 = arith.divf %while3A_45#2, %div3A_64 : vector<512x32xf32>
    %broadcast_in_dim3A_66 = vector.shape_cast %le3A_47 : vector<512x1xi1> to vector<512x1xi1>
    %broadcast_in_dim3A_67 = vector.broadcast %broadcast_in_dim3A_66 : vector<512x1xi1> to vector<512x32xi1>
    %broadcast_in_dim3A_68 = vector.shape_cast %cond3A_60 : vector<1x32xf32> to vector<1x32xf32>
    %broadcast_in_dim3A_69 = vector.broadcast %broadcast_in_dim3A_68 : vector<1x32xf32> to vector<512x32xf32>
    %select_n3A_70 = arith.select %broadcast_in_dim3A_67, %broadcast_in_dim3A_69, %div3A_65 : vector<512x32xi1>, vector<512x32xf32>
    %slice3A = vector.extract_strided_slice %select_n3A_70 {offsets = [0, 0], sizes = [128, 32], strides = [1, 1]} : vector<512x32xf32> to vector<128x32xf32>
    %slice3A_71 = vector.extract_strided_slice %select_n3A_70 {offsets = [128, 0], sizes = [128, 32], strides = [1, 1]} : vector<512x32xf32> to vector<128x32xf32>
    %slice3A_72 = vector.extract_strided_slice %select_n3A_70 {offsets = [256, 0], sizes = [128, 32], strides = [1, 1]} : vector<512x32xf32> to vector<128x32xf32>
    %slice3A_73 = vector.extract_strided_slice %select_n3A_70 {offsets = [384, 0], sizes = [128, 32], strides = [1, 1]} : vector<512x32xf32> to vector<128x32xf32>
    %iota3A = tpu.iota {dimensions = array<i32: 1>} : vector<128x128xi32>
    %convert_element_type3A_74 = arith.sitofp %iota3A : vector<128x128xi32> to vector<128x128xf32>
    %broadcast_in_dim3A_75 = arith.constant 0.000000e+00 : f32
    %broadcast_in_dim3A_76 = vector.broadcast %broadcast_in_dim3A_75 : f32 to vector<1x128xf32>
    %broadcast_in_dim3A_77 = arith.constant 0.000000e+00 : f32
    %broadcast_in_dim3A_78 = vector.broadcast %broadcast_in_dim3A_77 : f32 to vector<1x128xf32>
    %get3A_79 = arith.constant 0 : index
    %get3A_80 = arith.constant 0 : index
    %get3A_81 = vector.load %arg9[%get3A_79, %get3A_80] : memref<32x32xf32, #tpu.memory_space<vmem>>, vector<32x32xf32>
    %dot_general3A = arith.constant dense<0.000000e+00> : vector<128x32xf32>
    %dot_general3A_82 = tpu.matmul %slice3A, %get3A_81, %dot_general3A {dimension_numbers = #tpu.dot_dimension_numbers<[1], [0], [0], [1], [0, 0, 1, 1], [], []>, transpose_lhs_hint = false} : vector<128x32xf32>, vector<32x32xf32>, vector<128x32xf32> -> vector<128x32xf32>
    %get3A_83 = arith.constant 0 : index
    %get3A_84 = arith.constant 0 : index
    %get3A_85 = vector.load %arg10[%get3A_83, %get3A_84] : memref<1x32xf32, #tpu.memory_space<vmem>>, vector<1x32xf32>
    %add3A_86 = vector.broadcast %get3A_85 : vector<1x32xf32> to vector<128x32xf32>
    %add3A_87 = arith.addf %dot_general3A_82, %add3A_86 : vector<128x32xf32>
    %tanh3A = math.tanh %add3A_87 : vector<128x32xf32>
    %get3A_88 = arith.constant 0 : index
    %get3A_89 = arith.constant 0 : index
    %get3A_90 = vector.load %arg11[%get3A_88, %get3A_89] : memref<32x32xf32, #tpu.memory_space<vmem>>, vector<32x32xf32>
    %dot_general3A_91 = arith.constant dense<0.000000e+00> : vector<128x32xf32>
    %dot_general3A_92 = tpu.matmul %tanh3A, %get3A_90, %dot_general3A_91 {dimension_numbers = #tpu.dot_dimension_numbers<[1], [0], [0], [1], [0, 0, 1, 1], [], []>, transpose_lhs_hint = false} : vector<128x32xf32>, vector<32x32xf32>, vector<128x32xf32> -> vector<128x32xf32>
    %get3A_93 = arith.constant 0 : index
    %get3A_94 = arith.constant 0 : index
    %get3A_95 = vector.load %arg12[%get3A_93, %get3A_94] : memref<1x32xf32, #tpu.memory_space<vmem>>, vector<1x32xf32>
    %add3A_96 = vector.broadcast %get3A_95 : vector<1x32xf32> to vector<128x32xf32>
    %add3A_97 = arith.addf %dot_general3A_92, %add3A_96 : vector<128x32xf32>
    %tanh3A_98 = math.tanh %add3A_97 : vector<128x32xf32>
    %get3A_99 = arith.constant 0 : index
    %get3A_100 = arith.constant 0 : index
    %get3A_101 = vector.load %arg13[%get3A_99, %get3A_100] : memref<32x1xf32, #tpu.memory_space<vmem>>, vector<32x1xf32>
    %dot_general3A_102 = arith.constant dense<0.000000e+00> : vector<128x1xf32>
    %dot_general3A_103 = tpu.matmul %tanh3A_98, %get3A_101, %dot_general3A_102 {dimension_numbers = #tpu.dot_dimension_numbers<[1], [0], [0], [1], [0, 0, 1, 1], [], []>, transpose_lhs_hint = false} : vector<128x32xf32>, vector<32x1xf32>, vector<128x1xf32> -> vector<128x1xf32>
    %get3A_104 = arith.constant 0 : index
    %get3A_105 = arith.constant 0 : index
    %get3A_106 = vector.load %arg14[%get3A_104, %get3A_105] : memref<1x1xf32, #tpu.memory_space<vmem>>, vector<1x1xf32>
    %add3A_107 = vector.broadcast %get3A_106 : vector<1x1xf32> to vector<128x1xf32>
    %add3A_108 = arith.addf %dot_general3A_103, %add3A_107 : vector<128x1xf32>
    %get3A_109 = arith.constant 0 : index
    %get3A_110 = arith.constant 0 : index
    %get3A_111 = vector.load %arg8[%get3A_109, %get3A_110] : memref<512x128xf32, #tpu.memory_space<vmem>>, vector<128x128xf32>
    %eq3A = arith.cmpf oeq, %get3A_111, %convert_element_type3A_74 : vector<128x128xf32>
    %convert_element_type3A_112 = arith.extui %eq3A : vector<128x128xi1> to vector<128x128xi32>
    %convert_element_type3A_113 = arith.sitofp %convert_element_type3A_112 : vector<128x128xi32> to vector<128x128xf32>
    %dot_general3A_114 = arith.constant dense<0.000000e+00> : vector<1x128xf32>
    %dot_general3A_115 = tpu.matmul %add3A_108, %convert_element_type3A_113, %dot_general3A_114 {dimension_numbers = #tpu.dot_dimension_numbers<[0], [0], [1], [1], [0, 1, 1, 1], [], []>, transpose_lhs_hint = false} : vector<128x1xf32>, vector<128x128xf32>, vector<1x128xf32> -> vector<1x128xf32>
    %add3A_116 = arith.addf %broadcast_in_dim3A_76, %dot_general3A_115 : vector<1x128xf32>
    %reduce_sum3A = arith.constant dense<0.000000e+00> : vector<128xf32>
    %reduce_sum3A_117 = vector.multi_reduction <add>, %convert_element_type3A_113, %reduce_sum3A [0] : vector<128x128xf32> to vector<128xf32>
    %broadcast_in_dim3A_118 = vector.shape_cast %reduce_sum3A_117 : vector<128xf32> to vector<1x128xf32>
    %add3A_119 = arith.addf %broadcast_in_dim3A_78, %broadcast_in_dim3A_118 : vector<1x128xf32>
    %get3A_120 = arith.constant 0 : index
    %get3A_121 = arith.constant 0 : index
    %get3A_122 = vector.load %arg9[%get3A_120, %get3A_121] : memref<32x32xf32, #tpu.memory_space<vmem>>, vector<32x32xf32>
    %dot_general3A_123 = arith.constant dense<0.000000e+00> : vector<128x32xf32>
    %dot_general3A_124 = tpu.matmul %slice3A_71, %get3A_122, %dot_general3A_123 {dimension_numbers = #tpu.dot_dimension_numbers<[1], [0], [0], [1], [0, 0, 1, 1], [], []>, transpose_lhs_hint = false} : vector<128x32xf32>, vector<32x32xf32>, vector<128x32xf32> -> vector<128x32xf32>
    %get3A_125 = arith.constant 0 : index
    %get3A_126 = arith.constant 0 : index
    %get3A_127 = vector.load %arg10[%get3A_125, %get3A_126] : memref<1x32xf32, #tpu.memory_space<vmem>>, vector<1x32xf32>
    %add3A_128 = vector.broadcast %get3A_127 : vector<1x32xf32> to vector<128x32xf32>
    %add3A_129 = arith.addf %dot_general3A_124, %add3A_128 : vector<128x32xf32>
    %tanh3A_130 = math.tanh %add3A_129 : vector<128x32xf32>
    %get3A_131 = arith.constant 0 : index
    %get3A_132 = arith.constant 0 : index
    %get3A_133 = vector.load %arg11[%get3A_131, %get3A_132] : memref<32x32xf32, #tpu.memory_space<vmem>>, vector<32x32xf32>
    %dot_general3A_134 = arith.constant dense<0.000000e+00> : vector<128x32xf32>
    %dot_general3A_135 = tpu.matmul %tanh3A_130, %get3A_133, %dot_general3A_134 {dimension_numbers = #tpu.dot_dimension_numbers<[1], [0], [0], [1], [0, 0, 1, 1], [], []>, transpose_lhs_hint = false} : vector<128x32xf32>, vector<32x32xf32>, vector<128x32xf32> -> vector<128x32xf32>
    %get3A_136 = arith.constant 0 : index
    %get3A_137 = arith.constant 0 : index
    %get3A_138 = vector.load %arg12[%get3A_136, %get3A_137] : memref<1x32xf32, #tpu.memory_space<vmem>>, vector<1x32xf32>
    %add3A_139 = vector.broadcast %get3A_138 : vector<1x32xf32> to vector<128x32xf32>
    %add3A_140 = arith.addf %dot_general3A_135, %add3A_139 : vector<128x32xf32>
    %tanh3A_141 = math.tanh %add3A_140 : vector<128x32xf32>
    %get3A_142 = arith.constant 0 : index
    %get3A_143 = arith.constant 0 : index
    %get3A_144 = vector.load %arg13[%get3A_142, %get3A_143] : memref<32x1xf32, #tpu.memory_space<vmem>>, vector<32x1xf32>
    %dot_general3A_145 = arith.constant dense<0.000000e+00> : vector<128x1xf32>
    %dot_general3A_146 = tpu.matmul %tanh3A_141, %get3A_144, %dot_general3A_145 {dimension_numbers = #tpu.dot_dimension_numbers<[1], [0], [0], [1], [0, 0, 1, 1], [], []>, transpose_lhs_hint = false} : vector<128x32xf32>, vector<32x1xf32>, vector<128x1xf32> -> vector<128x1xf32>
    %get3A_147 = arith.constant 0 : index
    %get3A_148 = arith.constant 0 : index
    %get3A_149 = vector.load %arg14[%get3A_147, %get3A_148] : memref<1x1xf32, #tpu.memory_space<vmem>>, vector<1x1xf32>
    %add3A_150 = vector.broadcast %get3A_149 : vector<1x1xf32> to vector<128x1xf32>
    %add3A_151 = arith.addf %dot_general3A_146, %add3A_150 : vector<128x1xf32>
    %get3A_152 = arith.constant 128 : index
    %get3A_153 = arith.constant 0 : index
    %get3A_154 = vector.load %arg8[%get3A_152, %get3A_153] : memref<512x128xf32, #tpu.memory_space<vmem>>, vector<128x128xf32>
    %eq3A_155 = arith.cmpf oeq, %get3A_154, %convert_element_type3A_74 : vector<128x128xf32>
    %convert_element_type3A_156 = arith.extui %eq3A_155 : vector<128x128xi1> to vector<128x128xi32>
    %convert_element_type3A_157 = arith.sitofp %convert_element_type3A_156 : vector<128x128xi32> to vector<128x128xf32>
    %dot_general3A_158 = arith.constant dense<0.000000e+00> : vector<1x128xf32>
    %dot_general3A_159 = tpu.matmul %add3A_151, %convert_element_type3A_157, %dot_general3A_158 {dimension_numbers = #tpu.dot_dimension_numbers<[0], [0], [1], [1], [0, 1, 1, 1], [], []>, transpose_lhs_hint = false} : vector<128x1xf32>, vector<128x128xf32>, vector<1x128xf32> -> vector<1x128xf32>
    %add3A_160 = arith.addf %add3A_116, %dot_general3A_159 : vector<1x128xf32>
    %reduce_sum3A_161 = arith.constant dense<0.000000e+00> : vector<128xf32>
    %reduce_sum3A_162 = vector.multi_reduction <add>, %convert_element_type3A_157, %reduce_sum3A_161 [0] : vector<128x128xf32> to vector<128xf32>
    %broadcast_in_dim3A_163 = vector.shape_cast %reduce_sum3A_162 : vector<128xf32> to vector<1x128xf32>
    %add3A_164 = arith.addf %add3A_119, %broadcast_in_dim3A_163 : vector<1x128xf32>
    %get3A_165 = arith.constant 0 : index
    %get3A_166 = arith.constant 0 : index
    %get3A_167 = vector.load %arg9[%get3A_165, %get3A_166] : memref<32x32xf32, #tpu.memory_space<vmem>>, vector<32x32xf32>
    %dot_general3A_168 = arith.constant dense<0.000000e+00> : vector<128x32xf32>
    %dot_general3A_169 = tpu.matmul %slice3A_72, %get3A_167, %dot_general3A_168 {dimension_numbers = #tpu.dot_dimension_numbers<[1], [0], [0], [1], [0, 0, 1, 1], [], []>, transpose_lhs_hint = false} : vector<128x32xf32>, vector<32x32xf32>, vector<128x32xf32> -> vector<128x32xf32>
    %get3A_170 = arith.constant 0 : index
    %get3A_171 = arith.constant 0 : index
    %get3A_172 = vector.load %arg10[%get3A_170, %get3A_171] : memref<1x32xf32, #tpu.memory_space<vmem>>, vector<1x32xf32>
    %add3A_173 = vector.broadcast %get3A_172 : vector<1x32xf32> to vector<128x32xf32>
    %add3A_174 = arith.addf %dot_general3A_169, %add3A_173 : vector<128x32xf32>
    %tanh3A_175 = math.tanh %add3A_174 : vector<128x32xf32>
    %get3A_176 = arith.constant 0 : index
    %get3A_177 = arith.constant 0 : index
    %get3A_178 = vector.load %arg11[%get3A_176, %get3A_177] : memref<32x32xf32, #tpu.memory_space<vmem>>, vector<32x32xf32>
    %dot_general3A_179 = arith.constant dense<0.000000e+00> : vector<128x32xf32>
    %dot_general3A_180 = tpu.matmul %tanh3A_175, %get3A_178, %dot_general3A_179 {dimension_numbers = #tpu.dot_dimension_numbers<[1], [0], [0], [1], [0, 0, 1, 1], [], []>, transpose_lhs_hint = false} : vector<128x32xf32>, vector<32x32xf32>, vector<128x32xf32> -> vector<128x32xf32>
    %get3A_181 = arith.constant 0 : index
    %get3A_182 = arith.constant 0 : index
    %get3A_183 = vector.load %arg12[%get3A_181, %get3A_182] : memref<1x32xf32, #tpu.memory_space<vmem>>, vector<1x32xf32>
    %add3A_184 = vector.broadcast %get3A_183 : vector<1x32xf32> to vector<128x32xf32>
    %add3A_185 = arith.addf %dot_general3A_180, %add3A_184 : vector<128x32xf32>
    %tanh3A_186 = math.tanh %add3A_185 : vector<128x32xf32>
    %get3A_187 = arith.constant 0 : index
    %get3A_188 = arith.constant 0 : index
    %get3A_189 = vector.load %arg13[%get3A_187, %get3A_188] : memref<32x1xf32, #tpu.memory_space<vmem>>, vector<32x1xf32>
    %dot_general3A_190 = arith.constant dense<0.000000e+00> : vector<128x1xf32>
    %dot_general3A_191 = tpu.matmul %tanh3A_186, %get3A_189, %dot_general3A_190 {dimension_numbers = #tpu.dot_dimension_numbers<[1], [0], [0], [1], [0, 0, 1, 1], [], []>, transpose_lhs_hint = false} : vector<128x32xf32>, vector<32x1xf32>, vector<128x1xf32> -> vector<128x1xf32>
    %get3A_192 = arith.constant 0 : index
    %get3A_193 = arith.constant 0 : index
    %get3A_194 = vector.load %arg14[%get3A_192, %get3A_193] : memref<1x1xf32, #tpu.memory_space<vmem>>, vector<1x1xf32>
    %add3A_195 = vector.broadcast %get3A_194 : vector<1x1xf32> to vector<128x1xf32>
    %add3A_196 = arith.addf %dot_general3A_191, %add3A_195 : vector<128x1xf32>
    %get3A_197 = arith.constant 256 : index
    %get3A_198 = arith.constant 0 : index
    %get3A_199 = vector.load %arg8[%get3A_197, %get3A_198] : memref<512x128xf32, #tpu.memory_space<vmem>>, vector<128x128xf32>
    %eq3A_200 = arith.cmpf oeq, %get3A_199, %convert_element_type3A_74 : vector<128x128xf32>
    %convert_element_type3A_201 = arith.extui %eq3A_200 : vector<128x128xi1> to vector<128x128xi32>
    %convert_element_type3A_202 = arith.sitofp %convert_element_type3A_201 : vector<128x128xi32> to vector<128x128xf32>
    %dot_general3A_203 = arith.constant dense<0.000000e+00> : vector<1x128xf32>
    %dot_general3A_204 = tpu.matmul %add3A_196, %convert_element_type3A_202, %dot_general3A_203 {dimension_numbers = #tpu.dot_dimension_numbers<[0], [0], [1], [1], [0, 1, 1, 1], [], []>, transpose_lhs_hint = false} : vector<128x1xf32>, vector<128x128xf32>, vector<1x128xf32> -> vector<1x128xf32>
    %add3A_205 = arith.addf %add3A_160, %dot_general3A_204 : vector<1x128xf32>
    %reduce_sum3A_206 = arith.constant dense<0.000000e+00> : vector<128xf32>
    %reduce_sum3A_207 = vector.multi_reduction <add>, %convert_element_type3A_202, %reduce_sum3A_206 [0] : vector<128x128xf32> to vector<128xf32>
    %broadcast_in_dim3A_208 = vector.shape_cast %reduce_sum3A_207 : vector<128xf32> to vector<1x128xf32>
    %add3A_209 = arith.addf %add3A_164, %broadcast_in_dim3A_208 : vector<1x128xf32>
    %get3A_210 = arith.constant 0 : index
    %get3A_211 = arith.constant 0 : index
    %get3A_212 = vector.load %arg9[%get3A_210, %get3A_211] : memref<32x32xf32, #tpu.memory_space<vmem>>, vector<32x32xf32>
    %dot_general3A_213 = arith.constant dense<0.000000e+00> : vector<128x32xf32>
    %dot_general3A_214 = tpu.matmul %slice3A_73, %get3A_212, %dot_general3A_213 {dimension_numbers = #tpu.dot_dimension_numbers<[1], [0], [0], [1], [0, 0, 1, 1], [], []>, transpose_lhs_hint = false} : vector<128x32xf32>, vector<32x32xf32>, vector<128x32xf32> -> vector<128x32xf32>
    %get3A_215 = arith.constant 0 : index
    %get3A_216 = arith.constant 0 : index
    %get3A_217 = vector.load %arg10[%get3A_215, %get3A_216] : memref<1x32xf32, #tpu.memory_space<vmem>>, vector<1x32xf32>
    %add3A_218 = vector.broadcast %get3A_217 : vector<1x32xf32> to vector<128x32xf32>
    %add3A_219 = arith.addf %dot_general3A_214, %add3A_218 : vector<128x32xf32>
    %tanh3A_220 = math.tanh %add3A_219 : vector<128x32xf32>
    %get3A_221 = arith.constant 0 : index
    %get3A_222 = arith.constant 0 : index
    %get3A_223 = vector.load %arg11[%get3A_221, %get3A_222] : memref<32x32xf32, #tpu.memory_space<vmem>>, vector<32x32xf32>
    %dot_general3A_224 = arith.constant dense<0.000000e+00> : vector<128x32xf32>
    %dot_general3A_225 = tpu.matmul %tanh3A_220, %get3A_223, %dot_general3A_224 {dimension_numbers = #tpu.dot_dimension_numbers<[1], [0], [0], [1], [0, 0, 1, 1], [], []>, transpose_lhs_hint = false} : vector<128x32xf32>, vector<32x32xf32>, vector<128x32xf32> -> vector<128x32xf32>
    %get3A_226 = arith.constant 0 : index
    %get3A_227 = arith.constant 0 : index
    %get3A_228 = vector.load %arg12[%get3A_226, %get3A_227] : memref<1x32xf32, #tpu.memory_space<vmem>>, vector<1x32xf32>
    %add3A_229 = vector.broadcast %get3A_228 : vector<1x32xf32> to vector<128x32xf32>
    %add3A_230 = arith.addf %dot_general3A_225, %add3A_229 : vector<128x32xf32>
    %tanh3A_231 = math.tanh %add3A_230 : vector<128x32xf32>
    %get3A_232 = arith.constant 0 : index
    %get3A_233 = arith.constant 0 : index
    %get3A_234 = vector.load %arg13[%get3A_232, %get3A_233] : memref<32x1xf32, #tpu.memory_space<vmem>>, vector<32x1xf32>
    %dot_general3A_235 = arith.constant dense<0.000000e+00> : vector<128x1xf32>
    %dot_general3A_236 = tpu.matmul %tanh3A_231, %get3A_234, %dot_general3A_235 {dimension_numbers = #tpu.dot_dimension_numbers<[1], [0], [0], [1], [0, 0, 1, 1], [], []>, transpose_lhs_hint = false} : vector<128x32xf32>, vector<32x1xf32>, vector<128x1xf32> -> vector<128x1xf32>
    %get3A_237 = arith.constant 0 : index
    %get3A_238 = arith.constant 0 : index
    %get3A_239 = vector.load %arg14[%get3A_237, %get3A_238] : memref<1x1xf32, #tpu.memory_space<vmem>>, vector<1x1xf32>
    %add3A_240 = vector.broadcast %get3A_239 : vector<1x1xf32> to vector<128x1xf32>
    %add3A_241 = arith.addf %dot_general3A_236, %add3A_240 : vector<128x1xf32>
    %get3A_242 = arith.constant 384 : index
    %get3A_243 = arith.constant 0 : index
    %get3A_244 = vector.load %arg8[%get3A_242, %get3A_243] : memref<512x128xf32, #tpu.memory_space<vmem>>, vector<128x128xf32>
    %eq3A_245 = arith.cmpf oeq, %get3A_244, %convert_element_type3A_74 : vector<128x128xf32>
    %convert_element_type3A_246 = arith.extui %eq3A_245 : vector<128x128xi1> to vector<128x128xi32>
    %convert_element_type3A_247 = arith.sitofp %convert_element_type3A_246 : vector<128x128xi32> to vector<128x128xf32>
    %dot_general3A_248 = arith.constant dense<0.000000e+00> : vector<1x128xf32>
    %dot_general3A_249 = tpu.matmul %add3A_241, %convert_element_type3A_247, %dot_general3A_248 {dimension_numbers = #tpu.dot_dimension_numbers<[0], [0], [1], [1], [0, 1, 1, 1], [], []>, transpose_lhs_hint = false} : vector<128x1xf32>, vector<128x128xf32>, vector<1x128xf32> -> vector<1x128xf32>
    %add3A_250 = arith.addf %add3A_205, %dot_general3A_249 : vector<1x128xf32>
    %reduce_sum3A_251 = arith.constant dense<0.000000e+00> : vector<128xf32>
    %reduce_sum3A_252 = vector.multi_reduction <add>, %convert_element_type3A_247, %reduce_sum3A_251 [0] : vector<128x128xf32> to vector<128xf32>
    %broadcast_in_dim3A_253 = vector.shape_cast %reduce_sum3A_252 : vector<128xf32> to vector<1x128xf32>
    %add3A_254 = arith.addf %add3A_209, %broadcast_in_dim3A_253 : vector<1x128xf32>
    %eq3A_255 = arith.constant 0 : i32
    %eq3A_256 = arith.cmpi eq, %arg0, %eq3A_255 : i32
    %convert_element_type3A_257 = arith.extui %eq3A_256 : i1 to i32
    %cond3A_258 = arith.constant 0 : i32
    %cond3A_259 = arith.cmpi ne, %convert_element_type3A_257, %cond3A_258 : i32
    scf.if %cond3A_259 {
      %swap3A = arith.constant 0 : index
      %swap3A_269 = arith.constant 0 : index
      %swap3A_270 = vector.load %arg16[%swap3A, %swap3A_269] : memref<2x128xf32, #tpu.memory_space<vmem>>, vector<1x128xf32>
      tpu.vector_store %arg16[%swap3A, %swap3A_269], %add3A_250 {strides = array<i32>} : memref<2x128xf32, #tpu.memory_space<vmem>>, vector<1x128xf32>,
      %swap3A_271 = arith.constant 1 : index
      %swap3A_272 = arith.constant 0 : index
      %swap3A_273 = vector.load %arg16[%swap3A_271, %swap3A_272] : memref<2x128xf32, #tpu.memory_space<vmem>>, vector<1x128xf32>
      tpu.vector_store %arg16[%swap3A_271, %swap3A_272], %add3A_254 {strides = array<i32>} : memref<2x128xf32, #tpu.memory_space<vmem>>, vector<1x128xf32>,
    } else {
    }
    %gt3A = arith.constant 0 : i32
    %gt3A_260 = arith.cmpi sgt, %arg0, %gt3A : i32
    %convert_element_type3A_261 = arith.extui %gt3A_260 : i1 to i32
    %cond3A_262 = arith.constant 0 : i32
    %cond3A_263 = arith.cmpi ne, %convert_element_type3A_261, %cond3A_262 : i32
    scf.if %cond3A_263 {
      %get3A_269 = arith.constant 0 : index
      %get3A_270 = arith.constant 0 : index
      %get3A_271 = vector.load %arg16[%get3A_269, %get3A_270] : memref<2x128xf32, #tpu.memory_space<vmem>>, vector<1x128xf32>
      %add3A_272 = arith.addf %get3A_271, %add3A_250 : vector<1x128xf32>
      %swap3A = arith.constant 0 : index
      %swap3A_273 = arith.constant 0 : index
      %swap3A_274 = vector.load %arg16[%swap3A, %swap3A_273] : memref<2x128xf32, #tpu.memory_space<vmem>>, vector<1x128xf32>
      tpu.vector_store %arg16[%swap3A, %swap3A_273], %add3A_272 {strides = array<i32>} : memref<2x128xf32, #tpu.memory_space<vmem>>, vector<1x128xf32>,
      %get3A_275 = arith.constant 1 : index
      %get3A_276 = arith.constant 0 : index
      %get3A_277 = vector.load %arg16[%get3A_275, %get3A_276] : memref<2x128xf32, #tpu.memory_space<vmem>>, vector<1x128xf32>
      %add3A_278 = arith.addf %get3A_277, %add3A_254 : vector<1x128xf32>
      %swap3A_279 = arith.constant 1 : index
      %swap3A_280 = arith.constant 0 : index
      %swap3A_281 = vector.load %arg16[%swap3A_279, %swap3A_280] : memref<2x128xf32, #tpu.memory_space<vmem>>, vector<1x128xf32>
      tpu.vector_store %arg16[%swap3A_279, %swap3A_280], %add3A_278 {strides = array<i32>} : memref<2x128xf32, #tpu.memory_space<vmem>>, vector<1x128xf32>,
    } else {
    }
    %eq3A_264 = arith.constant 19 : i32
    %eq3A_265 = arith.cmpi eq, %arg0, %eq3A_264 : i32
    %convert_element_type3A_266 = arith.extui %eq3A_265 : i1 to i32
    %cond3A_267 = arith.constant 0 : i32
    %cond3A_268 = arith.cmpi ne, %convert_element_type3A_266, %cond3A_267 : i32
    scf.if %cond3A_268 {
      %get3A_269 = arith.constant 0 : index
      %get3A_270 = arith.constant 0 : index
      %get3A_271 = vector.load %arg16[%get3A_269, %get3A_270] : memref<2x128xf32, #tpu.memory_space<vmem>>, vector<1x128xf32>
      %get3A_272 = arith.constant 1 : index
      %get3A_273 = arith.constant 0 : index
      %get3A_274 = vector.load %arg16[%get3A_272, %get3A_273] : memref<2x128xf32, #tpu.memory_space<vmem>>, vector<1x128xf32>
      %max3A = arith.constant 1.000000e+00 : f32
      %max3A_275 = vector.broadcast %max3A : f32 to vector<1x128xf32>
      %max3A_276 = arith.maximumf %get3A_274, %max3A_275 : vector<1x128xf32>
      %div3A_277 = arith.divf %get3A_271, %max3A_276 : vector<1x128xf32>
      %logistic3A = arith.negf %div3A_277 : vector<1x128xf32>
      %logistic3A_278 = math.exp %logistic3A : vector<1x128xf32>
      %logistic3A_279 = arith.constant 1.000000e+00 : f32
      %logistic3A_280 = vector.broadcast %logistic3A_279 : f32 to vector<1x128xf32>
      %logistic3A_281 = arith.addf %logistic3A_280, %logistic3A_278 : vector<1x128xf32>
      %logistic3A_282 = arith.divf %logistic3A_280, %logistic3A_281 : vector<1x128xf32>
      %swap3A = arith.constant 0 : index
      %swap3A_283 = arith.constant 0 : index
      %swap3A_284 = vector.load %arg15[%swap3A, %swap3A_283] : memref<1x128xf32, #tpu.memory_space<vmem>>, vector<1x128xf32>
      tpu.vector_store %arg15[%swap3A, %swap3A_283], %logistic3A_282 {strides = array<i32>} : memref<1x128xf32, #tpu.memory_space<vmem>>, vector<1x128xf32>,
    } else {
    }
    return
  }
  func.func @transform_0(%arg0: i32) -> i32 {
    %c0_i32 = arith.constant 0 : i32
    %c0_i32_0 = arith.constant 0 : i32
    return %c0_i32 : i32
  }
  func.func @transform_1(%arg0: i32) -> i32 {
    %c0_i32 = arith.constant 0 : i32
    %c0_i32_0 = arith.constant 0 : i32
    return %c0_i32 : i32
  }
  func.func @transform_2(%arg0: i32) -> (i32, i32) {
    %c0_i32 = arith.constant 0 : i32
    %c0_i32_0 = arith.constant 0 : i32
    return %arg0, %c0_i32 : i32, i32
  }
  func.func @transform_3(%arg0: i32) -> (i32, i32, i32) {
    %c0_i32 = arith.constant 0 : i32
    %c0_i32_0 = arith.constant 0 : i32
    %c0_i32_1 = arith.constant 0 : i32
    %c0_i32_2 = arith.constant 0 : i32
    return %c0_i32, %c0_i32_0, %c0_i32_1 : i32, i32, i32
  }
  func.func @transform_4(%arg0: i32) -> (i32, i32, i32) {
    %c0_i32 = arith.constant 0 : i32
    %c0_i32_0 = arith.constant 0 : i32
    %c0_i32_1 = arith.constant 0 : i32
    %c0_i32_2 = arith.constant 0 : i32
    return %c0_i32, %c0_i32_0, %c0_i32_1 : i32, i32, i32
  }
  func.func @transform_5(%arg0: i32) -> (i32, i32) {
    %c0_i32 = arith.constant 0 : i32
    %c0_i32_0 = arith.constant 0 : i32
    return %arg0, %c0_i32 : i32, i32
  }
  func.func @transform_6(%arg0: i32) -> (i32, i32, i32) {
    %c0_i32 = arith.constant 0 : i32
    %c0_i32_0 = arith.constant 0 : i32
    %c0_i32_1 = arith.constant 0 : i32
    %c0_i32_2 = arith.constant 0 : i32
    return %c0_i32, %c0_i32_0, %c0_i32_1 : i32, i32, i32
  }
  func.func @transform_7(%arg0: i32) -> (i32, i32) {
    %c0_i32 = arith.constant 0 : i32
    %c0_i32_0 = arith.constant 0 : i32
    return %arg0, %c0_i32 : i32, i32
  }
  func.func @transform_8(%arg0: i32) -> (i32, i32) {
    %c0_i32 = arith.constant 0 : i32
    %c0_i32_0 = arith.constant 0 : i32
    %c0_i32_1 = arith.constant 0 : i32
    return %c0_i32, %c0_i32_0 : i32, i32
  }
  func.func @transform_9(%arg0: i32) -> (i32, i32) {
    %c0_i32 = arith.constant 0 : i32
    %c0_i32_0 = arith.constant 0 : i32
    %c0_i32_1 = arith.constant 0 : i32
    return %c0_i32, %c0_i32_0 : i32, i32
  }
  func.func @transform_10(%arg0: i32) -> (i32, i32) {
    %c0_i32 = arith.constant 0 : i32
    %c0_i32_0 = arith.constant 0 : i32
    %c0_i32_1 = arith.constant 0 : i32
    return %c0_i32, %c0_i32_0 : i32, i32
  }
  func.func @transform_11(%arg0: i32) -> (i32, i32) {
    %c0_i32 = arith.constant 0 : i32
    %c0_i32_0 = arith.constant 0 : i32
    %c0_i32_1 = arith.constant 0 : i32
    return %c0_i32, %c0_i32_0 : i32, i32
  }
  func.func @transform_12(%arg0: i32) -> (i32, i32) {
    %c0_i32 = arith.constant 0 : i32
    %c0_i32_0 = arith.constant 0 : i32
    %c0_i32_1 = arith.constant 0 : i32
    return %c0_i32, %c0_i32_0 : i32, i32
  }
  func.func @transform_13(%arg0: i32) -> (i32, i32) {
    %c0_i32 = arith.constant 0 : i32
    %c0_i32_0 = arith.constant 0 : i32
    %c0_i32_1 = arith.constant 0 : i32
    return %c0_i32, %c0_i32_0 : i32, i32
  }
  func.func @transform_14(%arg0: i32) -> (i32, i32) {
    %c0_i32 = arith.constant 0 : i32
    %c0_i32_0 = arith.constant 0 : i32
    %c0_i32_1 = arith.constant 0 : i32
    return %c0_i32, %c0_i32_0 : i32, i32
  }
}

</mosaic_0001>

<sc_bundles>
// kernel: kernel.13.cloned.1.call-start
scs
__scs_entry_jumppad:
0x0: {  	(pc) =	sbr.rel $0x88, $3  }
0x1: {  	(tag) =	ssettag $0x0;
	lr =	simm.s32 $0x1  }
0x2: {  	[smem:$0x3F7F] =	sst lr;
	_ =	strace $0xD0000000  }
0x3: {  	_ = 	snop  }
0x4: {  	_ = 	snop  }
0x5: {  	_ = 	snop  }
0x6: {  	_ = 	snop  }
0x7: {  	_ = 	snop  }
__scs_overlays_trampoline_lowered:
0x8: {  	[smem:$0x3F8E] =	sst s0  }
0x9: {  	[smem:$0x3F8F] =	sst s1  }
0xa: {  	[smem:$0x3F90] =	sst s2  }
0xb: {  	[smem:$0x3F91] =	sst s3  }
0xc: {  	[smem:$0x3F92] =	sst s4  }
0xd: {  	[smem:$0x3F93] =	sst s5  }
0xe: {  	[smem:$0x3F94] =	sst s6  }
0xf: {  	[smem:$0x3F95] =	sst s7  }
0x10: {  	[smem:$0x3F96] =	sst s8  }
0x11: {  	[smem:$0x3F97] =	sst s9;
	s0 =	simm.s32 @!p0 $0x0  }
0x12: {  	s1 =	sld [smem:$0x3F7D];
	s0 =	simm.s32 @p0 $0x1  }
0x13: {  	[smem:$0x3F98] =	sst s0;
	s0 =	simm.s32 @!p1 $0x0  }
0x14: {  	s2 =	sld [smem:$0x3F7C];
	s0 =	simm.s32 @p1 $0x1  }
0x15: {  	[smem:$0x3F99] =	sst s0;
	s0 =	simm.s32 @!p2 $0x0  }
0x16: {  	s3 =	sld [smem:$0x3FDB];
	s0 =	simm.s32 @p2 $0x1  }
0x17: {  	s4 =	simm.s32 $0x1BF5;
	[smem:$0x3F9B] =	sst s0  }
0x18: {  	s0 =	sld [smem:$0x3F7E];
	_ =	swait.ge [sflag:s4], $0x0  }
0x19: {  	s7 =	sld [smem:$0x3F7F]  }
0x1a: {  	s8 =	sadd.s32 $0xFFFFE003, lr  }
0x1b: {  	s9 =	sadd.s32 $0xFFFFFEF7, lr;
	s5 =	simm.s32 $0xFFFFFFFF;
	p2 =	slt.u32 s8, $0xFFFFF086  }
0x1c: {  	p1 =	slt.u32 s9, $0xF7A;
	s5 =	simm.s32 @!p2 $0x0  }
0x1d: {  	s5 =	simm.s32 @p1 $0x1;
	p0 =	seq.s32 s7, s2  }
0x1e: {  	s7 =	smul.u32 @!p0 $0xF7A, s2;
	p2 =	seq.s32 @!p0 s5, $0x0  }
0x1f: {  	s9 =	smul.u32 $0xF7A, s1;
	s8 =	simm.s32 @!p0 $0x1BF5;
	p2 =	por !p2, p0  }
0x20: {  	[sflag:s8] =	ssyncset.s32 @!p0 $0xFFFFF086;
	s6 =	sadd.s32 @!p0 s3, s7;
	s7 =	simm.s32 @!p0 $0x108  }
0x21: {  	s3 =	sadd.s32 s3, s9;
	s6 =	sadd.s32 @!p0 $0x88, s6;
	s7 =	simm.s32 @p2 $0x1082  }
0x22: {  	[simem:s7], [sflag:s8] =	dma.local @!p0 [hbm:s6], $0xF7A  }
0x23: {  	s9 =	sor.u32 $0xD0000000, s2;
	s6 =	simm.s32 $0x108;
	_ =	swait.ge @!p0 [sflag:s8], $0x0  }
0x24: {  	s3 =	sadd.s32 $0x88, s3;
	s6 =	simm.s32 @!p1 $0x1082;
	[sflag:s4] =	ssyncset.s32 $0xFFFFF086  }
0x25: {  	[simem:s6], [sflag:s4] =	dma.local [hbm:s3], $0xF7A  }
0x26: {  	[smem:$0x3F7F] =	sst s1;
	(tag) =	ssettag s2;
	_ =	strace s9  }
0x27: {  	s1 =	sld [smem:$0x3F8F]  }
0x28: {  	s2 =	sld [smem:$0x3F90]  }
0x29: {  	s4 =	sld [smem:$0x3F92]  }
0x2a: {  	p0 =	seq.s32 s5, $0x0;
	s5 =	sld [smem:$0x3F93]  }
0x2b: {  	s6 =	sld [smem:$0x3F94]  }
0x2c: {  	s7 =	sld [smem:$0x3F95]  }
0x2d: {  	s3 =	simm.s32 $0x108;
	s8 =	sld [smem:$0x3F96]  }
0x2e: {  	s3 =	simm.s32 @!p0 $0x1082;
	s9 =	sld [smem:$0x3F97]  }
0x2f: {  	lr =	sadd.s32 s0, s3;
	s0 =	sld [smem:$0x3F8E]  }
0x30: {  	s3 =	sld [smem:$0x3F91]  }
0x31: {  	[smem:$0x3F9A] =	sst s10  }
0x32: {  	s10 =	sld [smem:$0x3F98];
	_ =	sdelay $0x3  }
0x33: {  	p0 =	seq.s32 s10, $0x1;
	s10 =	sld [smem:$0x3F9A];
	_ =	sdelay $0x3  }
0x34: {  	[smem:$0x3F9A] =	sst s10  }
0x35: {  	s10 =	sld [smem:$0x3F99];
	_ =	sdelay $0x3  }
0x36: {  	p1 =	seq.s32 s10, $0x1;
	s10 =	sld [smem:$0x3F9A];
	_ =	sdelay $0x3  }
0x37: {  	[smem:$0x3F9A] =	sst s10  }
0x38: {  	s10 =	sld [smem:$0x3F9B]  }
0x39: {  	_ = 	snop;
	(pc) =	sbr.ind lr, $3  }
0x3a: {  	_ = 	snop  }
0x3b: {  	_ = 	snop  }
0x3c: {  	p2 =	seq.s32 s10, $0x1;
	s10 =	sld [smem:$0x3F9A]  }
0x3d: {  	_ =	shalt  }
0x3e: {  	_ =	shalt  }
0x3f: {  	_ =	shalt  }
0x40: {  	_ =	shalt  }
0x41: {  	_ =	shalt  }
0x42: {  	_ =	shalt  }
0x43: {  	_ =	shalt  }
0x44: {  	_ =	shalt  }
0x45: {  	_ =	shalt  }
0x46: {  	_ =	shalt  }
0x47: {  	_ =	shalt  }
0x48: {  	_ =	shalt  }
0x49: {  	_ =	shalt  }
0x4a: {  	_ =	shalt  }
0x4b: {  	_ =	shalt  }
0x4c: {  	_ =	shalt  }
0x4d: {  	_ =	shalt  }
0x4e: {  	_ =	shalt  }
0x4f: {  	_ =	shalt  }
0x50: {  	_ =	shalt  }
0x51: {  	_ =	shalt  }
0x52: {  	_ =	shalt  }
0x53: {  	_ =	shalt  }
0x54: {  	_ =	shalt  }
0x55: {  	_ =	shalt  }
0x56: {  	_ =	shalt  }
0x57: {  	_ =	shalt  }
0x58: {  	_ =	shalt  }
0x59: {  	_ =	shalt  }
0x5a: {  	_ =	shalt  }
0x5b: {  	_ =	shalt  }
0x5c: {  	_ =	shalt  }
0x5d: {  	_ =	shalt  }
0x5e: {  	_ =	shalt  }
0x5f: {  	_ =	shalt  }
0x60: {  	_ =	shalt  }
0x61: {  	_ =	shalt  }
0x62: {  	_ =	shalt  }
0x63: {  	_ =	shalt  }
0x64: {  	_ =	shalt  }
0x65: {  	_ =	shalt  }
0x66: {  	_ =	shalt  }
0x67: {  	_ =	shalt  }
0x68: {  	_ =	shalt  }
0x69: {  	_ =	shalt  }
0x6a: {  	_ =	shalt  }
0x6b: {  	_ =	shalt  }
0x6c: {  	_ =	shalt  }
0x6d: {  	_ =	shalt  }
0x6e: {  	_ =	shalt  }
0x6f: {  	_ =	shalt  }
0x70: {  	_ =	shalt  }
0x71: {  	_ =	shalt  }
0x72: {  	_ =	shalt  }
0x73: {  	_ =	shalt  }
0x74: {  	_ =	shalt  }
0x75: {  	_ =	shalt  }
0x76: {  	_ =	shalt  }
0x77: {  	_ =	shalt  }
0x78: {  	_ =	shalt  }
0x79: {  	_ =	shalt  }
0x7a: {  	_ =	shalt  }
0x7b: {  	_ =	shalt  }
0x7c: {  	_ =	shalt  }
0x7d: {  	_ =	shalt  }
0x7e: {  	_ =	shalt  }
0x7f: {  	_ =	shalt  }
0x80: {  	_ =	shalt  }
0x81: {  	_ =	shalt  }
0x82: {  	_ =	shalt  }
0x83: {  	_ =	shalt  }
0x84: {  	_ =	shalt  }
0x85: {  	_ =	shalt  }
0x86: {  	_ =	shalt  }
0x87: {  	_ =	shalt  }
.Lfunc_end0:
.L_simem_size_0:
called_computation_lowered:
.L_overlay_start_0:
0x88: {  	s2 =	sld [smem:$0x3FD9]  }
0x89: {  	s3 =	sld [smem:$0x3FFE];
	_ =	sdelay $0x1  }
0x8a: {  	s1 =	srdreg.scid  }
0x8b: {  	s0 =	sand.u32 $0x1, s1  }
0x8c: {  	s16 =	sshll.u32 s0, $0xA;
	s2 =	sadd.s32 s3, s2  }
0x8d: {  	s2 =	sadd.s32 s2, s16  }
0x8e: {  	[smem:$0x3FA6] =	sst s2  }
0x8f: {  	_ = 	snop  }
0x90: {  	(tm) =	ssettm $0x1  }
0x91: {  	s17 =	sld [smem:$0x3FFB];
	_ =	sdelay $0x3  }
0x92: {  	_ =	strace s17  }
0x93: {  	s2 =	sld [smem:$0x3FFC];
	_ =	sdelay $0x3  }
0x94: {  	_ =	strace s2  }
0x95: {  	s2 =	sld [smem:$0x3FFD];
	_ =	sdelay $0x3  }
0x96: {  	_ =	strace s2  }
0x97: {  	_ =	strace $0x8FFFFFFF  }
0x98: {  	s18 =	sld [smem:$0x3FDB];
	_ =	sdelay $0x1  }
0x99: {  	s19 =	simm.s32 $_scs_section_size  }
0x9a: {  	s4 =	simm.s32 $_size__tile_overlayer_lowered;
	s5 =	simm.s32 $_tile_overlayer_lowered  }
0x9b: {  	s22 =	simm.s32 $0x1BFF;
	s21 =	sshll.u32 s5, $0x1;
	s2 =	sadd.s32 s19, s18  }
0x9c: {  	s6 =	simm.s32 $0x0;
	s20 =	sshll.u32 s4, $0x1;
	s4 =	sadd.s32 s21, s2  }
0x9d: {  	[timem:s6], [sflag:s22] =	dma.local [hbm:s4], s20  }
0x9e: {  	_ =	swait.ge [sflag:s22], s20  }
0x9f: {  	s3 =	ssub.s32 $0x0, s20;
	[sflag:s22] =	ssyncset.done $0x0  }
0xa0: {  	[sflag:s22] =	ssyncadd.s32 s3;
	_ =	sdelay $0x1  }
0xa1: {  	s23 =	simm.s32 $0x1B8B  }
0xa2: {  	_ =	swait.ge [sflag:s23], $0x1  }
0xa3: {  	[sflag:s23] =	ssyncset.done $0x0  }
0xa4: {  	s25 =	simm.s32 $0x1B8E;
	s24 =	sld [smem:$0x3FFE];
	[sflag:s23] =	ssyncadd.s32 $0xFFFFFFFF  }
0xa5: {  	s26 =	simm.s32 $execute0_lowered;
	[smem:$0x3FD2] =	sst s25  }
0xa6: {  	s4 =	sshll.u32 s26, $0x1;
	_ =	strace $0x80000046;
	[dreg:$0x1] =	wrdreg $0xFFFFFFFF  }
0xa7: {  	s28 =	simm.s32 $_size_execute0_lowered;
	s2 =	sadd.s32 s2, s4;
	[dreg:$0x0] =	wrdreg $0x0  }
0xa8: {  	s4 =	sshll.u32 s28, $0x1;
	[dreg:$0x2] =	wrdreg s2  }
0xa9: {  	[dreg:$0x3] =	wrdreg s4  }
0xaa: {  	[dreg:$0x4] =	wrdreg $0xC0  }
0xab: {  	_ =	task [dreg:s6], $0x5FFFF  }
0xac: {  	[dreg:$0x1] =	wrdreg $0xFFFFFFFF  }
0xad: {  	[dreg:$0x0] =	wrdreg $0x60  }
0xae: {  	[dreg:$0x2] =	wrdreg s24  }
0xaf: {  	[dreg:$0x3] =	wrdreg $0x24000  }
0xb0: {  	[dreg:$0x4] =	wrdreg $0x9  }
0xb1: {  	_ =	task.clear_ibuf [dreg:s6], $0x5FFFF;
	_ =	strace $0x90000046  }
0xb2: {  	s29 =	simm.s32 $0x9;
	_ =	strace $0x80000048  }
0xb3: {  	_ =	swait.ge [sflag:s29], $0x1  }
0xb4: {  	[sflag:s29] =	ssyncadd.s32 $0xFFFFFFFF  }
0xb5: {  	_ =	strace $0x90000048  }
0xb6: {  	_ =	sfence  }
0xb7: {  	s30 =	sld [smem:$0x0];
	_ =	sdelay $0x2  }
0xb8: {  	s31 =	sshll.u32 s1, $0xD;
	s1 =	sshrl.u32 s1, $0x2  }
0xb9: {  	s3 =	sand.u32 $0x4000, s31;
	s1 =	sadd.s32 s1, s30  }
0xba: {  	s0 =	sor.u32 s3, s0;
	s1 =	sshll.u32 s1, $0x11  }
0xbb: {  	s0 =	sor.u32 s1, s0  }
0xbc: {  	s0 =	sadd.s32 $0x8F2B, s0  }
0xbd: {  	[sflag:s0] =	ssyncadd.remote.s32 $0x1  }
0xbe: {  	_ =	sfence.sel $0xFFFF  }
0xbf: {  	[dreg:$0x0] =	wrdreg $0xFFFFFFFF;
	(pc) =	sbr.abs _section_cstart, $3  }
0xc0: {  	[dreg:$0x1] =	wrdreg $0xFFFFFFFF  }
0xc1: {  	_ =	task.clear_ibuf [dreg:s6], $0x2FFFF;
	_ =	strace $0x9FFFFFFF  }
0xc2: {  	(tm) =	ssettm $0x7FFFFFFF  }
0xc3: {  	_ =	shalt  }
tec
execute0_lowered:
.L_overlay_start_1:
0x0: {  	(tag) =	ssettag $0x1  }
0x1: {  	s5 =	rddreg [dreg:$0x0]  }
0x2: {  	s2 =	rddreg [dreg:$0x1]  }
0x3: {  	s0 =	rddreg [dreg:$0x2]  }
0x4: {  	s4 =	srdreg.scid;
	s1 =	stileid.u32  }
0x5: {  	s3 =	simm.s32 $0x0;
	s12 =	simm.s32 $0x16600;
	s13 =	simm.s32 $0x80  }
0x6: {  	s14 =	simm.s32 $0x0;
	s7 =	sand.u32 $0x1, s4;
	s29 =	sshll.u32 s1, $0x1  }
0x7: {  	[smem:$0x7FF] =	sst s3;
	s6 =	smul.u32 $0x5000, s1;
	s31 =	sshll.u32 s1, $0x6  }
0x8: {  	s4 =	sor.u32 s7, s29;
	_ =	strace $0x80000047;
	s9 =	ssub.s32 $0x2, s7  }
0x9: {  	p0 =	seq.s32 s7, $0x1;
	s8 =	smul.u32 $0x280, s4;
	s4 =	sadd.s32 $0x16400, s5  }
0xa: {  	s10 =	sshrl.u32 s6, $0x3;
	s11 =	sshrl.u32 s9, $0x1;
	s30 =	sadd.s32 s6, s2  }
0xb: {  	s6 =	sor.u32 $0x1C01, s31;
	s12 =	simm.s32 @!p0 $0x20600;
	s10 =	sadd.s32 s10, s5  }
0xc: {  	s9 =	ssub.s32 s9, s11;
	s11 =	simm.s32 $0x1;
	s8 =	sadd.s32 s8, s5  }
0xd: {  	s5 =	sadd.s32 $0xC400, s10;
	s7 =	sadd.s32 $0x7400, s8;
	s8 =	smax.u32 s9, $0x1  }
0xe: {  	s9 =	sadd.s32 s12, s10;
	s10 =	sshrl.u32 s30, $0x3;
	s12 =	simm.s32 $0x1400  }
.LBB2_1:
0xf: {  	[spmem:s10], [sflag:s6] =	dma.local [hbm:s5], $0xA00  }
0x10: {  	_ =	swait.ge [sflag:s11], $0xA00  }
0x11: {  	[sflag:s11] =	ssyncset.done $0x0  }
0x12: {  	[sflag:s11] =	ssyncadd.s32 $0xFFFFF600  }
0x13: {  	[tilespmem:s12], [sflag:$0x1] =	stream.linear.gather [hbm4b:s4+s3], $0x1000, $0x38;
	[tilespmem:$0x7400] =	vst v63  }
0x14: {  	_ =	swait.ge [sflag:s11], $0x1000  }
0x15: {  	[sflag:s11] =	ssyncset.done $0x0  }
0x16: {  	[sflag:s11] =	ssyncadd.s32 $0xFFFFF000  }
0x17: {  	[bflag:$0x0] =	sbarrier.arrive $0xFFFF  }
0x18: {  	[tilespmem:s3], [sflag:$0x1] =	stream.linear.gather [hbm4b:s7+s3], $0x1400, $0x38;
	[tilespmem:$0x7400] =	vst v63  }
0x19: {  	_ =	swait.ge [sflag:s11], $0x1400  }
0x1a: {  	[sflag:s11] =	ssyncset.done $0x0  }
0x1b: {  	s15 =	simm.s32 $0x0;
	[sflag:s11] =	ssyncadd.s32 $0xFFFFEC00  }
0x1c: {  	[spmem:s2] =	stream.indirect.scatter.add.f32 [tilespmem:s12], [sflag:$0x1], $0x20, s15, s13, $0xb8;
	[tilespmem:$0x7400] =	vst v63  }
0x1d: {  	_ =	swait.ge [sflag:s11], $0x1000  }
0x1e: {  	s15 =	simm.s32 $0x200;
	[sflag:s11] =	ssyncset.done $0x0  }
.LBB2_2:
0x1f: {  	s16 =	sshra.s32 s15, $0x2;
	[sflag:s11] =	ssyncadd.s32 $0xFFFFF000;
	p0 =	sne.s32 s15, $0x4E00  }
0x20: {  	[spmem:s2] =	stream.indirect.scatter.add.f32 [tilespmem:s12], [sflag:$0x1], $0x20, s16, s13, $0xb8;
	[tilespmem:$0x7400] =	vst v63  }
.Ltmp0:
0x21: {  	_ = 	snop;
	(pc) =	sbr.rel @p0 .LBB2_2-.Ltmp0, $4  }
0x22: {  	_ = 	snop  }
0x23: {  	s15 =	sadd.s32 $0x200, s15  }
0x24: {  	_ =	swait.ge [sflag:s11], $0x1000  }
0x25: {  	[sflag:s11] =	ssyncset.done $0x0  }
0x26: {  	s14 =	sadd.s32 $0x1, s14  }
0x27: {  	[sflag:s11] =	ssyncadd.s32 $0xFFFFF000;
	p0 =	sne.s32 s14, s8  }
.Ltmp1:
0x28: {  	[bflag:$0x0] =	sbarrier.arrive $0xFFFF;
	(pc) =	sbr.rel @p0 .LBB2_1-.Ltmp1, $4  }
0x29: {  	[hbm:s9], [sflag:s6] =	dma.local [spmem:s10], $0xA00  }
0x2a: {  	_ =	swait.ge [sflag:s11], $0xA00  }
0x2b: {  	[sflag:s11] =	ssyncset.done $0x0  }
0x2c: {  	[sflag:s11] =	ssyncadd.s32 $0xFFFFF600  }
0x2d: {  	_ =	sfence.sel $0x180000  }
0x2e: {  	[bflag:$0x0] =	sbarrier.arrive $0xFFFF  }
0x2f: {  	p0 =	sne.s32 s1, $0x0;
	_ =	strace $0x90000047  }
0x30: {  	s0 =	sadd.s32 @!p0 $0x100000, s0;
	[bflag:$0x2] =	sbarrier.arrive $0xFFFF  }
0x31: {  	[sflag:s0] =	ssyncadd.tile.s32 @!p0 $0x1;
	_ =	shalt  }
.Lfunc_end2:
_tile_overlayer_lowered:
.L_overlay_start_2:
0x32: {  	(tag) =	ssettag $0x2  }
0x33: {  	s0 =	rddreg [dreg:$0x0];
	s2 =	stileid.u32  }
0x34: {  	s1 =	rddreg [dreg:$0x1];
	p0 =	sne.s32 s2, $0x0  }
0x35: {  	s3 =	rddreg [dreg:$0x2];
	[bflag:$0x3] =	sbarrier.arrive $0xFFFF;
	s2 =	simm.s32 @!p0 $0x1C01  }
0x36: {  	[timem:s3], [sflag:s2] =	dma.local @!p0 [hbm:s0], s1  }
0x37: {  	s0 =	simm.s32 @!p0 $0x1  }
0x38: {  	_ =	swait.ge @!p0 [sflag:s0], s1  }
0x39: {  	s1 =	ssub.s32 @!p0 $0x0, s1;
	[sflag:s0] =	ssyncset.done @!p0 $0x0  }
0x3a: {  	[sflag:s0] =	ssyncadd.s32 @!p0 s1  }
0x3b: {  	[bflag:$0x3] =	sbarrier.arrive $0xFFFF  }
0x3c: {  	_ =	shalt  }

// kernel: kernel.16.cloned.1.call-start
scs
__scs_entry_jumppad:
0x0: {  	(pc) =	sbr.rel $0x88, $3  }
0x1: {  	(tag) =	ssettag $0x0;
	lr =	simm.s32 $0x1  }
0x2: {  	[smem:$0x3F7F] =	sst lr;
	_ =	strace $0xD0000000  }
0x3: {  	_ = 	snop  }
0x4: {  	_ = 	snop  }
0x5: {  	_ = 	snop  }
0x6: {  	_ = 	snop  }
0x7: {  	_ = 	snop  }
__scs_overlays_trampoline_lowered:
0x8: {  	[smem:$0x3F8E] =	sst s0  }
0x9: {  	[smem:$0x3F8F] =	sst s1  }
0xa: {  	[smem:$0x3F90] =	sst s2  }
0xb: {  	[smem:$0x3F91] =	sst s3  }
0xc: {  	[smem:$0x3F92] =	sst s4  }
0xd: {  	[smem:$0x3F93] =	sst s5  }
0xe: {  	[smem:$0x3F94] =	sst s6  }
0xf: {  	[smem:$0x3F95] =	sst s7  }
0x10: {  	[smem:$0x3F96] =	sst s8  }
0x11: {  	[smem:$0x3F97] =	sst s9;
	s0 =	simm.s32 @!p0 $0x0  }
0x12: {  	s1 =	sld [smem:$0x3F7D];
	s0 =	simm.s32 @p0 $0x1  }
0x13: {  	[smem:$0x3F98] =	sst s0;
	s0 =	simm.s32 @!p1 $0x0  }
0x14: {  	s2 =	sld [smem:$0x3F7C];
	s0 =	simm.s32 @p1 $0x1  }
0x15: {  	[smem:$0x3F99] =	sst s0;
	s0 =	simm.s32 @!p2 $0x0  }
0x16: {  	s3 =	sld [smem:$0x3FDB];
	s0 =	simm.s32 @p2 $0x1  }
0x17: {  	s4 =	simm.s32 $0x1BF5;
	[smem:$0x3F9B] =	sst s0  }
0x18: {  	s0 =	sld [smem:$0x3F7E];
	_ =	swait.ge [sflag:s4], $0x0  }
0x19: {  	s7 =	sld [smem:$0x3F7F]  }
0x1a: {  	s8 =	sadd.s32 $0xFFFFE003, lr  }
0x1b: {  	s9 =	sadd.s32 $0xFFFFFEF7, lr;
	s5 =	simm.s32 $0xFFFFFFFF;
	p2 =	slt.u32 s8, $0xFFFFF086  }
0x1c: {  	p1 =	slt.u32 s9, $0xF7A;
	s5 =	simm.s32 @!p2 $0x0  }
0x1d: {  	s5 =	simm.s32 @p1 $0x1;
	p0 =	seq.s32 s7, s2  }
0x1e: {  	s7 =	smul.u32 @!p0 $0xF7A, s2;
	p2 =	seq.s32 @!p0 s5, $0x0  }
0x1f: {  	s9 =	smul.u32 $0xF7A, s1;
	s8 =	simm.s32 @!p0 $0x1BF5;
	p2 =	por !p2, p0  }
0x20: {  	[sflag:s8] =	ssyncset.s32 @!p0 $0xFFFFF086;
	s6 =	sadd.s32 @!p0 s3, s7;
	s7 =	simm.s32 @!p0 $0x108  }
0x21: {  	s3 =	sadd.s32 s3, s9;
	s6 =	sadd.s32 @!p0 $0x88, s6;
	s7 =	simm.s32 @p2 $0x1082  }
0x22: {  	[simem:s7], [sflag:s8] =	dma.local @!p0 [hbm:s6], $0xF7A  }
0x23: {  	s9 =	sor.u32 $0xD0000000, s2;
	s6 =	simm.s32 $0x108;
	_ =	swait.ge @!p0 [sflag:s8], $0x0  }
0x24: {  	s3 =	sadd.s32 $0x88, s3;
	s6 =	simm.s32 @!p1 $0x1082;
	[sflag:s4] =	ssyncset.s32 $0xFFFFF086  }
0x25: {  	[simem:s6], [sflag:s4] =	dma.local [hbm:s3], $0xF7A  }
0x26: {  	[smem:$0x3F7F] =	sst s1;
	(tag) =	ssettag s2;
	_ =	strace s9  }
0x27: {  	s1 =	sld [smem:$0x3F8F]  }
0x28: {  	s2 =	sld [smem:$0x3F90]  }
0x29: {  	s4 =	sld [smem:$0x3F92]  }
0x2a: {  	p0 =	seq.s32 s5, $0x0;
	s5 =	sld [smem:$0x3F93]  }
0x2b: {  	s6 =	sld [smem:$0x3F94]  }
0x2c: {  	s7 =	sld [smem:$0x3F95]  }
0x2d: {  	s3 =	simm.s32 $0x108;
	s8 =	sld [smem:$0x3F96]  }
0x2e: {  	s3 =	simm.s32 @!p0 $0x1082;
	s9 =	sld [smem:$0x3F97]  }
0x2f: {  	lr =	sadd.s32 s0, s3;
	s0 =	sld [smem:$0x3F8E]  }
0x30: {  	s3 =	sld [smem:$0x3F91]  }
0x31: {  	[smem:$0x3F9A] =	sst s10  }
0x32: {  	s10 =	sld [smem:$0x3F98];
	_ =	sdelay $0x3  }
0x33: {  	p0 =	seq.s32 s10, $0x1;
	s10 =	sld [smem:$0x3F9A];
	_ =	sdelay $0x3  }
0x34: {  	[smem:$0x3F9A] =	sst s10  }
0x35: {  	s10 =	sld [smem:$0x3F99];
	_ =	sdelay $0x3  }
0x36: {  	p1 =	seq.s32 s10, $0x1;
	s10 =	sld [smem:$0x3F9A];
	_ =	sdelay $0x3  }
0x37: {  	[smem:$0x3F9A] =	sst s10  }
0x38: {  	s10 =	sld [smem:$0x3F9B]  }
0x39: {  	_ = 	snop;
	(pc) =	sbr.ind lr, $3  }
0x3a: {  	_ = 	snop  }
0x3b: {  	_ = 	snop  }
0x3c: {  	p2 =	seq.s32 s10, $0x1;
	s10 =	sld [smem:$0x3F9A]  }
0x3d: {  	_ =	shalt  }
0x3e: {  	_ =	shalt  }
0x3f: {  	_ =	shalt  }
0x40: {  	_ =	shalt  }
0x41: {  	_ =	shalt  }
0x42: {  	_ =	shalt  }
0x43: {  	_ =	shalt  }
0x44: {  	_ =	shalt  }
0x45: {  	_ =	shalt  }
0x46: {  	_ =	shalt  }
0x47: {  	_ =	shalt  }
0x48: {  	_ =	shalt  }
0x49: {  	_ =	shalt  }
0x4a: {  	_ =	shalt  }
0x4b: {  	_ =	shalt  }
0x4c: {  	_ =	shalt  }
0x4d: {  	_ =	shalt  }
0x4e: {  	_ =	shalt  }
0x4f: {  	_ =	shalt  }
0x50: {  	_ =	shalt  }
0x51: {  	_ =	shalt  }
0x52: {  	_ =	shalt  }
0x53: {  	_ =	shalt  }
0x54: {  	_ =	shalt  }
0x55: {  	_ =	shalt  }
0x56: {  	_ =	shalt  }
0x57: {  	_ =	shalt  }
0x58: {  	_ =	shalt  }
0x59: {  	_ =	shalt  }
0x5a: {  	_ =	shalt  }
0x5b: {  	_ =	shalt  }
0x5c: {  	_ =	shalt  }
0x5d: {  	_ =	shalt  }
0x5e: {  	_ =	shalt  }
0x5f: {  	_ =	shalt  }
0x60: {  	_ =	shalt  }
0x61: {  	_ =	shalt  }
0x62: {  	_ =	shalt  }
0x63: {  	_ =	shalt  }
0x64: {  	_ =	shalt  }
0x65: {  	_ =	shalt  }
0x66: {  	_ =	shalt  }
0x67: {  	_ =	shalt  }
0x68: {  	_ =	shalt  }
0x69: {  	_ =	shalt  }
0x6a: {  	_ =	shalt  }
0x6b: {  	_ =	shalt  }
0x6c: {  	_ =	shalt  }
0x6d: {  	_ =	shalt  }
0x6e: {  	_ =	shalt  }
0x6f: {  	_ =	shalt  }
0x70: {  	_ =	shalt  }
0x71: {  	_ =	shalt  }
0x72: {  	_ =	shalt  }
0x73: {  	_ =	shalt  }
0x74: {  	_ =	shalt  }
0x75: {  	_ =	shalt  }
0x76: {  	_ =	shalt  }
0x77: {  	_ =	shalt  }
0x78: {  	_ =	shalt  }
0x79: {  	_ =	shalt  }
0x7a: {  	_ =	shalt  }
0x7b: {  	_ =	shalt  }
0x7c: {  	_ =	shalt  }
0x7d: {  	_ =	shalt  }
0x7e: {  	_ =	shalt  }
0x7f: {  	_ =	shalt  }
0x80: {  	_ =	shalt  }
0x81: {  	_ =	shalt  }
0x82: {  	_ =	shalt  }
0x83: {  	_ =	shalt  }
0x84: {  	_ =	shalt  }
0x85: {  	_ =	shalt  }
0x86: {  	_ =	shalt  }
0x87: {  	_ =	shalt  }
.Lfunc_end0:
.L_simem_size_0:
called_computation.1_lowered:
.L_overlay_start_0:
0x88: {  	s2 =	sld [smem:$0x3FD9]  }
0x89: {  	s3 =	sld [smem:$0x3FFE];
	_ =	sdelay $0x1  }
0x8a: {  	s1 =	srdreg.scid  }
0x8b: {  	s0 =	sand.u32 $0x1, s1  }
0x8c: {  	s16 =	sshll.u32 s0, $0xA;
	s2 =	sadd.s32 s3, s2  }
0x8d: {  	s2 =	sadd.s32 s2, s16  }
0x8e: {  	[smem:$0x3FA6] =	sst s2  }
0x8f: {  	_ = 	snop  }
0x90: {  	(tm) =	ssettm $0x1  }
0x91: {  	s17 =	sld [smem:$0x3FFB];
	_ =	sdelay $0x3  }
0x92: {  	_ =	strace s17  }
0x93: {  	s2 =	sld [smem:$0x3FFC];
	_ =	sdelay $0x3  }
0x94: {  	_ =	strace s2  }
0x95: {  	s2 =	sld [smem:$0x3FFD];
	_ =	sdelay $0x3  }
0x96: {  	_ =	strace s2  }
0x97: {  	_ =	strace $0x8FFFFFFF  }
0x98: {  	s18 =	sld [smem:$0x3FDB];
	_ =	sdelay $0x1  }
0x99: {  	s19 =	simm.s32 $_scs_section_size  }
0x9a: {  	s4 =	simm.s32 $_size__tile_overlayer_lowered;
	s5 =	simm.s32 $_tile_overlayer_lowered  }
0x9b: {  	s22 =	simm.s32 $0x1BFF;
	s21 =	sshll.u32 s5, $0x1;
	s2 =	sadd.s32 s19, s18  }
0x9c: {  	s6 =	simm.s32 $0x0;
	s20 =	sshll.u32 s4, $0x1;
	s4 =	sadd.s32 s21, s2  }
0x9d: {  	[timem:s6], [sflag:s22] =	dma.local [hbm:s4], s20  }
0x9e: {  	_ =	swait.ge [sflag:s22], s20  }
0x9f: {  	s3 =	ssub.s32 $0x0, s20;
	[sflag:s22] =	ssyncset.done $0x0  }
0xa0: {  	[sflag:s22] =	ssyncadd.s32 s3;
	_ =	sdelay $0x1  }
0xa1: {  	s23 =	simm.s32 $0x1B8B  }
0xa2: {  	_ =	swait.ge [sflag:s23], $0x1  }
0xa3: {  	[sflag:s23] =	ssyncset.done $0x0  }
0xa4: {  	s25 =	simm.s32 $0x1B8E;
	s24 =	sld [smem:$0x3FFE];
	[sflag:s23] =	ssyncadd.s32 $0xFFFFFFFF  }
0xa5: {  	s26 =	simm.s32 $execute0_lowered;
	[smem:$0x3FD2] =	sst s25  }
0xa6: {  	s4 =	sshll.u32 s26, $0x1;
	_ =	strace $0x80000049;
	[dreg:$0x1] =	wrdreg $0xFFFFFFFF  }
0xa7: {  	s28 =	simm.s32 $_size_execute0_lowered;
	s2 =	sadd.s32 s2, s4;
	[dreg:$0x0] =	wrdreg $0x0  }
0xa8: {  	s4 =	sshll.u32 s28, $0x1;
	[dreg:$0x2] =	wrdreg s2  }
0xa9: {  	[dreg:$0x3] =	wrdreg s4  }
0xaa: {  	[dreg:$0x4] =	wrdreg $0xC0  }
0xab: {  	_ =	task [dreg:s6], $0x5FFFF  }
0xac: {  	[dreg:$0x1] =	wrdreg $0xFFFFFFFF  }
0xad: {  	[dreg:$0x0] =	wrdreg $0x60  }
0xae: {  	[dreg:$0x2] =	wrdreg s24  }
0xaf: {  	[dreg:$0x3] =	wrdreg $0x48000  }
0xb0: {  	[dreg:$0x4] =	wrdreg $0x9  }
0xb1: {  	_ =	task.clear_ibuf [dreg:s6], $0x5FFFF;
	_ =	strace $0x90000049  }
0xb2: {  	s29 =	simm.s32 $0x9;
	_ =	strace $0x8000004B  }
0xb3: {  	_ =	swait.ge [sflag:s29], $0x1  }
0xb4: {  	[sflag:s29] =	ssyncadd.s32 $0xFFFFFFFF  }
0xb5: {  	_ =	strace $0x9000004B  }
0xb6: {  	_ =	sfence  }
0xb7: {  	s30 =	sld [smem:$0x0];
	_ =	sdelay $0x2  }
0xb8: {  	s31 =	sshll.u32 s1, $0xD;
	s1 =	sshrl.u32 s1, $0x2  }
0xb9: {  	s3 =	sand.u32 $0x4000, s31;
	s1 =	sadd.s32 s1, s30  }
0xba: {  	s0 =	sor.u32 s3, s0;
	s1 =	sshll.u32 s1, $0x11  }
0xbb: {  	s0 =	sor.u32 s1, s0  }
0xbc: {  	s0 =	sadd.s32 $0x8F2B, s0  }
0xbd: {  	[sflag:s0] =	ssyncadd.remote.s32 $0x1  }
0xbe: {  	_ =	sfence.sel $0xFFFF  }
0xbf: {  	[dreg:$0x0] =	wrdreg $0xFFFFFFFF;
	(pc) =	sbr.abs _section_cstart, $3  }
0xc0: {  	[dreg:$0x1] =	wrdreg $0xFFFFFFFF  }
0xc1: {  	_ =	task.clear_ibuf [dreg:s6], $0x2FFFF;
	_ =	strace $0x9FFFFFFF  }
0xc2: {  	(tm) =	ssettm $0x7FFFFFFF  }
0xc3: {  	_ =	shalt  }
tec
execute0_lowered:
.L_overlay_start_1:
0x0: {  	(tag) =	ssettag $0x1  }
0x1: {  	s5 =	rddreg [dreg:$0x0]  }
0x2: {  	s2 =	rddreg [dreg:$0x1]  }
0x3: {  	s0 =	rddreg [dreg:$0x2];
	s4 =	srdreg.scid  }
0x4: {  	s1 =	stileid.u32;
	s3 =	simm.s32 $0x0;
	s13 =	simm.s32 $0x1400  }
0x5: {  	s14 =	simm.s32 $0x80;
	s15 =	simm.s32 $0x2800;
	s16 =	simm.s32 $0x3800  }
0x6: {  	s17 =	simm.s32 $0x1;
	s18 =	simm.s32 $0x2;
	s19 =	simm.s32 $0x1380  }
0x7: {  	s20 =	simm.s32 $0x2700;
	s21 =	simm.s32 $0x2780;
	s22 =	simm.s32 $0x0  }
0x8: {  	s6 =	sand.u32 $0x1, s4;
	s28 =	sshll.u32 s1, $0x1;
	[smem:$0x7FF] =	sst s3  }
0x9: {  	s7 =	smul.u32 $0x5000, s1;
	s31 =	sshll.u32 s1, $0x6;
	s4 =	sor.u32 s6, s28  }
0xa: {  	_ =	strace $0x8000004A;
	s10 =	ssub.s32 $0x2, s6;
	p0 =	seq.s32 s6, $0x1  }
0xb: {  	s6 =	sor.u32 $0x1C03, s31;
	s8 =	smul.u32 $0x280, s4;
	s4 =	sadd.s32 $0x16400, s5  }
0xc: {  	s9 =	sshrl.u32 s7, $0x3;
	s29 =	sshrl.u32 s10, $0x1;
	s12 =	sadd.s32 s7, s2  }
0xd: {  	s11 =	sadd.s32 s9, s5;
	s30 =	ssub.s32 s10, s29;
	s10 =	simm.s32 $0x20400  }
0xe: {  	s8 =	sadd.s32 s8, s5;
	s5 =	sadd.s32 $0xC400, s11;
	s10 =	simm.s32 @!p0 $0xA7600  }
0xf: {  	s9 =	smax.u32 s30, $0x1;
	s7 =	sadd.s32 $0x2A600, s8;
	s8 =	sadd.s32 $0x7400, s8  }
0x10: {  	s10 =	sadd.s32 s10, s11;
	s11 =	sshrl.u32 s12, $0x3;
	s12 =	simm.s32 $0x3  }
.LBB2_1:
0x11: {  	[spmem:s11], [sflag:s6] =	dma.local [hbm:s5], $0xA00  }
0x12: {  	_ =	swait.ge [sflag:s12], $0xA00  }
0x13: {  	[sflag:s12] =	ssyncset.done $0x0  }
0x14: {  	[sflag:s12] =	ssyncadd.s32 $0xFFFFF600  }
0x15: {  	[bflag:$0x0] =	sbarrier.arrive $0xFFFF  }
0x16: {  	[tilespmem:s3], [sflag:$0x3] =	stream.linear.gather [hbm4b:s7+s3], $0x1400, $0x38;
	[tilespmem:$0x9800] =	vst v63  }
0x17: {  	_ =	swait.ge [sflag:s12], $0x1400  }
0x18: {  	[sflag:s12] =	ssyncset.done $0x0  }
0x19: {  	[sflag:s12] =	ssyncadd.s32 $0xFFFFEC00  }
0x1a: {  	[tilespmem:s13], [sflag:$0x3] =	stream.linear.gather [hbm4b:s8+s3], $0x1400, $0x38;
	[tilespmem:$0x9800] =	vst v63  }
0x1b: {  	_ =	swait.ge [sflag:s12], $0x1400  }
0x1c: {  	[sflag:s12] =	ssyncset.done $0x0  }
0x1d: {  	[sflag:s12] =	ssyncadd.s32 $0xFFFFEC00  }
0x1e: {  	[tilespmem:s15], [sflag:$0x1] =	stream.indirect.gather [hbm4b:s4+s14], $0x20, s3, s14, $0xb8;
	[tilespmem:$0x9800] =	vst v63  }
0x1f: {  	s23 =	simm.s32 $0x80  }
0x20: {  	[tilespmem:s16], [sflag:$0x2] =	stream.indirect.gather [hbm4b:s4+s14], $0x20, s23, s14, $0xb8;
	[tilespmem:$0x9800] =	vst v63  }
0x21: {  	_ =	swait.ge [sflag:s17], $0x1000  }
0x22: {  	[sflag:s17] =	ssyncset.done $0x0  }
0x23: {  	s29 =	simm.s32 $0x1400;
	[sflag:s17] =	ssyncadd.s32 $0xFFFFF000  }
0x24: {  	[spmem:s2] =	stream.indirect.scatter.add.f32 [tilespmem:s15], [sflag:$0x3], $0x20, s29, s14, $0xb8;
	[tilespmem:$0x9800] =	vst v63  }
0x25: {  	_ =	swait.ge [sflag:s12], $0x1000  }
0x26: {  	[sflag:s12] =	ssyncset.done $0x0  }
0x27: {  	s30 =	simm.s32 $0x100;
	[sflag:s12] =	ssyncadd.s32 $0xFFFFF000  }
0x28: {  	[tilespmem:s15], [sflag:$0x1] =	stream.indirect.gather [hbm4b:s4+s14], $0x20, s30, s14, $0xb8;
	[tilespmem:$0x9800] =	vst v63  }
0x29: {  	_ =	swait.ge [sflag:s18], $0x1000  }
0x2a: {  	[sflag:s18] =	ssyncset.done $0x0  }
0x2b: {  	s31 =	simm.s32 $0x1480;
	[sflag:s18] =	ssyncadd.s32 $0xFFFFF000  }
0x2c: {  	[spmem:s2] =	stream.indirect.scatter.add.f32 [tilespmem:s16], [sflag:$0x3], $0x20, s31, s14, $0xb8;
	[tilespmem:$0x9800] =	vst v63  }
0x2d: {  	_ =	swait.ge [sflag:s12], $0x1000  }
0x2e: {  	s24 =	simm.s32 $0x800;
	s23 =	simm.s32 $0x100;
	[sflag:s12] =	ssyncset.done $0x0  }
.LBB2_2:
0x2f: {  	s25 =	sadd.s32 $0x80, s23  }
0x30: {  	[sflag:s12] =	ssyncadd.s32 $0xFFFFF000;
	s26 =	smov.u32 s24;
	s28 =	sadd.s32 $0x400, s24  }
0x31: {  	[tilespmem:s16], [sflag:$0x2] =	stream.indirect.gather [hbm4b:s4+s14], $0x20, s25, s14, $0xb8;
	[tilespmem:$0x9800] =	vst v63  }
0x32: {  	p0 =	sne.s32 s24, $0x4800;
	_ =	swait.ge [sflag:s17], $0x1000  }
0x33: {  	[sflag:s17] =	ssyncset.done $0x0  }
0x34: {  	s24 =	sadd.s32 $0x1400, s23;
	[sflag:s17] =	ssyncadd.s32 $0xFFFFF000  }
0x35: {  	[spmem:s2] =	stream.indirect.scatter.add.f32 [tilespmem:s15], [sflag:$0x3], $0x20, s24, s14, $0xb8;
	[tilespmem:$0x9800] =	vst v63  }
0x36: {  	_ =	swait.ge [sflag:s12], $0x1000  }
0x37: {  	[sflag:s12] =	ssyncset.done $0x0  }
0x38: {  	s24 =	sadd.s32 $0x100, s23;
	[sflag:s12] =	ssyncadd.s32 $0xFFFFF000  }
0x39: {  	[tilespmem:s15], [sflag:$0x1] =	stream.indirect.gather [hbm4b:s4+s14], $0x20, s24, s14, $0xb8;
	[tilespmem:$0x9800] =	vst v63  }
0x3a: {  	_ =	swait.ge [sflag:s18], $0x1000  }
.Ltmp0:
0x3b: {  	[sflag:s18] =	ssyncset.done $0x0;
	(pc) =	sbr.rel @p0 .LBB2_2-.Ltmp0, $4  }
0x3c: {  	s23 =	sadd.s32 $0x1480, s23;
	[sflag:s18] =	ssyncadd.s32 $0xFFFFF000  }
0x3d: {  	[spmem:s2] =	stream.indirect.scatter.add.f32 [tilespmem:s16], [sflag:$0x3], $0x20, s23, s14, $0xb8;
	[tilespmem:$0x9800] =	vst v63  }
0x3e: {  	_ =	swait.ge [sflag:s12], $0x1000  }
0x3f: {  	s24 =	smov.u32 s28;
	s23 =	sshra.s32 s26, $0x2;
	[sflag:s12] =	ssyncset.done $0x0  }
0x40: {  	s24 =	sadd.s32 $0x80, s23;
	[sflag:s12] =	ssyncadd.s32 $0xFFFFF000  }
0x41: {  	[tilespmem:s16], [sflag:$0x2] =	stream.indirect.gather [hbm4b:s4+s14], $0x20, s24, s14, $0xb8;
	[tilespmem:$0x9800] =	vst v63  }
0x42: {  	_ =	swait.ge [sflag:s17], $0x1000  }
0x43: {  	[sflag:s17] =	ssyncset.done $0x0  }
0x44: {  	s29 =	sadd.s32 $0x1400, s23;
	[sflag:s17] =	ssyncadd.s32 $0xFFFFF000  }
0x45: {  	[spmem:s2] =	stream.indirect.scatter.add.f32 [tilespmem:s15], [sflag:$0x3], $0x20, s29, s14, $0xb8;
	[tilespmem:$0x9800] =	vst v63  }
0x46: {  	_ =	swait.ge [sflag:s12], $0x1000  }
0x47: {  	[sflag:s12] =	ssyncset.done $0x0  }
0x48: {  	s30 =	sadd.s32 $0x100, s23;
	[sflag:s12] =	ssyncadd.s32 $0xFFFFF000  }
0x49: {  	[tilespmem:s15], [sflag:$0x1] =	stream.indirect.gather [hbm4b:s4+s14], $0x20, s30, s14, $0xb8;
	[tilespmem:$0x9800] =	vst v63  }
0x4a: {  	_ =	swait.ge [sflag:s18], $0x1000  }
0x4b: {  	[sflag:s18] =	ssyncset.done $0x0  }
0x4c: {  	s31 =	sadd.s32 $0x1480, s23;
	[sflag:s18] =	ssyncadd.s32 $0xFFFFF000  }
0x4d: {  	[spmem:s2] =	stream.indirect.scatter.add.f32 [tilespmem:s16], [sflag:$0x3], $0x20, s31, s14, $0xb8;
	[tilespmem:$0x9800] =	vst v63  }
0x4e: {  	_ =	swait.ge [sflag:s12], $0x1000  }
0x4f: {  	[sflag:s12] =	ssyncset.done $0x0  }
0x50: {  	[sflag:s12] =	ssyncadd.s32 $0xFFFFF000  }
0x51: {  	[tilespmem:s16], [sflag:$0x2] =	stream.indirect.gather [hbm4b:s4+s14], $0x20, s19, s14, $0xb8;
	[tilespmem:$0x9800] =	vst v63  }
0x52: {  	_ =	swait.ge [sflag:s17], $0x1000  }
0x53: {  	[sflag:s17] =	ssyncset.done $0x0  }
0x54: {  	[sflag:s17] =	ssyncadd.s32 $0xFFFFF000  }
0x55: {  	[spmem:s2] =	stream.indirect.scatter.add.f32 [tilespmem:s15], [sflag:$0x3], $0x20, s20, s14, $0xb8;
	[tilespmem:$0x9800] =	vst v63  }
0x56: {  	_ =	swait.ge [sflag:s12], $0x1000  }
0x57: {  	[sflag:s12] =	ssyncset.done $0x0  }
0x58: {  	[sflag:s12] =	ssyncadd.s32 $0xFFFFF000  }
0x59: {  	_ =	swait.ge [sflag:s18], $0x1000  }
0x5a: {  	[sflag:s18] =	ssyncset.done $0x0  }
0x5b: {  	[sflag:s18] =	ssyncadd.s32 $0xFFFFF000  }
0x5c: {  	[spmem:s2] =	stream.indirect.scatter.add.f32 [tilespmem:s16], [sflag:$0x3], $0x20, s21, s14, $0xb8;
	[tilespmem:$0x9800] =	vst v63  }
0x5d: {  	_ =	swait.ge [sflag:s12], $0x1000  }
0x5e: {  	s22 =	sadd.s32 $0x1, s22;
	[sflag:s12] =	ssyncset.done $0x0  }
0x5f: {  	p0 =	sne.s32 s22, s9;
	[sflag:s12] =	ssyncadd.s32 $0xFFFFF000  }
.Ltmp1:
0x60: {  	[bflag:$0x0] =	sbarrier.arrive $0xFFFF;
	(pc) =	sbr.rel @p0 .LBB2_1-.Ltmp1, $4  }
0x61: {  	[hbm:s10], [sflag:s6] =	dma.local [spmem:s11], $0xA00  }
0x62: {  	_ =	swait.ge [sflag:s12], $0xA00  }
0x63: {  	[sflag:s12] =	ssyncset.done $0x0  }
0x64: {  	[sflag:s12] =	ssyncadd.s32 $0xFFFFF600  }
0x65: {  	_ =	sfence.sel $0x180000  }
0x66: {  	[bflag:$0x0] =	sbarrier.arrive $0xFFFF  }
0x67: {  	p0 =	sne.s32 s1, $0x0;
	_ =	strace $0x9000004A  }
0x68: {  	s0 =	sadd.s32 @!p0 $0x100000, s0;
	[bflag:$0x2] =	sbarrier.arrive $0xFFFF  }
0x69: {  	[sflag:s0] =	ssyncadd.tile.s32 @!p0 $0x1;
	_ =	shalt  }
.Lfunc_end2:
_tile_overlayer_lowered:
.L_overlay_start_2:
0x6a: {  	(tag) =	ssettag $0x2  }
0x6b: {  	s0 =	rddreg [dreg:$0x0];
	s2 =	stileid.u32  }
0x6c: {  	s1 =	rddreg [dreg:$0x1];
	p0 =	sne.s32 s2, $0x0  }
0x6d: {  	s3 =	rddreg [dreg:$0x2];
	[bflag:$0x3] =	sbarrier.arrive $0xFFFF;
	s2 =	simm.s32 @!p0 $0x1C03  }
0x6e: {  	[timem:s3], [sflag:s2] =	dma.local @!p0 [hbm:s0], s1  }
0x6f: {  	s0 =	simm.s32 @!p0 $0x3  }
0x70: {  	_ =	swait.ge @!p0 [sflag:s0], s1  }
0x71: {  	s1 =	ssub.s32 @!p0 $0x0, s1;
	[sflag:s0] =	ssyncset.done @!p0 $0x0  }
0x72: {  	[sflag:s0] =	ssyncadd.s32 @!p0 s1  }
0x73: {  	[bflag:$0x3] =	sbarrier.arrive $0xFFFF  }
0x74: {  	_ =	shalt  }

// kernel: kernel.19.cloned.1.call-start
scs
__scs_entry_jumppad:
0x0: {  	(pc) =	sbr.rel $0x88, $3  }
0x1: {  	(tag) =	ssettag $0x0;
	lr =	simm.s32 $0x1  }
0x2: {  	[smem:$0x3F7F] =	sst lr;
	_ =	strace $0xD0000000  }
0x3: {  	_ = 	snop  }
0x4: {  	_ = 	snop  }
0x5: {  	_ = 	snop  }
0x6: {  	_ = 	snop  }
0x7: {  	_ = 	snop  }
__scs_overlays_trampoline_lowered:
0x8: {  	[smem:$0x3F8E] =	sst s0  }
0x9: {  	[smem:$0x3F8F] =	sst s1  }
0xa: {  	[smem:$0x3F90] =	sst s2  }
0xb: {  	[smem:$0x3F91] =	sst s3  }
0xc: {  	[smem:$0x3F92] =	sst s4  }
0xd: {  	[smem:$0x3F93] =	sst s5  }
0xe: {  	[smem:$0x3F94] =	sst s6  }
0xf: {  	[smem:$0x3F95] =	sst s7  }
0x10: {  	[smem:$0x3F96] =	sst s8  }
0x11: {  	[smem:$0x3F97] =	sst s9;
	s0 =	simm.s32 @!p0 $0x0  }
0x12: {  	s1 =	sld [smem:$0x3F7D];
	s0 =	simm.s32 @p0 $0x1  }
0x13: {  	[smem:$0x3F98] =	sst s0;
	s0 =	simm.s32 @!p1 $0x0  }
0x14: {  	s2 =	sld [smem:$0x3F7C];
	s0 =	simm.s32 @p1 $0x1  }
0x15: {  	[smem:$0x3F99] =	sst s0;
	s0 =	simm.s32 @!p2 $0x0  }
0x16: {  	s3 =	sld [smem:$0x3FDB];
	s0 =	simm.s32 @p2 $0x1  }
0x17: {  	s4 =	simm.s32 $0x1BF5;
	[smem:$0x3F9B] =	sst s0  }
0x18: {  	s0 =	sld [smem:$0x3F7E];
	_ =	swait.ge [sflag:s4], $0x0  }
0x19: {  	s7 =	sld [smem:$0x3F7F]  }
0x1a: {  	s8 =	sadd.s32 $0xFFFFE003, lr  }
0x1b: {  	s9 =	sadd.s32 $0xFFFFFEF7, lr;
	s5 =	simm.s32 $0xFFFFFFFF;
	p2 =	slt.u32 s8, $0xFFFFF086  }
0x1c: {  	p1 =	slt.u32 s9, $0xF7A;
	s5 =	simm.s32 @!p2 $0x0  }
0x1d: {  	s5 =	simm.s32 @p1 $0x1;
	p0 =	seq.s32 s7, s2  }
0x1e: {  	s7 =	smul.u32 @!p0 $0xF7A, s2;
	p2 =	seq.s32 @!p0 s5, $0x0  }
0x1f: {  	s9 =	smul.u32 $0xF7A, s1;
	s8 =	simm.s32 @!p0 $0x1BF5;
	p2 =	por !p2, p0  }
0x20: {  	[sflag:s8] =	ssyncset.s32 @!p0 $0xFFFFF086;
	s6 =	sadd.s32 @!p0 s3, s7;
	s7 =	simm.s32 @!p0 $0x108  }
0x21: {  	s3 =	sadd.s32 s3, s9;
	s6 =	sadd.s32 @!p0 $0x88, s6;
	s7 =	simm.s32 @p2 $0x1082  }
0x22: {  	[simem:s7], [sflag:s8] =	dma.local @!p0 [hbm:s6], $0xF7A  }
0x23: {  	s9 =	sor.u32 $0xD0000000, s2;
	s6 =	simm.s32 $0x108;
	_ =	swait.ge @!p0 [sflag:s8], $0x0  }
0x24: {  	s3 =	sadd.s32 $0x88, s3;
	s6 =	simm.s32 @!p1 $0x1082;
	[sflag:s4] =	ssyncset.s32 $0xFFFFF086  }
0x25: {  	[simem:s6], [sflag:s4] =	dma.local [hbm:s3], $0xF7A  }
0x26: {  	[smem:$0x3F7F] =	sst s1;
	(tag) =	ssettag s2;
	_ =	strace s9  }
0x27: {  	s1 =	sld [smem:$0x3F8F]  }
0x28: {  	s2 =	sld [smem:$0x3F90]  }
0x29: {  	s4 =	sld [smem:$0x3F92]  }
0x2a: {  	p0 =	seq.s32 s5, $0x0;
	s5 =	sld [smem:$0x3F93]  }
0x2b: {  	s6 =	sld [smem:$0x3F94]  }
0x2c: {  	s7 =	sld [smem:$0x3F95]  }
0x2d: {  	s3 =	simm.s32 $0x108;
	s8 =	sld [smem:$0x3F96]  }
0x2e: {  	s3 =	simm.s32 @!p0 $0x1082;
	s9 =	sld [smem:$0x3F97]  }
0x2f: {  	lr =	sadd.s32 s0, s3;
	s0 =	sld [smem:$0x3F8E]  }
0x30: {  	s3 =	sld [smem:$0x3F91]  }
0x31: {  	[smem:$0x3F9A] =	sst s10  }
0x32: {  	s10 =	sld [smem:$0x3F98];
	_ =	sdelay $0x3  }
0x33: {  	p0 =	seq.s32 s10, $0x1;
	s10 =	sld [smem:$0x3F9A];
	_ =	sdelay $0x3  }
0x34: {  	[smem:$0x3F9A] =	sst s10  }
0x35: {  	s10 =	sld [smem:$0x3F99];
	_ =	sdelay $0x3  }
0x36: {  	p1 =	seq.s32 s10, $0x1;
	s10 =	sld [smem:$0x3F9A];
	_ =	sdelay $0x3  }
0x37: {  	[smem:$0x3F9A] =	sst s10  }
0x38: {  	s10 =	sld [smem:$0x3F9B]  }
0x39: {  	_ = 	snop;
	(pc) =	sbr.ind lr, $3  }
0x3a: {  	_ = 	snop  }
0x3b: {  	_ = 	snop  }
0x3c: {  	p2 =	seq.s32 s10, $0x1;
	s10 =	sld [smem:$0x3F9A]  }
0x3d: {  	_ =	shalt  }
0x3e: {  	_ =	shalt  }
0x3f: {  	_ =	shalt  }
0x40: {  	_ =	shalt  }
0x41: {  	_ =	shalt  }
0x42: {  	_ =	shalt  }
0x43: {  	_ =	shalt  }
0x44: {  	_ =	shalt  }
0x45: {  	_ =	shalt  }
0x46: {  	_ =	shalt  }
0x47: {  	_ =	shalt  }
0x48: {  	_ =	shalt  }
0x49: {  	_ =	shalt  }
0x4a: {  	_ =	shalt  }
0x4b: {  	_ =	shalt  }
0x4c: {  	_ =	shalt  }
0x4d: {  	_ =	shalt  }
0x4e: {  	_ =	shalt  }
0x4f: {  	_ =	shalt  }
0x50: {  	_ =	shalt  }
0x51: {  	_ =	shalt  }
0x52: {  	_ =	shalt  }
0x53: {  	_ =	shalt  }
0x54: {  	_ =	shalt  }
0x55: {  	_ =	shalt  }
0x56: {  	_ =	shalt  }
0x57: {  	_ =	shalt  }
0x58: {  	_ =	shalt  }
0x59: {  	_ =	shalt  }
0x5a: {  	_ =	shalt  }
0x5b: {  	_ =	shalt  }
0x5c: {  	_ =	shalt  }
0x5d: {  	_ =	shalt  }
0x5e: {  	_ =	shalt  }
0x5f: {  	_ =	shalt  }
0x60: {  	_ =	shalt  }
0x61: {  	_ =	shalt  }
0x62: {  	_ =	shalt  }
0x63: {  	_ =	shalt  }
0x64: {  	_ =	shalt  }
0x65: {  	_ =	shalt  }
0x66: {  	_ =	shalt  }
0x67: {  	_ =	shalt  }
0x68: {  	_ =	shalt  }
0x69: {  	_ =	shalt  }
0x6a: {  	_ =	shalt  }
0x6b: {  	_ =	shalt  }
0x6c: {  	_ =	shalt  }
0x6d: {  	_ =	shalt  }
0x6e: {  	_ =	shalt  }
0x6f: {  	_ =	shalt  }
0x70: {  	_ =	shalt  }
0x71: {  	_ =	shalt  }
0x72: {  	_ =	shalt  }
0x73: {  	_ =	shalt  }
0x74: {  	_ =	shalt  }
0x75: {  	_ =	shalt  }
0x76: {  	_ =	shalt  }
0x77: {  	_ =	shalt  }
0x78: {  	_ =	shalt  }
0x79: {  	_ =	shalt  }
0x7a: {  	_ =	shalt  }
0x7b: {  	_ =	shalt  }
0x7c: {  	_ =	shalt  }
0x7d: {  	_ =	shalt  }
0x7e: {  	_ =	shalt  }
0x7f: {  	_ =	shalt  }
0x80: {  	_ =	shalt  }
0x81: {  	_ =	shalt  }
0x82: {  	_ =	shalt  }
0x83: {  	_ =	shalt  }
0x84: {  	_ =	shalt  }
0x85: {  	_ =	shalt  }
0x86: {  	_ =	shalt  }
0x87: {  	_ =	shalt  }
.Lfunc_end0:
.L_simem_size_0:
called_computation.2_lowered:
.L_overlay_start_0:
0x88: {  	s2 =	sld [smem:$0x3FD9]  }
0x89: {  	s3 =	sld [smem:$0x3FFE];
	_ =	sdelay $0x1  }
0x8a: {  	s1 =	srdreg.scid  }
0x8b: {  	s0 =	sand.u32 $0x1, s1  }
0x8c: {  	s16 =	sshll.u32 s0, $0xA;
	s2 =	sadd.s32 s3, s2  }
0x8d: {  	s2 =	sadd.s32 s2, s16  }
0x8e: {  	[smem:$0x3FA6] =	sst s2  }
0x8f: {  	_ = 	snop  }
0x90: {  	(tm) =	ssettm $0x1  }
0x91: {  	s17 =	sld [smem:$0x3FFB];
	_ =	sdelay $0x3  }
0x92: {  	_ =	strace s17  }
0x93: {  	s2 =	sld [smem:$0x3FFC];
	_ =	sdelay $0x3  }
0x94: {  	_ =	strace s2  }
0x95: {  	s2 =	sld [smem:$0x3FFD];
	_ =	sdelay $0x3  }
0x96: {  	_ =	strace s2  }
0x97: {  	_ =	strace $0x8FFFFFFF  }
0x98: {  	s18 =	sld [smem:$0x3FDB];
	_ =	sdelay $0x1  }
0x99: {  	s19 =	simm.s32 $_scs_section_size  }
0x9a: {  	s4 =	simm.s32 $_size__tile_overlayer_lowered;
	s5 =	simm.s32 $_tile_overlayer_lowered  }
0x9b: {  	s22 =	simm.s32 $0x1BFF;
	s21 =	sshll.u32 s5, $0x1;
	s2 =	sadd.s32 s19, s18  }
0x9c: {  	s6 =	simm.s32 $0x0;
	s20 =	sshll.u32 s4, $0x1;
	s4 =	sadd.s32 s21, s2  }
0x9d: {  	[timem:s6], [sflag:s22] =	dma.local [hbm:s4], s20  }
0x9e: {  	_ =	swait.ge [sflag:s22], s20  }
0x9f: {  	s3 =	ssub.s32 $0x0, s20;
	[sflag:s22] =	ssyncset.done $0x0  }
0xa0: {  	[sflag:s22] =	ssyncadd.s32 s3;
	_ =	sdelay $0x1  }
0xa1: {  	s23 =	simm.s32 $0x1B8B  }
0xa2: {  	_ =	swait.ge [sflag:s23], $0x1  }
0xa3: {  	[sflag:s23] =	ssyncset.done $0x0  }
0xa4: {  	s25 =	simm.s32 $0x1B8E;
	s24 =	sld [smem:$0x3FFE];
	[sflag:s23] =	ssyncadd.s32 $0xFFFFFFFF  }
0xa5: {  	s26 =	simm.s32 $execute0_lowered;
	[smem:$0x3FD2] =	sst s25  }
0xa6: {  	s4 =	sshll.u32 s26, $0x1;
	_ =	strace $0x8000004C;
	[dreg:$0x1] =	wrdreg $0xFFFFFFFF  }
0xa7: {  	s28 =	simm.s32 $_size_execute0_lowered;
	s2 =	sadd.s32 s2, s4;
	[dreg:$0x0] =	wrdreg $0x0  }
0xa8: {  	s4 =	sshll.u32 s28, $0x1;
	[dreg:$0x2] =	wrdreg s2  }
0xa9: {  	[dreg:$0x3] =	wrdreg s4  }
0xaa: {  	[dreg:$0x4] =	wrdreg $0xC0  }
0xab: {  	_ =	task [dreg:s6], $0x5FFFF  }
0xac: {  	[dreg:$0x1] =	wrdreg $0xFFFFFFFF  }
0xad: {  	[dreg:$0x0] =	wrdreg $0x60  }
0xae: {  	[dreg:$0x2] =	wrdreg s24  }
0xaf: {  	[dreg:$0x3] =	wrdreg $0x48000  }
0xb0: {  	[dreg:$0x4] =	wrdreg $0x9  }
0xb1: {  	_ =	task.clear_ibuf [dreg:s6], $0x5FFFF;
	_ =	strace $0x9000004C  }
0xb2: {  	s29 =	simm.s32 $0x9;
	_ =	strace $0x8000004E  }
0xb3: {  	_ =	swait.ge [sflag:s29], $0x1  }
0xb4: {  	[sflag:s29] =	ssyncadd.s32 $0xFFFFFFFF  }
0xb5: {  	_ =	strace $0x9000004E  }
0xb6: {  	_ =	sfence  }
0xb7: {  	s30 =	sld [smem:$0x0];
	_ =	sdelay $0x2  }
0xb8: {  	s31 =	sshll.u32 s1, $0xD;
	s1 =	sshrl.u32 s1, $0x2  }
0xb9: {  	s3 =	sand.u32 $0x4000, s31;
	s1 =	sadd.s32 s1, s30  }
0xba: {  	s0 =	sor.u32 s3, s0;
	s1 =	sshll.u32 s1, $0x11  }
0xbb: {  	s0 =	sor.u32 s1, s0  }
0xbc: {  	s0 =	sadd.s32 $0x8F2B, s0  }
0xbd: {  	[sflag:s0] =	ssyncadd.remote.s32 $0x1  }
0xbe: {  	_ =	sfence.sel $0xFFFF  }
0xbf: {  	[dreg:$0x0] =	wrdreg $0xFFFFFFFF;
	(pc) =	sbr.abs _section_cstart, $3  }
0xc0: {  	[dreg:$0x1] =	wrdreg $0xFFFFFFFF  }
0xc1: {  	_ =	task.clear_ibuf [dreg:s6], $0x2FFFF;
	_ =	strace $0x9FFFFFFF  }
0xc2: {  	(tm) =	ssettm $0x7FFFFFFF  }
0xc3: {  	_ =	shalt  }
tec
execute0_lowered:
.L_overlay_start_1:
0x0: {  	(tag) =	ssettag $0x1  }
0x1: {  	s5 =	rddreg [dreg:$0x0]  }
0x2: {  	s2 =	rddreg [dreg:$0x1]  }
0x3: {  	s0 =	rddreg [dreg:$0x2];
	s4 =	srdreg.scid  }
0x4: {  	s1 =	stileid.u32;
	s3 =	simm.s32 $0x0;
	s13 =	simm.s32 $0x1400  }
0x5: {  	s14 =	simm.s32 $0x80;
	s15 =	simm.s32 $0x2800;
	s16 =	simm.s32 $0x3800  }
0x6: {  	s17 =	simm.s32 $0x1;
	s18 =	simm.s32 $0x2;
	s19 =	simm.s32 $0x1380  }
0x7: {  	s20 =	simm.s32 $0x2700;
	s21 =	simm.s32 $0x2780;
	s22 =	simm.s32 $0x0  }
0x8: {  	s6 =	sand.u32 $0x1, s4;
	s28 =	sshll.u32 s1, $0x1;
	[smem:$0x7FF] =	sst s3  }
0x9: {  	s7 =	smul.u32 $0x5000, s1;
	s31 =	sshll.u32 s1, $0x6;
	s4 =	sor.u32 s6, s28  }
0xa: {  	_ =	strace $0x8000004D;
	s10 =	ssub.s32 $0x2, s6;
	p0 =	seq.s32 s6, $0x1  }
0xb: {  	s6 =	sor.u32 $0x1C03, s31;
	s8 =	smul.u32 $0x280, s4;
	s4 =	sadd.s32 $0x16400, s5  }
0xc: {  	s9 =	sshrl.u32 s7, $0x3;
	s29 =	sshrl.u32 s10, $0x1;
	s12 =	sadd.s32 s7, s2  }
0xd: {  	s11 =	sadd.s32 s9, s5;
	s30 =	ssub.s32 s10, s29;
	s10 =	simm.s32 $0xCF600  }
0xe: {  	s8 =	sadd.s32 s8, s5;
	s5 =	sadd.s32 $0xC400, s11;
	s10 =	simm.s32 @!p0 $0x20400  }
0xf: {  	s9 =	smax.u32 s30, $0x1;
	s7 =	sadd.s32 $0x2A600, s8;
	s8 =	sadd.s32 $0x7400, s8  }
0x10: {  	s10 =	sadd.s32 s10, s11;
	s11 =	sshrl.u32 s12, $0x3;
	s12 =	simm.s32 $0x3  }
.LBB2_1:
0x11: {  	[spmem:s11], [sflag:s6] =	dma.local [hbm:s5], $0xA00  }
0x12: {  	_ =	swait.ge [sflag:s12], $0xA00  }
0x13: {  	[sflag:s12] =	ssyncset.done $0x0  }
0x14: {  	[sflag:s12] =	ssyncadd.s32 $0xFFFFF600  }
0x15: {  	[bflag:$0x0] =	sbarrier.arrive $0xFFFF  }
0x16: {  	[tilespmem:s3], [sflag:$0x3] =	stream.linear.gather [hbm4b:s7+s3], $0x1400, $0x38;
	[tilespmem:$0x9800] =	vst v63  }
0x17: {  	_ =	swait.ge [sflag:s12], $0x1400  }
0x18: {  	[sflag:s12] =	ssyncset.done $0x0  }
0x19: {  	[sflag:s12] =	ssyncadd.s32 $0xFFFFEC00  }
0x1a: {  	[tilespmem:s13], [sflag:$0x3] =	stream.linear.gather [hbm4b:s8+s3], $0x1400, $0x38;
	[tilespmem:$0x9800] =	vst v63  }
0x1b: {  	_ =	swait.ge [sflag:s12], $0x1400  }
0x1c: {  	[sflag:s12] =	ssyncset.done $0x0  }
0x1d: {  	[sflag:s12] =	ssyncadd.s32 $0xFFFFEC00  }
0x1e: {  	[tilespmem:s15], [sflag:$0x1] =	stream.indirect.gather [hbm4b:s4+s14], $0x20, s3, s14, $0xb8;
	[tilespmem:$0x9800] =	vst v63  }
0x1f: {  	s23 =	simm.s32 $0x80  }
0x20: {  	[tilespmem:s16], [sflag:$0x2] =	stream.indirect.gather [hbm4b:s4+s14], $0x20, s23, s14, $0xb8;
	[tilespmem:$0x9800] =	vst v63  }
0x21: {  	_ =	swait.ge [sflag:s17], $0x1000  }
0x22: {  	[sflag:s17] =	ssyncset.done $0x0  }
0x23: {  	s29 =	simm.s32 $0x1400;
	[sflag:s17] =	ssyncadd.s32 $0xFFFFF000  }
0x24: {  	[spmem:s2] =	stream.indirect.scatter.add.f32 [tilespmem:s15], [sflag:$0x3], $0x20, s29, s14, $0xb8;
	[tilespmem:$0x9800] =	vst v63  }
0x25: {  	_ =	swait.ge [sflag:s12], $0x1000  }
0x26: {  	[sflag:s12] =	ssyncset.done $0x0  }
0x27: {  	s30 =	simm.s32 $0x100;
	[sflag:s12] =	ssyncadd.s32 $0xFFFFF000  }
0x28: {  	[tilespmem:s15], [sflag:$0x1] =	stream.indirect.gather [hbm4b:s4+s14], $0x20, s30, s14, $0xb8;
	[tilespmem:$0x9800] =	vst v63  }
0x29: {  	_ =	swait.ge [sflag:s18], $0x1000  }
0x2a: {  	[sflag:s18] =	ssyncset.done $0x0  }
0x2b: {  	s31 =	simm.s32 $0x1480;
	[sflag:s18] =	ssyncadd.s32 $0xFFFFF000  }
0x2c: {  	[spmem:s2] =	stream.indirect.scatter.add.f32 [tilespmem:s16], [sflag:$0x3], $0x20, s31, s14, $0xb8;
	[tilespmem:$0x9800] =	vst v63  }
0x2d: {  	_ =	swait.ge [sflag:s12], $0x1000  }
0x2e: {  	s24 =	simm.s32 $0x800;
	s23 =	simm.s32 $0x100;
	[sflag:s12] =	ssyncset.done $0x0  }
.LBB2_2:
0x2f: {  	s25 =	sadd.s32 $0x80, s23  }
0x30: {  	[sflag:s12] =	ssyncadd.s32 $0xFFFFF000;
	s26 =	smov.u32 s24;
	s28 =	sadd.s32 $0x400, s24  }
0x31: {  	[tilespmem:s16], [sflag:$0x2] =	stream.indirect.gather [hbm4b:s4+s14], $0x20, s25, s14, $0xb8;
	[tilespmem:$0x9800] =	vst v63  }
0x32: {  	p0 =	sne.s32 s24, $0x4800;
	_ =	swait.ge [sflag:s17], $0x1000  }
0x33: {  	[sflag:s17] =	ssyncset.done $0x0  }
0x34: {  	s24 =	sadd.s32 $0x1400, s23;
	[sflag:s17] =	ssyncadd.s32 $0xFFFFF000  }
0x35: {  	[spmem:s2] =	stream.indirect.scatter.add.f32 [tilespmem:s15], [sflag:$0x3], $0x20, s24, s14, $0xb8;
	[tilespmem:$0x9800] =	vst v63  }
0x36: {  	_ =	swait.ge [sflag:s12], $0x1000  }
0x37: {  	[sflag:s12] =	ssyncset.done $0x0  }
0x38: {  	s24 =	sadd.s32 $0x100, s23;
	[sflag:s12] =	ssyncadd.s32 $0xFFFFF000  }
0x39: {  	[tilespmem:s15], [sflag:$0x1] =	stream.indirect.gather [hbm4b:s4+s14], $0x20, s24, s14, $0xb8;
	[tilespmem:$0x9800] =	vst v63  }
0x3a: {  	_ =	swait.ge [sflag:s18], $0x1000  }
.Ltmp0:
0x3b: {  	[sflag:s18] =	ssyncset.done $0x0;
	(pc) =	sbr.rel @p0 .LBB2_2-.Ltmp0, $4  }
0x3c: {  	s23 =	sadd.s32 $0x1480, s23;
	[sflag:s18] =	ssyncadd.s32 $0xFFFFF000  }
0x3d: {  	[spmem:s2] =	stream.indirect.scatter.add.f32 [tilespmem:s16], [sflag:$0x3], $0x20, s23, s14, $0xb8;
	[tilespmem:$0x9800] =	vst v63  }
0x3e: {  	_ =	swait.ge [sflag:s12], $0x1000  }
0x3f: {  	s24 =	smov.u32 s28;
	s23 =	sshra.s32 s26, $0x2;
	[sflag:s12] =	ssyncset.done $0x0  }
0x40: {  	s24 =	sadd.s32 $0x80, s23;
	[sflag:s12] =	ssyncadd.s32 $0xFFFFF000  }
0x41: {  	[tilespmem:s16], [sflag:$0x2] =	stream.indirect.gather [hbm4b:s4+s14], $0x20, s24, s14, $0xb8;
	[tilespmem:$0x9800] =	vst v63  }
0x42: {  	_ =	swait.ge [sflag:s17], $0x1000  }
0x43: {  	[sflag:s17] =	ssyncset.done $0x0  }
0x44: {  	s29 =	sadd.s32 $0x1400, s23;
	[sflag:s17] =	ssyncadd.s32 $0xFFFFF000  }
0x45: {  	[spmem:s2] =	stream.indirect.scatter.add.f32 [tilespmem:s15], [sflag:$0x3], $0x20, s29, s14, $0xb8;
	[tilespmem:$0x9800] =	vst v63  }
0x46: {  	_ =	swait.ge [sflag:s12], $0x1000  }
0x47: {  	[sflag:s12] =	ssyncset.done $0x0  }
0x48: {  	s30 =	sadd.s32 $0x100, s23;
	[sflag:s12] =	ssyncadd.s32 $0xFFFFF000  }
0x49: {  	[tilespmem:s15], [sflag:$0x1] =	stream.indirect.gather [hbm4b:s4+s14], $0x20, s30, s14, $0xb8;
	[tilespmem:$0x9800] =	vst v63  }
0x4a: {  	_ =	swait.ge [sflag:s18], $0x1000  }
0x4b: {  	[sflag:s18] =	ssyncset.done $0x0  }
0x4c: {  	s31 =	sadd.s32 $0x1480, s23;
	[sflag:s18] =	ssyncadd.s32 $0xFFFFF000  }
0x4d: {  	[spmem:s2] =	stream.indirect.scatter.add.f32 [tilespmem:s16], [sflag:$0x3], $0x20, s31, s14, $0xb8;
	[tilespmem:$0x9800] =	vst v63  }
0x4e: {  	_ =	swait.ge [sflag:s12], $0x1000  }
0x4f: {  	[sflag:s12] =	ssyncset.done $0x0  }
0x50: {  	[sflag:s12] =	ssyncadd.s32 $0xFFFFF000  }
0x51: {  	[tilespmem:s16], [sflag:$0x2] =	stream.indirect.gather [hbm4b:s4+s14], $0x20, s19, s14, $0xb8;
	[tilespmem:$0x9800] =	vst v63  }
0x52: {  	_ =	swait.ge [sflag:s17], $0x1000  }
0x53: {  	[sflag:s17] =	ssyncset.done $0x0  }
0x54: {  	[sflag:s17] =	ssyncadd.s32 $0xFFFFF000  }
0x55: {  	[spmem:s2] =	stream.indirect.scatter.add.f32 [tilespmem:s15], [sflag:$0x3], $0x20, s20, s14, $0xb8;
	[tilespmem:$0x9800] =	vst v63  }
0x56: {  	_ =	swait.ge [sflag:s12], $0x1000  }
0x57: {  	[sflag:s12] =	ssyncset.done $0x0  }
0x58: {  	[sflag:s12] =	ssyncadd.s32 $0xFFFFF000  }
0x59: {  	_ =	swait.ge [sflag:s18], $0x1000  }
0x5a: {  	[sflag:s18] =	ssyncset.done $0x0  }
0x5b: {  	[sflag:s18] =	ssyncadd.s32 $0xFFFFF000  }
0x5c: {  	[spmem:s2] =	stream.indirect.scatter.add.f32 [tilespmem:s16], [sflag:$0x3], $0x20, s21, s14, $0xb8;
	[tilespmem:$0x9800] =	vst v63  }
0x5d: {  	_ =	swait.ge [sflag:s12], $0x1000  }
0x5e: {  	s22 =	sadd.s32 $0x1, s22;
	[sflag:s12] =	ssyncset.done $0x0  }
0x5f: {  	p0 =	sne.s32 s22, s9;
	[sflag:s12] =	ssyncadd.s32 $0xFFFFF000  }
.Ltmp1:
0x60: {  	[bflag:$0x0] =	sbarrier.arrive $0xFFFF;
	(pc) =	sbr.rel @p0 .LBB2_1-.Ltmp1, $4  }
0x61: {  	[hbm:s10], [sflag:s6] =	dma.local [spmem:s11], $0xA00  }
0x62: {  	_ =	swait.ge [sflag:s12], $0xA00  }
0x63: {  	[sflag:s12] =	ssyncset.done $0x0  }
0x64: {  	[sflag:s12] =	ssyncadd.s32 $0xFFFFF600  }
0x65: {  	_ =	sfence.sel $0x180000  }
0x66: {  	[bflag:$0x0] =	sbarrier.arrive $0xFFFF  }
0x67: {  	p0 =	sne.s32 s1, $0x0;
	_ =	strace $0x9000004D  }
0x68: {  	s0 =	sadd.s32 @!p0 $0x100000, s0;
	[bflag:$0x2] =	sbarrier.arrive $0xFFFF  }
0x69: {  	[sflag:s0] =	ssyncadd.tile.s32 @!p0 $0x1;
	_ =	shalt  }
.Lfunc_end2:
_tile_overlayer_lowered:
.L_overlay_start_2:
0x6a: {  	(tag) =	ssettag $0x2  }
0x6b: {  	s0 =	rddreg [dreg:$0x0];
	s2 =	stileid.u32  }
0x6c: {  	s1 =	rddreg [dreg:$0x1];
	p0 =	sne.s32 s2, $0x0  }
0x6d: {  	s3 =	rddreg [dreg:$0x2];
	[bflag:$0x3] =	sbarrier.arrive $0xFFFF;
	s2 =	simm.s32 @!p0 $0x1C03  }
0x6e: {  	[timem:s3], [sflag:s2] =	dma.local @!p0 [hbm:s0], s1  }
0x6f: {  	s0 =	simm.s32 @!p0 $0x3  }
0x70: {  	_ =	swait.ge @!p0 [sflag:s0], s1  }
0x71: {  	s1 =	ssub.s32 @!p0 $0x0, s1;
	[sflag:s0] =	ssyncset.done @!p0 $0x0  }
0x72: {  	[sflag:s0] =	ssyncadd.s32 @!p0 s1  }
0x73: {  	[bflag:$0x3] =	sbarrier.arrive $0xFFFF  }
0x74: {  	_ =	shalt  }

// kernel: kernel.22.cloned.1.call-start
scs
__scs_entry_jumppad:
0x0: {  	(pc) =	sbr.rel $0x88, $3  }
0x1: {  	(tag) =	ssettag $0x0;
	lr =	simm.s32 $0x1  }
0x2: {  	[smem:$0x3F7F] =	sst lr;
	_ =	strace $0xD0000000  }
0x3: {  	_ = 	snop  }
0x4: {  	_ = 	snop  }
0x5: {  	_ = 	snop  }
0x6: {  	_ = 	snop  }
0x7: {  	_ = 	snop  }
__scs_overlays_trampoline_lowered:
0x8: {  	[smem:$0x3F8E] =	sst s0  }
0x9: {  	[smem:$0x3F8F] =	sst s1  }
0xa: {  	[smem:$0x3F90] =	sst s2  }
0xb: {  	[smem:$0x3F91] =	sst s3  }
0xc: {  	[smem:$0x3F92] =	sst s4  }
0xd: {  	[smem:$0x3F93] =	sst s5  }
0xe: {  	[smem:$0x3F94] =	sst s6  }
0xf: {  	[smem:$0x3F95] =	sst s7  }
0x10: {  	[smem:$0x3F96] =	sst s8  }
0x11: {  	[smem:$0x3F97] =	sst s9;
	s0 =	simm.s32 @!p0 $0x0  }
0x12: {  	s1 =	sld [smem:$0x3F7D];
	s0 =	simm.s32 @p0 $0x1  }
0x13: {  	[smem:$0x3F98] =	sst s0;
	s0 =	simm.s32 @!p1 $0x0  }
0x14: {  	s2 =	sld [smem:$0x3F7C];
	s0 =	simm.s32 @p1 $0x1  }
0x15: {  	[smem:$0x3F99] =	sst s0;
	s0 =	simm.s32 @!p2 $0x0  }
0x16: {  	s3 =	sld [smem:$0x3FDB];
	s0 =	simm.s32 @p2 $0x1  }
0x17: {  	s4 =	simm.s32 $0x1BF5;
	[smem:$0x3F9B] =	sst s0  }
0x18: {  	s0 =	sld [smem:$0x3F7E];
	_ =	swait.ge [sflag:s4], $0x0  }
0x19: {  	s7 =	sld [smem:$0x3F7F]  }
0x1a: {  	s8 =	sadd.s32 $0xFFFFE003, lr  }
0x1b: {  	s9 =	sadd.s32 $0xFFFFFEF7, lr;
	s5 =	simm.s32 $0xFFFFFFFF;
	p2 =	slt.u32 s8, $0xFFFFF086  }
0x1c: {  	p1 =	slt.u32 s9, $0xF7A;
	s5 =	simm.s32 @!p2 $0x0  }
0x1d: {  	s5 =	simm.s32 @p1 $0x1;
	p0 =	seq.s32 s7, s2  }
0x1e: {  	s7 =	smul.u32 @!p0 $0xF7A, s2;
	p2 =	seq.s32 @!p0 s5, $0x0  }
0x1f: {  	s9 =	smul.u32 $0xF7A, s1;
	s8 =	simm.s32 @!p0 $0x1BF5;
	p2 =	por !p2, p0  }
0x20: {  	[sflag:s8] =	ssyncset.s32 @!p0 $0xFFFFF086;
	s6 =	sadd.s32 @!p0 s3, s7;
	s7 =	simm.s32 @!p0 $0x108  }
0x21: {  	s3 =	sadd.s32 s3, s9;
	s6 =	sadd.s32 @!p0 $0x88, s6;
	s7 =	simm.s32 @p2 $0x1082  }
0x22: {  	[simem:s7], [sflag:s8] =	dma.local @!p0 [hbm:s6], $0xF7A  }
0x23: {  	s9 =	sor.u32 $0xD0000000, s2;
	s6 =	simm.s32 $0x108;
	_ =	swait.ge @!p0 [sflag:s8], $0x0  }
0x24: {  	s3 =	sadd.s32 $0x88, s3;
	s6 =	simm.s32 @!p1 $0x1082;
	[sflag:s4] =	ssyncset.s32 $0xFFFFF086  }
0x25: {  	[simem:s6], [sflag:s4] =	dma.local [hbm:s3], $0xF7A  }
0x26: {  	[smem:$0x3F7F] =	sst s1;
	(tag) =	ssettag s2;
	_ =	strace s9  }
0x27: {  	s1 =	sld [smem:$0x3F8F]  }
0x28: {  	s2 =	sld [smem:$0x3F90]  }
0x29: {  	s4 =	sld [smem:$0x3F92]  }
0x2a: {  	p0 =	seq.s32 s5, $0x0;
	s5 =	sld [smem:$0x3F93]  }
0x2b: {  	s6 =	sld [smem:$0x3F94]  }
0x2c: {  	s7 =	sld [smem:$0x3F95]  }
0x2d: {  	s3 =	simm.s32 $0x108;
	s8 =	sld [smem:$0x3F96]  }
0x2e: {  	s3 =	simm.s32 @!p0 $0x1082;
	s9 =	sld [smem:$0x3F97]  }
0x2f: {  	lr =	sadd.s32 s0, s3;
	s0 =	sld [smem:$0x3F8E]  }
0x30: {  	s3 =	sld [smem:$0x3F91]  }
0x31: {  	[smem:$0x3F9A] =	sst s10  }
0x32: {  	s10 =	sld [smem:$0x3F98];
	_ =	sdelay $0x3  }
0x33: {  	p0 =	seq.s32 s10, $0x1;
	s10 =	sld [smem:$0x3F9A];
	_ =	sdelay $0x3  }
0x34: {  	[smem:$0x3F9A] =	sst s10  }
0x35: {  	s10 =	sld [smem:$0x3F99];
	_ =	sdelay $0x3  }
0x36: {  	p1 =	seq.s32 s10, $0x1;
	s10 =	sld [smem:$0x3F9A];
	_ =	sdelay $0x3  }
0x37: {  	[smem:$0x3F9A] =	sst s10  }
0x38: {  	s10 =	sld [smem:$0x3F9B]  }
0x39: {  	_ = 	snop;
	(pc) =	sbr.ind lr, $3  }
0x3a: {  	_ = 	snop  }
0x3b: {  	_ = 	snop  }
0x3c: {  	p2 =	seq.s32 s10, $0x1;
	s10 =	sld [smem:$0x3F9A]  }
0x3d: {  	_ =	shalt  }
0x3e: {  	_ =	shalt  }
0x3f: {  	_ =	shalt  }
0x40: {  	_ =	shalt  }
0x41: {  	_ =	shalt  }
0x42: {  	_ =	shalt  }
0x43: {  	_ =	shalt  }
0x44: {  	_ =	shalt  }
0x45: {  	_ =	shalt  }
0x46: {  	_ =	shalt  }
0x47: {  	_ =	shalt  }
0x48: {  	_ =	shalt  }
0x49: {  	_ =	shalt  }
0x4a: {  	_ =	shalt  }
0x4b: {  	_ =	shalt  }
0x4c: {  	_ =	shalt  }
0x4d: {  	_ =	shalt  }
0x4e: {  	_ =	shalt  }
0x4f: {  	_ =	shalt  }
0x50: {  	_ =	shalt  }
0x51: {  	_ =	shalt  }
0x52: {  	_ =	shalt  }
0x53: {  	_ =	shalt  }
0x54: {  	_ =	shalt  }
0x55: {  	_ =	shalt  }
0x56: {  	_ =	shalt  }
0x57: {  	_ =	shalt  }
0x58: {  	_ =	shalt  }
0x59: {  	_ =	shalt  }
0x5a: {  	_ =	shalt  }
0x5b: {  	_ =	shalt  }
0x5c: {  	_ =	shalt  }
0x5d: {  	_ =	shalt  }
0x5e: {  	_ =	shalt  }
0x5f: {  	_ =	shalt  }
0x60: {  	_ =	shalt  }
0x61: {  	_ =	shalt  }
0x62: {  	_ =	shalt  }
0x63: {  	_ =	shalt  }
0x64: {  	_ =	shalt  }
0x65: {  	_ =	shalt  }
0x66: {  	_ =	shalt  }
0x67: {  	_ =	shalt  }
0x68: {  	_ =	shalt  }
0x69: {  	_ =	shalt  }
0x6a: {  	_ =	shalt  }
0x6b: {  	_ =	shalt  }
0x6c: {  	_ =	shalt  }
0x6d: {  	_ =	shalt  }
0x6e: {  	_ =	shalt  }
0x6f: {  	_ =	shalt  }
0x70: {  	_ =	shalt  }
0x71: {  	_ =	shalt  }
0x72: {  	_ =	shalt  }
0x73: {  	_ =	shalt  }
0x74: {  	_ =	shalt  }
0x75: {  	_ =	shalt  }
0x76: {  	_ =	shalt  }
0x77: {  	_ =	shalt  }
0x78: {  	_ =	shalt  }
0x79: {  	_ =	shalt  }
0x7a: {  	_ =	shalt  }
0x7b: {  	_ =	shalt  }
0x7c: {  	_ =	shalt  }
0x7d: {  	_ =	shalt  }
0x7e: {  	_ =	shalt  }
0x7f: {  	_ =	shalt  }
0x80: {  	_ =	shalt  }
0x81: {  	_ =	shalt  }
0x82: {  	_ =	shalt  }
0x83: {  	_ =	shalt  }
0x84: {  	_ =	shalt  }
0x85: {  	_ =	shalt  }
0x86: {  	_ =	shalt  }
0x87: {  	_ =	shalt  }
.Lfunc_end0:
.L_simem_size_0:
called_computation.3_lowered:
.L_overlay_start_0:
0x88: {  	s2 =	sld [smem:$0x3FD9]  }
0x89: {  	s3 =	sld [smem:$0x3FFE];
	_ =	sdelay $0x1  }
0x8a: {  	s1 =	srdreg.scid  }
0x8b: {  	s0 =	sand.u32 $0x1, s1  }
0x8c: {  	s16 =	sshll.u32 s0, $0xA;
	s2 =	sadd.s32 s3, s2  }
0x8d: {  	s2 =	sadd.s32 s2, s16  }
0x8e: {  	[smem:$0x3FA6] =	sst s2  }
0x8f: {  	_ = 	snop  }
0x90: {  	(tm) =	ssettm $0x1  }
0x91: {  	s17 =	sld [smem:$0x3FFB];
	_ =	sdelay $0x3  }
0x92: {  	_ =	strace s17  }
0x93: {  	s2 =	sld [smem:$0x3FFC];
	_ =	sdelay $0x3  }
0x94: {  	_ =	strace s2  }
0x95: {  	s2 =	sld [smem:$0x3FFD];
	_ =	sdelay $0x3  }
0x96: {  	_ =	strace s2  }
0x97: {  	_ =	strace $0x8FFFFFFF  }
0x98: {  	s18 =	sld [smem:$0x3FDB];
	_ =	sdelay $0x1  }
0x99: {  	s19 =	simm.s32 $_scs_section_size  }
0x9a: {  	s4 =	simm.s32 $_size__tile_overlayer_lowered;
	s5 =	simm.s32 $_tile_overlayer_lowered  }
0x9b: {  	s22 =	simm.s32 $0x1BFF;
	s21 =	sshll.u32 s5, $0x1;
	s2 =	sadd.s32 s19, s18  }
0x9c: {  	s6 =	simm.s32 $0x0;
	s20 =	sshll.u32 s4, $0x1;
	s4 =	sadd.s32 s21, s2  }
0x9d: {  	[timem:s6], [sflag:s22] =	dma.local [hbm:s4], s20  }
0x9e: {  	_ =	swait.ge [sflag:s22], s20  }
0x9f: {  	s3 =	ssub.s32 $0x0, s20;
	[sflag:s22] =	ssyncset.done $0x0  }
0xa0: {  	[sflag:s22] =	ssyncadd.s32 s3;
	_ =	sdelay $0x1  }
0xa1: {  	s23 =	simm.s32 $0x1B8B  }
0xa2: {  	_ =	swait.ge [sflag:s23], $0x1  }
0xa3: {  	[sflag:s23] =	ssyncset.done $0x0  }
0xa4: {  	s25 =	simm.s32 $0x1B8E;
	s24 =	sld [smem:$0x3FFE];
	[sflag:s23] =	ssyncadd.s32 $0xFFFFFFFF  }
0xa5: {  	s26 =	simm.s32 $execute0_lowered;
	[smem:$0x3FD2] =	sst s25  }
0xa6: {  	s4 =	sshll.u32 s26, $0x1;
	_ =	strace $0x8000004F;
	[dreg:$0x1] =	wrdreg $0xFFFFFFFF  }
0xa7: {  	s28 =	simm.s32 $_size_execute0_lowered;
	s2 =	sadd.s32 s2, s4;
	[dreg:$0x0] =	wrdreg $0x0  }
0xa8: {  	s4 =	sshll.u32 s28, $0x1;
	[dreg:$0x2] =	wrdreg s2  }
0xa9: {  	[dreg:$0x3] =	wrdreg s4  }
0xaa: {  	[dreg:$0x4] =	wrdreg $0xC0  }
0xab: {  	_ =	task [dreg:s6], $0x5FFFF  }
0xac: {  	[dreg:$0x1] =	wrdreg $0xFFFFFFFF  }
0xad: {  	[dreg:$0x0] =	wrdreg $0x60  }
0xae: {  	[dreg:$0x2] =	wrdreg s24  }
0xaf: {  	[dreg:$0x3] =	wrdreg $0x48000  }
0xb0: {  	[dreg:$0x4] =	wrdreg $0x9  }
0xb1: {  	_ =	task.clear_ibuf [dreg:s6], $0x5FFFF;
	_ =	strace $0x9000004F  }
0xb2: {  	s29 =	simm.s32 $0x9;
	_ =	strace $0x80000051  }
0xb3: {  	_ =	swait.ge [sflag:s29], $0x1  }
0xb4: {  	[sflag:s29] =	ssyncadd.s32 $0xFFFFFFFF  }
0xb5: {  	_ =	strace $0x90000051  }
0xb6: {  	_ =	sfence  }
0xb7: {  	s30 =	sld [smem:$0x0];
	_ =	sdelay $0x2  }
0xb8: {  	s31 =	sshll.u32 s1, $0xD;
	s1 =	sshrl.u32 s1, $0x2  }
0xb9: {  	s3 =	sand.u32 $0x4000, s31;
	s1 =	sadd.s32 s1, s30  }
0xba: {  	s0 =	sor.u32 s3, s0;
	s1 =	sshll.u32 s1, $0x11  }
0xbb: {  	s0 =	sor.u32 s1, s0  }
0xbc: {  	s0 =	sadd.s32 $0x8F2B, s0  }
0xbd: {  	[sflag:s0] =	ssyncadd.remote.s32 $0x1  }
0xbe: {  	_ =	sfence.sel $0xFFFF  }
0xbf: {  	[dreg:$0x0] =	wrdreg $0xFFFFFFFF;
	(pc) =	sbr.abs _section_cstart, $3  }
0xc0: {  	[dreg:$0x1] =	wrdreg $0xFFFFFFFF  }
0xc1: {  	_ =	task.clear_ibuf [dreg:s6], $0x2FFFF;
	_ =	strace $0x9FFFFFFF  }
0xc2: {  	(tm) =	ssettm $0x7FFFFFFF  }
0xc3: {  	_ =	shalt  }
tec
execute0_lowered:
.L_overlay_start_1:
0x0: {  	(tag) =	ssettag $0x1  }
0x1: {  	s5 =	rddreg [dreg:$0x0]  }
0x2: {  	s2 =	rddreg [dreg:$0x1]  }
0x3: {  	s0 =	rddreg [dreg:$0x2];
	s4 =	srdreg.scid  }
0x4: {  	s1 =	stileid.u32;
	s3 =	simm.s32 $0x0;
	s13 =	simm.s32 $0x1400  }
0x5: {  	s14 =	simm.s32 $0x80;
	s15 =	simm.s32 $0x2800;
	s16 =	simm.s32 $0x3800  }
0x6: {  	s17 =	simm.s32 $0x1;
	s18 =	simm.s32 $0x2;
	s19 =	simm.s32 $0x1380  }
0x7: {  	s20 =	simm.s32 $0x2700;
	s21 =	simm.s32 $0x2780;
	s22 =	simm.s32 $0x0  }
0x8: {  	s6 =	sand.u32 $0x1, s4;
	s28 =	sshll.u32 s1, $0x1;
	[smem:$0x7FF] =	sst s3  }
0x9: {  	s7 =	smul.u32 $0x5000, s1;
	s31 =	sshll.u32 s1, $0x6;
	s4 =	sor.u32 s6, s28  }
0xa: {  	_ =	strace $0x80000050;
	s10 =	ssub.s32 $0x2, s6;
	p0 =	seq.s32 s6, $0x1  }
0xb: {  	s6 =	sor.u32 $0x1C03, s31;
	s8 =	smul.u32 $0x280, s4;
	s4 =	sadd.s32 $0x16400, s5  }
0xc: {  	s9 =	sshrl.u32 s7, $0x3;
	s29 =	sshrl.u32 s10, $0x1;
	s12 =	sadd.s32 s7, s2  }
0xd: {  	s11 =	sadd.s32 s9, s5;
	s30 =	ssub.s32 s10, s29;
	s10 =	simm.s32 $0x20400  }
0xe: {  	s8 =	sadd.s32 s8, s5;
	s5 =	sadd.s32 $0xC400, s11;
	s10 =	simm.s32 @!p0 $0xCF600  }
0xf: {  	s9 =	smax.u32 s30, $0x1;
	s7 =	sadd.s32 $0x2A600, s8;
	s8 =	sadd.s32 $0x7400, s8  }
0x10: {  	s10 =	sadd.s32 s10, s11;
	s11 =	sshrl.u32 s12, $0x3;
	s12 =	simm.s32 $0x3  }
.LBB2_1:
0x11: {  	[spmem:s11], [sflag:s6] =	dma.local [hbm:s5], $0xA00  }
0x12: {  	_ =	swait.ge [sflag:s12], $0xA00  }
0x13: {  	[sflag:s12] =	ssyncset.done $0x0  }
0x14: {  	[sflag:s12] =	ssyncadd.s32 $0xFFFFF600  }
0x15: {  	[bflag:$0x0] =	sbarrier.arrive $0xFFFF  }
0x16: {  	[tilespmem:s3], [sflag:$0x3] =	stream.linear.gather [hbm4b:s7+s3], $0x1400, $0x38;
	[tilespmem:$0x9800] =	vst v63  }
0x17: {  	_ =	swait.ge [sflag:s12], $0x1400  }
0x18: {  	[sflag:s12] =	ssyncset.done $0x0  }
0x19: {  	[sflag:s12] =	ssyncadd.s32 $0xFFFFEC00  }
0x1a: {  	[tilespmem:s13], [sflag:$0x3] =	stream.linear.gather [hbm4b:s8+s3], $0x1400, $0x38;
	[tilespmem:$0x9800] =	vst v63  }
0x1b: {  	_ =	swait.ge [sflag:s12], $0x1400  }
0x1c: {  	[sflag:s12] =	ssyncset.done $0x0  }
0x1d: {  	[sflag:s12] =	ssyncadd.s32 $0xFFFFEC00  }
0x1e: {  	[tilespmem:s15], [sflag:$0x1] =	stream.indirect.gather [hbm4b:s4+s14], $0x20, s3, s14, $0xb8;
	[tilespmem:$0x9800] =	vst v63  }
0x1f: {  	s23 =	simm.s32 $0x80  }
0x20: {  	[tilespmem:s16], [sflag:$0x2] =	stream.indirect.gather [hbm4b:s4+s14], $0x20, s23, s14, $0xb8;
	[tilespmem:$0x9800] =	vst v63  }
0x21: {  	_ =	swait.ge [sflag:s17], $0x1000  }
0x22: {  	[sflag:s17] =	ssyncset.done $0x0  }
0x23: {  	s29 =	simm.s32 $0x1400;
	[sflag:s17] =	ssyncadd.s32 $0xFFFFF000  }
0x24: {  	[spmem:s2] =	stream.indirect.scatter.add.f32 [tilespmem:s15], [sflag:$0x3], $0x20, s29, s14, $0xb8;
	[tilespmem:$0x9800] =	vst v63  }
0x25: {  	_ =	swait.ge [sflag:s12], $0x1000  }
0x26: {  	[sflag:s12] =	ssyncset.done $0x0  }
0x27: {  	s30 =	simm.s32 $0x100;
	[sflag:s12] =	ssyncadd.s32 $0xFFFFF000  }
0x28: {  	[tilespmem:s15], [sflag:$0x1] =	stream.indirect.gather [hbm4b:s4+s14], $0x20, s30, s14, $0xb8;
	[tilespmem:$0x9800] =	vst v63  }
0x29: {  	_ =	swait.ge [sflag:s18], $0x1000  }
0x2a: {  	[sflag:s18] =	ssyncset.done $0x0  }
0x2b: {  	s31 =	simm.s32 $0x1480;
	[sflag:s18] =	ssyncadd.s32 $0xFFFFF000  }
0x2c: {  	[spmem:s2] =	stream.indirect.scatter.add.f32 [tilespmem:s16], [sflag:$0x3], $0x20, s31, s14, $0xb8;
	[tilespmem:$0x9800] =	vst v63  }
0x2d: {  	_ =	swait.ge [sflag:s12], $0x1000  }
0x2e: {  	s24 =	simm.s32 $0x800;
	s23 =	simm.s32 $0x100;
	[sflag:s12] =	ssyncset.done $0x0  }
.LBB2_2:
0x2f: {  	s25 =	sadd.s32 $0x80, s23  }
0x30: {  	[sflag:s12] =	ssyncadd.s32 $0xFFFFF000;
	s26 =	smov.u32 s24;
	s28 =	sadd.s32 $0x400, s24  }
0x31: {  	[tilespmem:s16], [sflag:$0x2] =	stream.indirect.gather [hbm4b:s4+s14], $0x20, s25, s14, $0xb8;
	[tilespmem:$0x9800] =	vst v63  }
0x32: {  	p0 =	sne.s32 s24, $0x4800;
	_ =	swait.ge [sflag:s17], $0x1000  }
0x33: {  	[sflag:s17] =	ssyncset.done $0x0  }
0x34: {  	s24 =	sadd.s32 $0x1400, s23;
	[sflag:s17] =	ssyncadd.s32 $0xFFFFF000  }
0x35: {  	[spmem:s2] =	stream.indirect.scatter.add.f32 [tilespmem:s15], [sflag:$0x3], $0x20, s24, s14, $0xb8;
	[tilespmem:$0x9800] =	vst v63  }
0x36: {  	_ =	swait.ge [sflag:s12], $0x1000  }
0x37: {  	[sflag:s12] =	ssyncset.done $0x0  }
0x38: {  	s24 =	sadd.s32 $0x100, s23;
	[sflag:s12] =	ssyncadd.s32 $0xFFFFF000  }
0x39: {  	[tilespmem:s15], [sflag:$0x1] =	stream.indirect.gather [hbm4b:s4+s14], $0x20, s24, s14, $0xb8;
	[tilespmem:$0x9800] =	vst v63  }
0x3a: {  	_ =	swait.ge [sflag:s18], $0x1000  }
.Ltmp0:
0x3b: {  	[sflag:s18] =	ssyncset.done $0x0;
	(pc) =	sbr.rel @p0 .LBB2_2-.Ltmp0, $4  }
0x3c: {  	s23 =	sadd.s32 $0x1480, s23;
	[sflag:s18] =	ssyncadd.s32 $0xFFFFF000  }
0x3d: {  	[spmem:s2] =	stream.indirect.scatter.add.f32 [tilespmem:s16], [sflag:$0x3], $0x20, s23, s14, $0xb8;
	[tilespmem:$0x9800] =	vst v63  }
0x3e: {  	_ =	swait.ge [sflag:s12], $0x1000  }
0x3f: {  	s24 =	smov.u32 s28;
	s23 =	sshra.s32 s26, $0x2;
	[sflag:s12] =	ssyncset.done $0x0  }
0x40: {  	s24 =	sadd.s32 $0x80, s23;
	[sflag:s12] =	ssyncadd.s32 $0xFFFFF000  }
0x41: {  	[tilespmem:s16], [sflag:$0x2] =	stream.indirect.gather [hbm4b:s4+s14], $0x20, s24, s14, $0xb8;
	[tilespmem:$0x9800] =	vst v63  }
0x42: {  	_ =	swait.ge [sflag:s17], $0x1000  }
0x43: {  	[sflag:s17] =	ssyncset.done $0x0  }
0x44: {  	s29 =	sadd.s32 $0x1400, s23;
	[sflag:s17] =	ssyncadd.s32 $0xFFFFF000  }
0x45: {  	[spmem:s2] =	stream.indirect.scatter.add.f32 [tilespmem:s15], [sflag:$0x3], $0x20, s29, s14, $0xb8;
	[tilespmem:$0x9800] =	vst v63  }
0x46: {  	_ =	swait.ge [sflag:s12], $0x1000  }
0x47: {  	[sflag:s12] =	ssyncset.done $0x0  }
0x48: {  	s30 =	sadd.s32 $0x100, s23;
	[sflag:s12] =	ssyncadd.s32 $0xFFFFF000  }
0x49: {  	[tilespmem:s15], [sflag:$0x1] =	stream.indirect.gather [hbm4b:s4+s14], $0x20, s30, s14, $0xb8;
	[tilespmem:$0x9800] =	vst v63  }
0x4a: {  	_ =	swait.ge [sflag:s18], $0x1000  }
0x4b: {  	[sflag:s18] =	ssyncset.done $0x0  }
0x4c: {  	s31 =	sadd.s32 $0x1480, s23;
	[sflag:s18] =	ssyncadd.s32 $0xFFFFF000  }
0x4d: {  	[spmem:s2] =	stream.indirect.scatter.add.f32 [tilespmem:s16], [sflag:$0x3], $0x20, s31, s14, $0xb8;
	[tilespmem:$0x9800] =	vst v63  }
0x4e: {  	_ =	swait.ge [sflag:s12], $0x1000  }
0x4f: {  	[sflag:s12] =	ssyncset.done $0x0  }
0x50: {  	[sflag:s12] =	ssyncadd.s32 $0xFFFFF000  }
0x51: {  	[tilespmem:s16], [sflag:$0x2] =	stream.indirect.gather [hbm4b:s4+s14], $0x20, s19, s14, $0xb8;
	[tilespmem:$0x9800] =	vst v63  }
0x52: {  	_ =	swait.ge [sflag:s17], $0x1000  }
0x53: {  	[sflag:s17] =	ssyncset.done $0x0  }
0x54: {  	[sflag:s17] =	ssyncadd.s32 $0xFFFFF000  }
0x55: {  	[spmem:s2] =	stream.indirect.scatter.add.f32 [tilespmem:s15], [sflag:$0x3], $0x20, s20, s14, $0xb8;
	[tilespmem:$0x9800] =	vst v63  }
0x56: {  	_ =	swait.ge [sflag:s12], $0x1000  }
0x57: {  	[sflag:s12] =	ssyncset.done $0x0  }
0x58: {  	[sflag:s12] =	ssyncadd.s32 $0xFFFFF000  }
0x59: {  	_ =	swait.ge [sflag:s18], $0x1000  }
0x5a: {  	[sflag:s18] =	ssyncset.done $0x0  }
0x5b: {  	[sflag:s18] =	ssyncadd.s32 $0xFFFFF000  }
0x5c: {  	[spmem:s2] =	stream.indirect.scatter.add.f32 [tilespmem:s16], [sflag:$0x3], $0x20, s21, s14, $0xb8;
	[tilespmem:$0x9800] =	vst v63  }
0x5d: {  	_ =	swait.ge [sflag:s12], $0x1000  }
0x5e: {  	s22 =	sadd.s32 $0x1, s22;
	[sflag:s12] =	ssyncset.done $0x0  }
0x5f: {  	p0 =	sne.s32 s22, s9;
	[sflag:s12] =	ssyncadd.s32 $0xFFFFF000  }
.Ltmp1:
0x60: {  	[bflag:$0x0] =	sbarrier.arrive $0xFFFF;
	(pc) =	sbr.rel @p0 .LBB2_1-.Ltmp1, $4  }
0x61: {  	[hbm:s10], [sflag:s6] =	dma.local [spmem:s11], $0xA00  }
0x62: {  	_ =	swait.ge [sflag:s12], $0xA00  }
0x63: {  	[sflag:s12] =	ssyncset.done $0x0  }
0x64: {  	[sflag:s12] =	ssyncadd.s32 $0xFFFFF600  }
0x65: {  	_ =	sfence.sel $0x180000  }
0x66: {  	[bflag:$0x0] =	sbarrier.arrive $0xFFFF  }
0x67: {  	p0 =	sne.s32 s1, $0x0;
	_ =	strace $0x90000050  }
0x68: {  	s0 =	sadd.s32 @!p0 $0x100000, s0;
	[bflag:$0x2] =	sbarrier.arrive $0xFFFF  }
0x69: {  	[sflag:s0] =	ssyncadd.tile.s32 @!p0 $0x1;
	_ =	shalt  }
.Lfunc_end2:
_tile_overlayer_lowered:
.L_overlay_start_2:
0x6a: {  	(tag) =	ssettag $0x2  }
0x6b: {  	s0 =	rddreg [dreg:$0x0];
	s2 =	stileid.u32  }
0x6c: {  	s1 =	rddreg [dreg:$0x1];
	p0 =	sne.s32 s2, $0x0  }
0x6d: {  	s3 =	rddreg [dreg:$0x2];
	[bflag:$0x3] =	sbarrier.arrive $0xFFFF;
	s2 =	simm.s32 @!p0 $0x1C03  }
0x6e: {  	[timem:s3], [sflag:s2] =	dma.local @!p0 [hbm:s0], s1  }
0x6f: {  	s0 =	simm.s32 @!p0 $0x3  }
0x70: {  	_ =	swait.ge @!p0 [sflag:s0], s1  }
0x71: {  	s1 =	ssub.s32 @!p0 $0x0, s1;
	[sflag:s0] =	ssyncset.done @!p0 $0x0  }
0x72: {  	[sflag:s0] =	ssyncadd.s32 @!p0 s1  }
0x73: {  	[bflag:$0x3] =	sbarrier.arrive $0xFFFF  }
0x74: {  	_ =	shalt  }

</sc_bundles>
